<compile_context>
chip_gen: v7x
topology: tpu7x:2x2x1
jax: 0.10.2.dev20260603
libtpu: 0.0.44.dev20260713+nightly
codegen_flags: <defaults>
</compile_context>

<pallas_src>
import dataclasses
import functools

import jax
import jax.numpy as jnp
from jax import lax
from jax.experimental import pallas as pl
from jax.experimental.pallas import tpu as pltpu
from jax.experimental.pallas import tpu_sc as plsc

B = 16384
D = 128
NC, NS = 2, 16
NW = NC * NS
BPW = B // NW
CH = 128
NCH = BPW // CH
L = 16
_BREV4 = [int(f"{i:04b}"[::-1], 2) for i in range(16)]

_DNUMS = lax.GatherDimensionNumbers(
    offset_dims=(), collapsed_slice_dims=(0,), start_index_map=(0,))


def _take16(x, idx):
    return lax.gather(x, idx[:, None], _DNUMS, (1,),
                      mode=lax.GatherScatterMode.PROMISE_IN_BOUNDS)

_mesh = plsc.VectorSubcoreMesh(core_axis_name="c", subcore_axis_name="s")

_cp = pltpu.CompilerParams()


@functools.partial(
    pl.kernel,
    compiler_params=_cp,
    out_type=jax.ShapeDtypeStruct((B,), jnp.float32),
    mesh=_mesh,
    scratch_types=[
        pltpu.VMEM((BPW,), jnp.int32),
        pltpu.VMEM((BPW,), jnp.int32),
        pltpu.VMEM((CH, D), jnp.float32),
        pltpu.VMEM((CH, D), jnp.float32),
        pltpu.VMEM((CH, D), jnp.float32),
        pltpu.VMEM((CH, D), jnp.float32),
        pltpu.VMEM((BPW,), jnp.float32),
        pltpu.VMEM((CH, L), jnp.float32),
        pltpu.SemaphoreType.DMA,
        pltpu.SemaphoreType.DMA,
    ],
)
def _sc_mf(uidx_hbm, iidx_hbm, utab_hbm, itab_hbm, out_hbm,
           idx_u, idx_i, u0, u1, v0, v1, ob, part, sem0, sem1):
    wid = lax.axis_index("s") * NC + lax.axis_index("c")
    base = wid * BPW
    pltpu.sync_copy(uidx_hbm.at[pl.ds(base, BPW)], idx_u)
    pltpu.sync_copy(iidx_hbm.at[pl.ds(base, BPW)], idx_i)

    bufs = ((u0, v0, sem0), (u1, v1, sem1))
    lanes = lax.iota(jnp.int32, L)

    def start(ck, slot):
        ub, vb, sem = bufs[slot]
        cu = pltpu.async_copy(
            utab_hbm.at[idx_u.at[pl.ds(ck * CH, CH)]], ub, sem)
        cv = pltpu.async_copy(
            itab_hbm.at[idx_i.at[pl.ds(ck * CH, CH)]], vb, sem)
        return cu, cv

    def hsum16(rows):
        vs = [rows[_BREV4[i]] for i in range(L)]
        for half in (8, 4, 2, 1):
            idx = lanes ^ half
            mask = (lanes & half) != 0
            nxt = []
            for k in range(0, len(vs), 2):
                a, b = vs[k], vs[k + 1]
                fa = a + _take16(a, idx)
                fb = b + _take16(b, idx)
                nxt.append(
                    jnp.where(mask, _take16(fb, idx),
                              fa))
            vs = nxt
        return vs[0]

    def compute(ck, slot):
        ub, vb, _ = bufs[slot]

        @pl.loop(0, CH)
        def _(r):
            prods = [
                ub[r, pl.ds(j * L, L)] * vb[r, pl.ds(j * L, L)]
                for j in range(D // L)
            ]
            while len(prods) > 1:
                prods = [
                    prods[k] + prods[k + 1]
                    for k in range(0, len(prods), 2)
                ]
            part[r, :] = prods[0]

        @pl.loop(0, CH // L)
        def _(g):
            accs = [part[g * L + i, :] for i in range(L)]
            ob[pl.ds(ck * CH + g * L, L)] = hsum16(accs)

    pending = {0: start(0, 0)}
    for ck in range(NCH):
        if ck + 1 < NCH:
            pending[ck + 1] = start(ck + 1, (ck + 1) % 2)
        for c in pending.pop(ck):
            c.wait()
        compute(ck, ck % 2)

    pltpu.sync_copy(ob, out_hbm.at[pl.ds(base, BPW)])


def kernel(x, user_embedding, item_embedding):
    uidx = x[:, 0].astype(jnp.int32)
    iidx = x[:, 1].astype(jnp.int32)
    return _sc_mf(uidx, iidx, user_embedding, item_embedding)

# --- scband reference (transcript-rebuilt; emitter-appended) ---
"""Pipeline reference for scband-mf-26439818674727 (READ-ONLY COPY).

The authoritative reference and input builder live on the scoring server;
editing this copy changes nothing except your own understanding.
"""

import jax, jax.numpy as jnp
import numpy as np

NUM_USERS = 1000000
NUM_ITEMS = 1000000
N_FACTORS = 128
BATCH = 16384

def setup_inputs(seed: int = 0) -> dict:
    key = jax.random.key(seed)
    k_x, k_u, k_i = jax.random.split(key, 3)
    x = jax.random.randint(k_x, (BATCH, 2), 0, NUM_USERS, dtype=jnp.int64)
    user_embedding = jax.random.normal(k_u, (NUM_USERS, N_FACTORS), dtype=jnp.float32)
    item_embedding = jax.random.normal(k_i, (NUM_ITEMS, N_FACTORS), dtype=jnp.float32)
    return {"x": x, "user_embedding": user_embedding, "item_embedding": item_embedding}

def reference(x, user_embedding, item_embedding):
    user = x[:, 0]
    item = x[:, 1]
    u = jnp.take(user_embedding, user, axis=0)
    v = jnp.take(item_embedding, item, axis=0)
    return (u * v).sum(axis=1)

if __name__ == "__main__":
    import jax
    _d = setup_inputs()
    print(jax.jit(kernel)(*tuple(_d.values())))

</pallas_src>

<mosaic_0001>
#map = affine_map<(d0, d1) -> (0)>
#map1 = affine_map<(d0, d1) -> (0, 0)>
module attributes {stable_mosaic.version = 14 : i64} {
  func.func @_sc_mf(%arg0: i32, %arg1: i32, %arg2: memref<16384xi32, #tpu.memory_space<hbm>>, %arg3: memref<16384xi32, #tpu.memory_space<hbm>>, %arg4: memref<1000000x128xf32, #tpu.memory_space<hbm>>, %arg5: memref<1000000x128xf32, #tpu.memory_space<hbm>>, %arg6: memref<16384xf32, #tpu.memory_space<hbm>>, %arg7: memref<512xi32, #tpu.memory_space<vmem>>, %arg8: memref<512xi32, #tpu.memory_space<vmem>>, %arg9: memref<128x128xf32, #tpu.memory_space<vmem>>, %arg10: memref<128x128xf32, #tpu.memory_space<vmem>>, %arg11: memref<128x128xf32, #tpu.memory_space<vmem>>, %arg12: memref<128x128xf32, #tpu.memory_space<vmem>>, %arg13: memref<512xf32, #tpu.memory_space<vmem>>, %arg14: memref<128x16xf32, #tpu.memory_space<vmem>>, %arg15: memref<!tpu.dma_semaphore, #tpu.memory_space<semaphore_mem>>, %arg16: memref<!tpu.dma_semaphore, #tpu.memory_space<semaphore_mem>>) attributes {dimension_semantics = [#tpu.dimension_semantics<core_parallel>, #tpu.dimension_semantics<subcore_parallel>], iteration_bounds = array<i64: 2, 16>, scalar_prefetch = 0 : i64, scratch_operands = 10 : i64, tpu.core_type = #tpu.core_type<sc_vector_subcore>, window_params = [{transform_indices = #map}, {transform_indices = #map}, {transform_indices = #map1}, {transform_indices = #map1}, {transform_indices = #map}]} {
    %mul3A = arith.constant 2 : i32
    %mul3A_0 = arith.muli %arg1, %mul3A : i32
    %add3A = arith.addi %mul3A_0, %arg0 : i32
    %mul3A_1 = arith.constant 512 : i32
    %mul3A_2 = arith.muli %add3A, %mul3A_1 : i32
    "tpu.region"() ({
      %run_scoped3A = tpu.sem_alloc : memref<!tpu.dma_semaphore, #tpu.memory_space<semaphore_mem>>
      %dma_start3A_120 = tpu.memref_slice %arg2[%mul3A_2] : memref<16384xi32, #tpu.memory_space<hbm>> -> memref<512xi32, #tpu.memory_space<hbm>>
      %dma_start3A_121 = tpu.memref_slice %arg2[%mul3A_2] : memref<16384xi32, #tpu.memory_space<hbm>> -> memref<512xi32, #tpu.memory_space<hbm>>
      tpu.enqueue_dma source(%dma_start3A_121 : memref<512xi32, #tpu.memory_space<hbm>>) target(%arg7 : memref<512xi32, #tpu.memory_space<vmem>>) target_semaphore(%run_scoped3A : memref<!tpu.dma_semaphore, #tpu.memory_space<semaphore_mem>>)
      %dma_wait3A_122 = tpu.memref_slice %arg2[%mul3A_2] : memref<16384xi32, #tpu.memory_space<hbm>> -> memref<512xi32, #tpu.memory_space<hbm>>
      %dma_wait3A_123 = tpu.memref_slice %arg2[%mul3A_2] : memref<16384xi32, #tpu.memory_space<hbm>> -> memref<512xi32, #tpu.memory_space<hbm>>
      tpu.wait_dma2 semaphore(%run_scoped3A : memref<!tpu.dma_semaphore, #tpu.memory_space<semaphore_mem>>) src(%dma_wait3A_123 : memref<512xi32, #tpu.memory_space<hbm>>) dst(%arg7 : memref<512xi32, #tpu.memory_space<vmem>>)
      tpu.yield
    }) : () -> ()
    "tpu.region"() ({
      %run_scoped3A = tpu.sem_alloc : memref<!tpu.dma_semaphore, #tpu.memory_space<semaphore_mem>>
      %dma_start3A_120 = tpu.memref_slice %arg3[%mul3A_2] : memref<16384xi32, #tpu.memory_space<hbm>> -> memref<512xi32, #tpu.memory_space<hbm>>
      %dma_start3A_121 = tpu.memref_slice %arg3[%mul3A_2] : memref<16384xi32, #tpu.memory_space<hbm>> -> memref<512xi32, #tpu.memory_space<hbm>>
      tpu.enqueue_dma source(%dma_start3A_121 : memref<512xi32, #tpu.memory_space<hbm>>) target(%arg8 : memref<512xi32, #tpu.memory_space<vmem>>) target_semaphore(%run_scoped3A : memref<!tpu.dma_semaphore, #tpu.memory_space<semaphore_mem>>)
      %dma_wait3A_122 = tpu.memref_slice %arg3[%mul3A_2] : memref<16384xi32, #tpu.memory_space<hbm>> -> memref<512xi32, #tpu.memory_space<hbm>>
      %dma_wait3A_123 = tpu.memref_slice %arg3[%mul3A_2] : memref<16384xi32, #tpu.memory_space<hbm>> -> memref<512xi32, #tpu.memory_space<hbm>>
      tpu.wait_dma2 semaphore(%run_scoped3A : memref<!tpu.dma_semaphore, #tpu.memory_space<semaphore_mem>>) src(%dma_wait3A_123 : memref<512xi32, #tpu.memory_space<hbm>>) dst(%arg8 : memref<512xi32, #tpu.memory_space<vmem>>)
      tpu.yield
    }) : () -> ()
    %iota3A = tpu.iota {dimensions = array<i32: 0>} : vector<16xi32>
    %dma_start3A = arith.constant 0 : i32
    %dma_start3A_3 = tpu.memref_slice %arg7[%dma_start3A] : memref<512xi32, #tpu.memory_space<vmem>> -> memref<128xi32, #tpu.memory_space<vmem>>
    %dma_start3A_4 = arith.constant 0 : i32
    %dma_start3A_5 = arith.constant 0 : i32
    %dma_start3A_6 = tpu.memref_slice %arg4[%dma_start3A_4, %dma_start3A_5] : memref<1000000x128xf32, #tpu.memory_space<hbm>> -> memref<1000000x128xf32, #tpu.memory_space<hbm>>
    tpu.enqueue_indirect_dma source(%dma_start3A_6 : memref<1000000x128xf32, #tpu.memory_space<hbm>>) target(%arg9 : memref<128x128xf32, #tpu.memory_space<vmem>>) offsets(%dma_start3A_3 : memref<128xi32, #tpu.memory_space<vmem>>) semaphore(%arg15 : memref<!tpu.dma_semaphore, #tpu.memory_space<semaphore_mem>>)
    %dma_start3A_7 = arith.constant 0 : i32
    %dma_start3A_8 = tpu.memref_slice %arg8[%dma_start3A_7] : memref<512xi32, #tpu.memory_space<vmem>> -> memref<128xi32, #tpu.memory_space<vmem>>
    %dma_start3A_9 = arith.constant 0 : i32
    %dma_start3A_10 = arith.constant 0 : i32
    %dma_start3A_11 = tpu.memref_slice %arg5[%dma_start3A_9, %dma_start3A_10] : memref<1000000x128xf32, #tpu.memory_space<hbm>> -> memref<1000000x128xf32, #tpu.memory_space<hbm>>
    tpu.enqueue_indirect_dma source(%dma_start3A_11 : memref<1000000x128xf32, #tpu.memory_space<hbm>>) target(%arg11 : memref<128x128xf32, #tpu.memory_space<vmem>>) offsets(%dma_start3A_8 : memref<128xi32, #tpu.memory_space<vmem>>) semaphore(%arg15 : memref<!tpu.dma_semaphore, #tpu.memory_space<semaphore_mem>>)
    %dma_start3A_12 = arith.constant 128 : i32
    %dma_start3A_13 = tpu.memref_slice %arg7[%dma_start3A_12] : memref<512xi32, #tpu.memory_space<vmem>> -> memref<128xi32, #tpu.memory_space<vmem>>
    %dma_start3A_14 = arith.constant 0 : i32
    %dma_start3A_15 = arith.constant 0 : i32
    %dma_start3A_16 = tpu.memref_slice %arg4[%dma_start3A_14, %dma_start3A_15] : memref<1000000x128xf32, #tpu.memory_space<hbm>> -> memref<1000000x128xf32, #tpu.memory_space<hbm>>
    tpu.enqueue_indirect_dma source(%dma_start3A_16 : memref<1000000x128xf32, #tpu.memory_space<hbm>>) target(%arg10 : memref<128x128xf32, #tpu.memory_space<vmem>>) offsets(%dma_start3A_13 : memref<128xi32, #tpu.memory_space<vmem>>) semaphore(%arg16 : memref<!tpu.dma_semaphore, #tpu.memory_space<semaphore_mem>>)
    %dma_start3A_17 = arith.constant 128 : i32
    %dma_start3A_18 = tpu.memref_slice %arg8[%dma_start3A_17] : memref<512xi32, #tpu.memory_space<vmem>> -> memref<128xi32, #tpu.memory_space<vmem>>
    %dma_start3A_19 = arith.constant 0 : i32
    %dma_start3A_20 = arith.constant 0 : i32
    %dma_start3A_21 = tpu.memref_slice %arg5[%dma_start3A_19, %dma_start3A_20] : memref<1000000x128xf32, #tpu.memory_space<hbm>> -> memref<1000000x128xf32, #tpu.memory_space<hbm>>
    tpu.enqueue_indirect_dma source(%dma_start3A_21 : memref<1000000x128xf32, #tpu.memory_space<hbm>>) target(%arg12 : memref<128x128xf32, #tpu.memory_space<vmem>>) offsets(%dma_start3A_18 : memref<128xi32, #tpu.memory_space<vmem>>) semaphore(%arg16 : memref<!tpu.dma_semaphore, #tpu.memory_space<semaphore_mem>>)
    %dma_wait3A = arith.constant 0 : i32
    %dma_wait3A_22 = tpu.memref_slice %arg7[%dma_wait3A] : memref<512xi32, #tpu.memory_space<vmem>> -> memref<128xi32, #tpu.memory_space<vmem>>
    %dma_wait3A_23 = arith.constant 0 : i32
    %dma_wait3A_24 = arith.constant 0 : i32
    %dma_wait3A_25 = tpu.memref_slice %arg4[%dma_wait3A_23, %dma_wait3A_24] : memref<1000000x128xf32, #tpu.memory_space<hbm>> -> memref<1000000x128xf32, #tpu.memory_space<hbm>>
    tpu.wait_indirect_dma semaphore(%arg15 : memref<!tpu.dma_semaphore, #tpu.memory_space<semaphore_mem>>) src(%dma_wait3A_25 : memref<1000000x128xf32, #tpu.memory_space<hbm>>) dst(%arg9 : memref<128x128xf32, #tpu.memory_space<vmem>>)
    %dma_wait3A_26 = arith.constant 0 : i32
    %dma_wait3A_27 = tpu.memref_slice %arg8[%dma_wait3A_26] : memref<512xi32, #tpu.memory_space<vmem>> -> memref<128xi32, #tpu.memory_space<vmem>>
    %dma_wait3A_28 = arith.constant 0 : i32
    %dma_wait3A_29 = arith.constant 0 : i32
    %dma_wait3A_30 = tpu.memref_slice %arg5[%dma_wait3A_28, %dma_wait3A_29] : memref<1000000x128xf32, #tpu.memory_space<hbm>> -> memref<1000000x128xf32, #tpu.memory_space<hbm>>
    tpu.wait_indirect_dma semaphore(%arg15 : memref<!tpu.dma_semaphore, #tpu.memory_space<semaphore_mem>>) src(%dma_wait3A_30 : memref<1000000x128xf32, #tpu.memory_space<hbm>>) dst(%arg11 : memref<128x128xf32, #tpu.memory_space<vmem>>)
    %scan3A = arith.constant 0 : i32
    %scan3A_31 = arith.constant 128 : i32
    %scan3A_32 = arith.addi %scan3A, %scan3A_31 : i32
    %scan3A_33 = arith.constant 1 : i32
    scf.for %scan3A_120 = %scan3A to %scan3A_32 step %scan3A_33  : i32 {
      %mul3A_121 = arith.constant 1 : i32
      %mul3A_122 = arith.muli %scan3A_120, %mul3A_121 : i32
      %add3A_123 = arith.constant 0 : i32
      %add3A_124 = arith.addi %add3A_123, %mul3A_122 : i32
      %get3A = arith.index_cast %add3A_124 : i32 to index
      %get3A_125 = arith.constant 0 : index
      %get3A_126 = tpu.vector_load %arg9[%get3A, %get3A_125] {strides = array<i32>} : memref<128x128xf32, #tpu.memory_space<vmem>>, vector<1x16xf32>,
      %get3A_127 = vector.shape_cast %get3A_126 : vector<1x16xf32> to vector<16xf32>
      %get3A_128 = arith.index_cast %add3A_124 : i32 to index
      %get3A_129 = arith.constant 0 : index
      %get3A_130 = tpu.vector_load %arg11[%get3A_128, %get3A_129] {strides = array<i32>} : memref<128x128xf32, #tpu.memory_space<vmem>>, vector<1x16xf32>,
      %get3A_131 = vector.shape_cast %get3A_130 : vector<1x16xf32> to vector<16xf32>
      %mul3A_132 = arith.mulf %get3A_127, %get3A_131 : vector<16xf32>
      %get3A_133 = arith.index_cast %add3A_124 : i32 to index
      %get3A_134 = arith.constant 16 : index
      %get3A_135 = tpu.vector_load %arg9[%get3A_133, %get3A_134] {strides = array<i32>} : memref<128x128xf32, #tpu.memory_space<vmem>>, vector<1x16xf32>,
      %get3A_136 = vector.shape_cast %get3A_135 : vector<1x16xf32> to vector<16xf32>
      %get3A_137 = arith.index_cast %add3A_124 : i32 to index
      %get3A_138 = arith.constant 16 : index
      %get3A_139 = tpu.vector_load %arg11[%get3A_137, %get3A_138] {strides = array<i32>} : memref<128x128xf32, #tpu.memory_space<vmem>>, vector<1x16xf32>,
      %get3A_140 = vector.shape_cast %get3A_139 : vector<1x16xf32> to vector<16xf32>
      %mul3A_141 = arith.mulf %get3A_136, %get3A_140 : vector<16xf32>
      %get3A_142 = arith.index_cast %add3A_124 : i32 to index
      %get3A_143 = arith.constant 32 : index
      %get3A_144 = tpu.vector_load %arg9[%get3A_142, %get3A_143] {strides = array<i32>} : memref<128x128xf32, #tpu.memory_space<vmem>>, vector<1x16xf32>,
      %get3A_145 = vector.shape_cast %get3A_144 : vector<1x16xf32> to vector<16xf32>
      %get3A_146 = arith.index_cast %add3A_124 : i32 to index
      %get3A_147 = arith.constant 32 : index
      %get3A_148 = tpu.vector_load %arg11[%get3A_146, %get3A_147] {strides = array<i32>} : memref<128x128xf32, #tpu.memory_space<vmem>>, vector<1x16xf32>,
      %get3A_149 = vector.shape_cast %get3A_148 : vector<1x16xf32> to vector<16xf32>
      %mul3A_150 = arith.mulf %get3A_145, %get3A_149 : vector<16xf32>
      %get3A_151 = arith.index_cast %add3A_124 : i32 to index
      %get3A_152 = arith.constant 48 : index
      %get3A_153 = tpu.vector_load %arg9[%get3A_151, %get3A_152] {strides = array<i32>} : memref<128x128xf32, #tpu.memory_space<vmem>>, vector<1x16xf32>,
      %get3A_154 = vector.shape_cast %get3A_153 : vector<1x16xf32> to vector<16xf32>
      %get3A_155 = arith.index_cast %add3A_124 : i32 to index
      %get3A_156 = arith.constant 48 : index
      %get3A_157 = tpu.vector_load %arg11[%get3A_155, %get3A_156] {strides = array<i32>} : memref<128x128xf32, #tpu.memory_space<vmem>>, vector<1x16xf32>,
      %get3A_158 = vector.shape_cast %get3A_157 : vector<1x16xf32> to vector<16xf32>
      %mul3A_159 = arith.mulf %get3A_154, %get3A_158 : vector<16xf32>
      %get3A_160 = arith.index_cast %add3A_124 : i32 to index
      %get3A_161 = arith.constant 64 : index
      %get3A_162 = tpu.vector_load %arg9[%get3A_160, %get3A_161] {strides = array<i32>} : memref<128x128xf32, #tpu.memory_space<vmem>>, vector<1x16xf32>,
      %get3A_163 = vector.shape_cast %get3A_162 : vector<1x16xf32> to vector<16xf32>
      %get3A_164 = arith.index_cast %add3A_124 : i32 to index
      %get3A_165 = arith.constant 64 : index
      %get3A_166 = tpu.vector_load %arg11[%get3A_164, %get3A_165] {strides = array<i32>} : memref<128x128xf32, #tpu.memory_space<vmem>>, vector<1x16xf32>,
      %get3A_167 = vector.shape_cast %get3A_166 : vector<1x16xf32> to vector<16xf32>
      %mul3A_168 = arith.mulf %get3A_163, %get3A_167 : vector<16xf32>
      %get3A_169 = arith.index_cast %add3A_124 : i32 to index
      %get3A_170 = arith.constant 80 : index
      %get3A_171 = tpu.vector_load %arg9[%get3A_169, %get3A_170] {strides = array<i32>} : memref<128x128xf32, #tpu.memory_space<vmem>>, vector<1x16xf32>,
      %get3A_172 = vector.shape_cast %get3A_171 : vector<1x16xf32> to vector<16xf32>
      %get3A_173 = arith.index_cast %add3A_124 : i32 to index
      %get3A_174 = arith.constant 80 : index
      %get3A_175 = tpu.vector_load %arg11[%get3A_173, %get3A_174] {strides = array<i32>} : memref<128x128xf32, #tpu.memory_space<vmem>>, vector<1x16xf32>,
      %get3A_176 = vector.shape_cast %get3A_175 : vector<1x16xf32> to vector<16xf32>
      %mul3A_177 = arith.mulf %get3A_172, %get3A_176 : vector<16xf32>
      %get3A_178 = arith.index_cast %add3A_124 : i32 to index
      %get3A_179 = arith.constant 96 : index
      %get3A_180 = tpu.vector_load %arg9[%get3A_178, %get3A_179] {strides = array<i32>} : memref<128x128xf32, #tpu.memory_space<vmem>>, vector<1x16xf32>,
      %get3A_181 = vector.shape_cast %get3A_180 : vector<1x16xf32> to vector<16xf32>
      %get3A_182 = arith.index_cast %add3A_124 : i32 to index
      %get3A_183 = arith.constant 96 : index
      %get3A_184 = tpu.vector_load %arg11[%get3A_182, %get3A_183] {strides = array<i32>} : memref<128x128xf32, #tpu.memory_space<vmem>>, vector<1x16xf32>,
      %get3A_185 = vector.shape_cast %get3A_184 : vector<1x16xf32> to vector<16xf32>
      %mul3A_186 = arith.mulf %get3A_181, %get3A_185 : vector<16xf32>
      %get3A_187 = arith.index_cast %add3A_124 : i32 to index
      %get3A_188 = arith.constant 112 : index
      %get3A_189 = tpu.vector_load %arg9[%get3A_187, %get3A_188] {strides = array<i32>} : memref<128x128xf32, #tpu.memory_space<vmem>>, vector<1x16xf32>,
      %get3A_190 = vector.shape_cast %get3A_189 : vector<1x16xf32> to vector<16xf32>
      %get3A_191 = arith.index_cast %add3A_124 : i32 to index
      %get3A_192 = arith.constant 112 : index
      %get3A_193 = tpu.vector_load %arg11[%get3A_191, %get3A_192] {strides = array<i32>} : memref<128x128xf32, #tpu.memory_space<vmem>>, vector<1x16xf32>,
      %get3A_194 = vector.shape_cast %get3A_193 : vector<1x16xf32> to vector<16xf32>
      %mul3A_195 = arith.mulf %get3A_190, %get3A_194 : vector<16xf32>
      %add3A_196 = arith.addf %mul3A_132, %mul3A_141 : vector<16xf32>
      %add3A_197 = arith.addf %mul3A_150, %mul3A_159 : vector<16xf32>
      %add3A_198 = arith.addf %mul3A_168, %mul3A_177 : vector<16xf32>
      %add3A_199 = arith.addf %mul3A_186, %mul3A_195 : vector<16xf32>
      %add3A_200 = arith.addf %add3A_196, %add3A_197 : vector<16xf32>
      %add3A_201 = arith.addf %add3A_198, %add3A_199 : vector<16xf32>
      %add3A_202 = arith.addf %add3A_200, %add3A_201 : vector<16xf32>
      %swap3A = arith.index_cast %add3A_124 : i32 to index
      %swap3A_203 = arith.constant 0 : index
      %swap3A_204 = tpu.vector_load %arg14[%swap3A, %swap3A_203] {strides = array<i32>} : memref<128x16xf32, #tpu.memory_space<vmem>>, vector<1x16xf32>,
      %swap3A_205 = vector.shape_cast %swap3A_204 : vector<1x16xf32> to vector<16xf32>
      %swap3A_206 = vector.shape_cast %add3A_202 : vector<16xf32> to vector<1x16xf32>
      tpu.vector_store %arg14[%swap3A, %swap3A_203], %swap3A_206 {strides = array<i32>} : memref<128x16xf32, #tpu.memory_space<vmem>>, vector<1x16xf32>,
    }
    %scan3A_34 = arith.constant 128 : i32
    %scan3A_35 = arith.constant 0 : i32
    %scan3A_36 = arith.constant 8 : i32
    %scan3A_37 = arith.addi %scan3A_35, %scan3A_36 : i32
    %scan3A_38 = arith.constant 1 : i32
    scf.for %scan3A_120 = %scan3A_35 to %scan3A_37 step %scan3A_38  : i32 {
      %mul3A_121 = arith.constant 1 : i32
      %mul3A_122 = arith.muli %scan3A_120, %mul3A_121 : i32
      %add3A_123 = arith.constant 0 : i32
      %add3A_124 = arith.addi %add3A_123, %mul3A_122 : i32
      %mul3A_125 = arith.constant 16 : i32
      %mul3A_126 = arith.muli %add3A_124, %mul3A_125 : i32
      %add3A_127 = arith.constant 0 : i32
      %add3A_128 = arith.addi %mul3A_126, %add3A_127 : i32
      %get3A = arith.index_cast %add3A_128 : i32 to index
      %get3A_129 = arith.constant 0 : index
      %get3A_130 = tpu.vector_load %arg14[%get3A, %get3A_129] {strides = array<i32>} : memref<128x16xf32, #tpu.memory_space<vmem>>, vector<1x16xf32>,
      %get3A_131 = vector.shape_cast %get3A_130 : vector<1x16xf32> to vector<16xf32>
      %mul3A_132 = arith.constant 16 : i32
      %mul3A_133 = arith.muli %add3A_124, %mul3A_132 : i32
      %add3A_134 = arith.constant 1 : i32
      %add3A_135 = arith.addi %mul3A_133, %add3A_134 : i32
      %get3A_136 = arith.index_cast %add3A_135 : i32 to index
      %get3A_137 = arith.constant 0 : index
      %get3A_138 = tpu.vector_load %arg14[%get3A_136, %get3A_137] {strides = array<i32>} : memref<128x16xf32, #tpu.memory_space<vmem>>, vector<1x16xf32>,
      %get3A_139 = vector.shape_cast %get3A_138 : vector<1x16xf32> to vector<16xf32>
      %mul3A_140 = arith.constant 16 : i32
      %mul3A_141 = arith.muli %add3A_124, %mul3A_140 : i32
      %add3A_142 = arith.constant 2 : i32
      %add3A_143 = arith.addi %mul3A_141, %add3A_142 : i32
      %get3A_144 = arith.index_cast %add3A_143 : i32 to index
      %get3A_145 = arith.constant 0 : index
      %get3A_146 = tpu.vector_load %arg14[%get3A_144, %get3A_145] {strides = array<i32>} : memref<128x16xf32, #tpu.memory_space<vmem>>, vector<1x16xf32>,
      %get3A_147 = vector.shape_cast %get3A_146 : vector<1x16xf32> to vector<16xf32>
      %mul3A_148 = arith.constant 16 : i32
      %mul3A_149 = arith.muli %add3A_124, %mul3A_148 : i32
      %add3A_150 = arith.constant 3 : i32
      %add3A_151 = arith.addi %mul3A_149, %add3A_150 : i32
      %get3A_152 = arith.index_cast %add3A_151 : i32 to index
      %get3A_153 = arith.constant 0 : index
      %get3A_154 = tpu.vector_load %arg14[%get3A_152, %get3A_153] {strides = array<i32>} : memref<128x16xf32, #tpu.memory_space<vmem>>, vector<1x16xf32>,
      %get3A_155 = vector.shape_cast %get3A_154 : vector<1x16xf32> to vector<16xf32>
      %mul3A_156 = arith.constant 16 : i32
      %mul3A_157 = arith.muli %add3A_124, %mul3A_156 : i32
      %add3A_158 = arith.constant 4 : i32
      %add3A_159 = arith.addi %mul3A_157, %add3A_158 : i32
      %get3A_160 = arith.index_cast %add3A_159 : i32 to index
      %get3A_161 = arith.constant 0 : index
      %get3A_162 = tpu.vector_load %arg14[%get3A_160, %get3A_161] {strides = array<i32>} : memref<128x16xf32, #tpu.memory_space<vmem>>, vector<1x16xf32>,
      %get3A_163 = vector.shape_cast %get3A_162 : vector<1x16xf32> to vector<16xf32>
      %mul3A_164 = arith.constant 16 : i32
      %mul3A_165 = arith.muli %add3A_124, %mul3A_164 : i32
      %add3A_166 = arith.constant 5 : i32
      %add3A_167 = arith.addi %mul3A_165, %add3A_166 : i32
      %get3A_168 = arith.index_cast %add3A_167 : i32 to index
      %get3A_169 = arith.constant 0 : index
      %get3A_170 = tpu.vector_load %arg14[%get3A_168, %get3A_169] {strides = array<i32>} : memref<128x16xf32, #tpu.memory_space<vmem>>, vector<1x16xf32>,
      %get3A_171 = vector.shape_cast %get3A_170 : vector<1x16xf32> to vector<16xf32>
      %mul3A_172 = arith.constant 16 : i32
      %mul3A_173 = arith.muli %add3A_124, %mul3A_172 : i32
      %add3A_174 = arith.constant 6 : i32
      %add3A_175 = arith.addi %mul3A_173, %add3A_174 : i32
      %get3A_176 = arith.index_cast %add3A_175 : i32 to index
      %get3A_177 = arith.constant 0 : index
      %get3A_178 = tpu.vector_load %arg14[%get3A_176, %get3A_177] {strides = array<i32>} : memref<128x16xf32, #tpu.memory_space<vmem>>, vector<1x16xf32>,
      %get3A_179 = vector.shape_cast %get3A_178 : vector<1x16xf32> to vector<16xf32>
      %mul3A_180 = arith.constant 16 : i32
      %mul3A_181 = arith.muli %add3A_124, %mul3A_180 : i32
      %add3A_182 = arith.constant 7 : i32
      %add3A_183 = arith.addi %mul3A_181, %add3A_182 : i32
      %get3A_184 = arith.index_cast %add3A_183 : i32 to index
      %get3A_185 = arith.constant 0 : index
      %get3A_186 = tpu.vector_load %arg14[%get3A_184, %get3A_185] {strides = array<i32>} : memref<128x16xf32, #tpu.memory_space<vmem>>, vector<1x16xf32>,
      %get3A_187 = vector.shape_cast %get3A_186 : vector<1x16xf32> to vector<16xf32>
      %mul3A_188 = arith.constant 16 : i32
      %mul3A_189 = arith.muli %add3A_124, %mul3A_188 : i32
      %add3A_190 = arith.constant 8 : i32
      %add3A_191 = arith.addi %mul3A_189, %add3A_190 : i32
      %get3A_192 = arith.index_cast %add3A_191 : i32 to index
      %get3A_193 = arith.constant 0 : index
      %get3A_194 = tpu.vector_load %arg14[%get3A_192, %get3A_193] {strides = array<i32>} : memref<128x16xf32, #tpu.memory_space<vmem>>, vector<1x16xf32>,
      %get3A_195 = vector.shape_cast %get3A_194 : vector<1x16xf32> to vector<16xf32>
      %mul3A_196 = arith.constant 16 : i32
      %mul3A_197 = arith.muli %add3A_124, %mul3A_196 : i32
      %add3A_198 = arith.constant 9 : i32
      %add3A_199 = arith.addi %mul3A_197, %add3A_198 : i32
      %get3A_200 = arith.index_cast %add3A_199 : i32 to index
      %get3A_201 = arith.constant 0 : index
      %get3A_202 = tpu.vector_load %arg14[%get3A_200, %get3A_201] {strides = array<i32>} : memref<128x16xf32, #tpu.memory_space<vmem>>, vector<1x16xf32>,
      %get3A_203 = vector.shape_cast %get3A_202 : vector<1x16xf32> to vector<16xf32>
      %mul3A_204 = arith.constant 16 : i32
      %mul3A_205 = arith.muli %add3A_124, %mul3A_204 : i32
      %add3A_206 = arith.constant 10 : i32
      %add3A_207 = arith.addi %mul3A_205, %add3A_206 : i32
      %get3A_208 = arith.index_cast %add3A_207 : i32 to index
      %get3A_209 = arith.constant 0 : index
      %get3A_210 = tpu.vector_load %arg14[%get3A_208, %get3A_209] {strides = array<i32>} : memref<128x16xf32, #tpu.memory_space<vmem>>, vector<1x16xf32>,
      %get3A_211 = vector.shape_cast %get3A_210 : vector<1x16xf32> to vector<16xf32>
      %mul3A_212 = arith.constant 16 : i32
      %mul3A_213 = arith.muli %add3A_124, %mul3A_212 : i32
      %add3A_214 = arith.constant 11 : i32
      %add3A_215 = arith.addi %mul3A_213, %add3A_214 : i32
      %get3A_216 = arith.index_cast %add3A_215 : i32 to index
      %get3A_217 = arith.constant 0 : index
      %get3A_218 = tpu.vector_load %arg14[%get3A_216, %get3A_217] {strides = array<i32>} : memref<128x16xf32, #tpu.memory_space<vmem>>, vector<1x16xf32>,
      %get3A_219 = vector.shape_cast %get3A_218 : vector<1x16xf32> to vector<16xf32>
      %mul3A_220 = arith.constant 16 : i32
      %mul3A_221 = arith.muli %add3A_124, %mul3A_220 : i32
      %add3A_222 = arith.constant 12 : i32
      %add3A_223 = arith.addi %mul3A_221, %add3A_222 : i32
      %get3A_224 = arith.index_cast %add3A_223 : i32 to index
      %get3A_225 = arith.constant 0 : index
      %get3A_226 = tpu.vector_load %arg14[%get3A_224, %get3A_225] {strides = array<i32>} : memref<128x16xf32, #tpu.memory_space<vmem>>, vector<1x16xf32>,
      %get3A_227 = vector.shape_cast %get3A_226 : vector<1x16xf32> to vector<16xf32>
      %mul3A_228 = arith.constant 16 : i32
      %mul3A_229 = arith.muli %add3A_124, %mul3A_228 : i32
      %add3A_230 = arith.constant 13 : i32
      %add3A_231 = arith.addi %mul3A_229, %add3A_230 : i32
      %get3A_232 = arith.index_cast %add3A_231 : i32 to index
      %get3A_233 = arith.constant 0 : index
      %get3A_234 = tpu.vector_load %arg14[%get3A_232, %get3A_233] {strides = array<i32>} : memref<128x16xf32, #tpu.memory_space<vmem>>, vector<1x16xf32>,
      %get3A_235 = vector.shape_cast %get3A_234 : vector<1x16xf32> to vector<16xf32>
      %mul3A_236 = arith.constant 16 : i32
      %mul3A_237 = arith.muli %add3A_124, %mul3A_236 : i32
      %add3A_238 = arith.constant 14 : i32
      %add3A_239 = arith.addi %mul3A_237, %add3A_238 : i32
      %get3A_240 = arith.index_cast %add3A_239 : i32 to index
      %get3A_241 = arith.constant 0 : index
      %get3A_242 = tpu.vector_load %arg14[%get3A_240, %get3A_241] {strides = array<i32>} : memref<128x16xf32, #tpu.memory_space<vmem>>, vector<1x16xf32>,
      %get3A_243 = vector.shape_cast %get3A_242 : vector<1x16xf32> to vector<16xf32>
      %mul3A_244 = arith.constant 16 : i32
      %mul3A_245 = arith.muli %add3A_124, %mul3A_244 : i32
      %add3A_246 = arith.constant 15 : i32
      %add3A_247 = arith.addi %mul3A_245, %add3A_246 : i32
      %get3A_248 = arith.index_cast %add3A_247 : i32 to index
      %get3A_249 = arith.constant 0 : index
      %get3A_250 = tpu.vector_load %arg14[%get3A_248, %get3A_249] {strides = array<i32>} : memref<128x16xf32, #tpu.memory_space<vmem>>, vector<1x16xf32>,
      %get3A_251 = vector.shape_cast %get3A_250 : vector<1x16xf32> to vector<16xf32>
      %xor3A = arith.constant 8 : i32
      %xor3A_252 = vector.broadcast %xor3A : i32 to vector<16xi32>
      %xor3A_253 = arith.xori %iota3A, %xor3A_252 : vector<16xi32>
      %and3A = arith.constant 8 : i32
      %and3A_254 = vector.broadcast %and3A : i32 to vector<16xi32>
      %and3A_255 = arith.andi %iota3A, %and3A_254 : vector<16xi32>
      %ne3A = arith.constant 0 : i32
      %ne3A_256 = vector.broadcast %ne3A : i32 to vector<16xi32>
      %ne3A_257 = arith.cmpi ne, %and3A_255, %ne3A_256 : vector<16xi32>
      %broadcast_in_dim3A = vector.shape_cast %xor3A_253 : vector<16xi32> to vector<16x1xi32>
      %gather3A = vector.shape_cast %broadcast_in_dim3A : vector<16x1xi32> to vector<16xi32>
      %gather3A_258 = tpu.dynamic_gather %get3A_131[%gather3A] in [0] : vector<16xf32>, vector<16xi32> -> vector<16xf32>
      %add3A_259 = arith.addf %get3A_131, %gather3A_258 : vector<16xf32>
      %broadcast_in_dim3A_260 = vector.shape_cast %xor3A_253 : vector<16xi32> to vector<16x1xi32>
      %gather3A_261 = vector.shape_cast %broadcast_in_dim3A_260 : vector<16x1xi32> to vector<16xi32>
      %gather3A_262 = tpu.dynamic_gather %get3A_195[%gather3A_261] in [0] : vector<16xf32>, vector<16xi32> -> vector<16xf32>
      %add3A_263 = arith.addf %get3A_195, %gather3A_262 : vector<16xf32>
      %broadcast_in_dim3A_264 = vector.shape_cast %xor3A_253 : vector<16xi32> to vector<16x1xi32>
      %gather3A_265 = vector.shape_cast %broadcast_in_dim3A_264 : vector<16x1xi32> to vector<16xi32>
      %gather3A_266 = tpu.dynamic_gather %add3A_263[%gather3A_265] in [0] : vector<16xf32>, vector<16xi32> -> vector<16xf32>
      %select_n3A = arith.select %ne3A_257, %gather3A_266, %add3A_259 : vector<16xi1>, vector<16xf32>
      %broadcast_in_dim3A_267 = vector.shape_cast %xor3A_253 : vector<16xi32> to vector<16x1xi32>
      %gather3A_268 = vector.shape_cast %broadcast_in_dim3A_267 : vector<16x1xi32> to vector<16xi32>
      %gather3A_269 = tpu.dynamic_gather %get3A_163[%gather3A_268] in [0] : vector<16xf32>, vector<16xi32> -> vector<16xf32>
      %add3A_270 = arith.addf %get3A_163, %gather3A_269 : vector<16xf32>
      %broadcast_in_dim3A_271 = vector.shape_cast %xor3A_253 : vector<16xi32> to vector<16x1xi32>
      %gather3A_272 = vector.shape_cast %broadcast_in_dim3A_271 : vector<16x1xi32> to vector<16xi32>
      %gather3A_273 = tpu.dynamic_gather %get3A_227[%gather3A_272] in [0] : vector<16xf32>, vector<16xi32> -> vector<16xf32>
      %add3A_274 = arith.addf %get3A_227, %gather3A_273 : vector<16xf32>
      %broadcast_in_dim3A_275 = vector.shape_cast %xor3A_253 : vector<16xi32> to vector<16x1xi32>
      %gather3A_276 = vector.shape_cast %broadcast_in_dim3A_275 : vector<16x1xi32> to vector<16xi32>
      %gather3A_277 = tpu.dynamic_gather %add3A_274[%gather3A_276] in [0] : vector<16xf32>, vector<16xi32> -> vector<16xf32>
      %select_n3A_278 = arith.select %ne3A_257, %gather3A_277, %add3A_270 : vector<16xi1>, vector<16xf32>
      %broadcast_in_dim3A_279 = vector.shape_cast %xor3A_253 : vector<16xi32> to vector<16x1xi32>
      %gather3A_280 = vector.shape_cast %broadcast_in_dim3A_279 : vector<16x1xi32> to vector<16xi32>
      %gather3A_281 = tpu.dynamic_gather %get3A_147[%gather3A_280] in [0] : vector<16xf32>, vector<16xi32> -> vector<16xf32>
      %add3A_282 = arith.addf %get3A_147, %gather3A_281 : vector<16xf32>
      %broadcast_in_dim3A_283 = vector.shape_cast %xor3A_253 : vector<16xi32> to vector<16x1xi32>
      %gather3A_284 = vector.shape_cast %broadcast_in_dim3A_283 : vector<16x1xi32> to vector<16xi32>
      %gather3A_285 = tpu.dynamic_gather %get3A_211[%gather3A_284] in [0] : vector<16xf32>, vector<16xi32> -> vector<16xf32>
      %add3A_286 = arith.addf %get3A_211, %gather3A_285 : vector<16xf32>
      %broadcast_in_dim3A_287 = vector.shape_cast %xor3A_253 : vector<16xi32> to vector<16x1xi32>
      %gather3A_288 = vector.shape_cast %broadcast_in_dim3A_287 : vector<16x1xi32> to vector<16xi32>
      %gather3A_289 = tpu.dynamic_gather %add3A_286[%gather3A_288] in [0] : vector<16xf32>, vector<16xi32> -> vector<16xf32>
      %select_n3A_290 = arith.select %ne3A_257, %gather3A_289, %add3A_282 : vector<16xi1>, vector<16xf32>
      %broadcast_in_dim3A_291 = vector.shape_cast %xor3A_253 : vector<16xi32> to vector<16x1xi32>
      %gather3A_292 = vector.shape_cast %broadcast_in_dim3A_291 : vector<16x1xi32> to vector<16xi32>
      %gather3A_293 = tpu.dynamic_gather %get3A_179[%gather3A_292] in [0] : vector<16xf32>, vector<16xi32> -> vector<16xf32>
      %add3A_294 = arith.addf %get3A_179, %gather3A_293 : vector<16xf32>
      %broadcast_in_dim3A_295 = vector.shape_cast %xor3A_253 : vector<16xi32> to vector<16x1xi32>
      %gather3A_296 = vector.shape_cast %broadcast_in_dim3A_295 : vector<16x1xi32> to vector<16xi32>
      %gather3A_297 = tpu.dynamic_gather %get3A_243[%gather3A_296] in [0] : vector<16xf32>, vector<16xi32> -> vector<16xf32>
      %add3A_298 = arith.addf %get3A_243, %gather3A_297 : vector<16xf32>
      %broadcast_in_dim3A_299 = vector.shape_cast %xor3A_253 : vector<16xi32> to vector<16x1xi32>
      %gather3A_300 = vector.shape_cast %broadcast_in_dim3A_299 : vector<16x1xi32> to vector<16xi32>
      %gather3A_301 = tpu.dynamic_gather %add3A_298[%gather3A_300] in [0] : vector<16xf32>, vector<16xi32> -> vector<16xf32>
      %select_n3A_302 = arith.select %ne3A_257, %gather3A_301, %add3A_294 : vector<16xi1>, vector<16xf32>
      %broadcast_in_dim3A_303 = vector.shape_cast %xor3A_253 : vector<16xi32> to vector<16x1xi32>
      %gather3A_304 = vector.shape_cast %broadcast_in_dim3A_303 : vector<16x1xi32> to vector<16xi32>
      %gather3A_305 = tpu.dynamic_gather %get3A_139[%gather3A_304] in [0] : vector<16xf32>, vector<16xi32> -> vector<16xf32>
      %add3A_306 = arith.addf %get3A_139, %gather3A_305 : vector<16xf32>
      %broadcast_in_dim3A_307 = vector.shape_cast %xor3A_253 : vector<16xi32> to vector<16x1xi32>
      %gather3A_308 = vector.shape_cast %broadcast_in_dim3A_307 : vector<16x1xi32> to vector<16xi32>
      %gather3A_309 = tpu.dynamic_gather %get3A_203[%gather3A_308] in [0] : vector<16xf32>, vector<16xi32> -> vector<16xf32>
      %add3A_310 = arith.addf %get3A_203, %gather3A_309 : vector<16xf32>
      %broadcast_in_dim3A_311 = vector.shape_cast %xor3A_253 : vector<16xi32> to vector<16x1xi32>
      %gather3A_312 = vector.shape_cast %broadcast_in_dim3A_311 : vector<16x1xi32> to vector<16xi32>
      %gather3A_313 = tpu.dynamic_gather %add3A_310[%gather3A_312] in [0] : vector<16xf32>, vector<16xi32> -> vector<16xf32>
      %select_n3A_314 = arith.select %ne3A_257, %gather3A_313, %add3A_306 : vector<16xi1>, vector<16xf32>
      %broadcast_in_dim3A_315 = vector.shape_cast %xor3A_253 : vector<16xi32> to vector<16x1xi32>
      %gather3A_316 = vector.shape_cast %broadcast_in_dim3A_315 : vector<16x1xi32> to vector<16xi32>
      %gather3A_317 = tpu.dynamic_gather %get3A_171[%gather3A_316] in [0] : vector<16xf32>, vector<16xi32> -> vector<16xf32>
      %add3A_318 = arith.addf %get3A_171, %gather3A_317 : vector<16xf32>
      %broadcast_in_dim3A_319 = vector.shape_cast %xor3A_253 : vector<16xi32> to vector<16x1xi32>
      %gather3A_320 = vector.shape_cast %broadcast_in_dim3A_319 : vector<16x1xi32> to vector<16xi32>
      %gather3A_321 = tpu.dynamic_gather %get3A_235[%gather3A_320] in [0] : vector<16xf32>, vector<16xi32> -> vector<16xf32>
      %add3A_322 = arith.addf %get3A_235, %gather3A_321 : vector<16xf32>
      %broadcast_in_dim3A_323 = vector.shape_cast %xor3A_253 : vector<16xi32> to vector<16x1xi32>
      %gather3A_324 = vector.shape_cast %broadcast_in_dim3A_323 : vector<16x1xi32> to vector<16xi32>
      %gather3A_325 = tpu.dynamic_gather %add3A_322[%gather3A_324] in [0] : vector<16xf32>, vector<16xi32> -> vector<16xf32>
      %select_n3A_326 = arith.select %ne3A_257, %gather3A_325, %add3A_318 : vector<16xi1>, vector<16xf32>
      %broadcast_in_dim3A_327 = vector.shape_cast %xor3A_253 : vector<16xi32> to vector<16x1xi32>
      %gather3A_328 = vector.shape_cast %broadcast_in_dim3A_327 : vector<16x1xi32> to vector<16xi32>
      %gather3A_329 = tpu.dynamic_gather %get3A_155[%gather3A_328] in [0] : vector<16xf32>, vector<16xi32> -> vector<16xf32>
      %add3A_330 = arith.addf %get3A_155, %gather3A_329 : vector<16xf32>
      %broadcast_in_dim3A_331 = vector.shape_cast %xor3A_253 : vector<16xi32> to vector<16x1xi32>
      %gather3A_332 = vector.shape_cast %broadcast_in_dim3A_331 : vector<16x1xi32> to vector<16xi32>
      %gather3A_333 = tpu.dynamic_gather %get3A_219[%gather3A_332] in [0] : vector<16xf32>, vector<16xi32> -> vector<16xf32>
      %add3A_334 = arith.addf %get3A_219, %gather3A_333 : vector<16xf32>
      %broadcast_in_dim3A_335 = vector.shape_cast %xor3A_253 : vector<16xi32> to vector<16x1xi32>
      %gather3A_336 = vector.shape_cast %broadcast_in_dim3A_335 : vector<16x1xi32> to vector<16xi32>
      %gather3A_337 = tpu.dynamic_gather %add3A_334[%gather3A_336] in [0] : vector<16xf32>, vector<16xi32> -> vector<16xf32>
      %select_n3A_338 = arith.select %ne3A_257, %gather3A_337, %add3A_330 : vector<16xi1>, vector<16xf32>
      %broadcast_in_dim3A_339 = vector.shape_cast %xor3A_253 : vector<16xi32> to vector<16x1xi32>
      %gather3A_340 = vector.shape_cast %broadcast_in_dim3A_339 : vector<16x1xi32> to vector<16xi32>
      %gather3A_341 = tpu.dynamic_gather %get3A_187[%gather3A_340] in [0] : vector<16xf32>, vector<16xi32> -> vector<16xf32>
      %add3A_342 = arith.addf %get3A_187, %gather3A_341 : vector<16xf32>
      %broadcast_in_dim3A_343 = vector.shape_cast %xor3A_253 : vector<16xi32> to vector<16x1xi32>
      %gather3A_344 = vector.shape_cast %broadcast_in_dim3A_343 : vector<16x1xi32> to vector<16xi32>
      %gather3A_345 = tpu.dynamic_gather %get3A_251[%gather3A_344] in [0] : vector<16xf32>, vector<16xi32> -> vector<16xf32>
      %add3A_346 = arith.addf %get3A_251, %gather3A_345 : vector<16xf32>
      %broadcast_in_dim3A_347 = vector.shape_cast %xor3A_253 : vector<16xi32> to vector<16x1xi32>
      %gather3A_348 = vector.shape_cast %broadcast_in_dim3A_347 : vector<16x1xi32> to vector<16xi32>
      %gather3A_349 = tpu.dynamic_gather %add3A_346[%gather3A_348] in [0] : vector<16xf32>, vector<16xi32> -> vector<16xf32>
      %select_n3A_350 = arith.select %ne3A_257, %gather3A_349, %add3A_342 : vector<16xi1>, vector<16xf32>
      %xor3A_351 = arith.constant 4 : i32
      %xor3A_352 = vector.broadcast %xor3A_351 : i32 to vector<16xi32>
      %xor3A_353 = arith.xori %iota3A, %xor3A_352 : vector<16xi32>
      %and3A_354 = arith.constant 4 : i32
      %and3A_355 = vector.broadcast %and3A_354 : i32 to vector<16xi32>
      %and3A_356 = arith.andi %iota3A, %and3A_355 : vector<16xi32>
      %ne3A_357 = arith.constant 0 : i32
      %ne3A_358 = vector.broadcast %ne3A_357 : i32 to vector<16xi32>
      %ne3A_359 = arith.cmpi ne, %and3A_356, %ne3A_358 : vector<16xi32>
      %broadcast_in_dim3A_360 = vector.shape_cast %xor3A_353 : vector<16xi32> to vector<16x1xi32>
      %gather3A_361 = vector.shape_cast %broadcast_in_dim3A_360 : vector<16x1xi32> to vector<16xi32>
      %gather3A_362 = tpu.dynamic_gather %select_n3A[%gather3A_361] in [0] : vector<16xf32>, vector<16xi32> -> vector<16xf32>
      %add3A_363 = arith.addf %select_n3A, %gather3A_362 : vector<16xf32>
      %broadcast_in_dim3A_364 = vector.shape_cast %xor3A_353 : vector<16xi32> to vector<16x1xi32>
      %gather3A_365 = vector.shape_cast %broadcast_in_dim3A_364 : vector<16x1xi32> to vector<16xi32>
      %gather3A_366 = tpu.dynamic_gather %select_n3A_278[%gather3A_365] in [0] : vector<16xf32>, vector<16xi32> -> vector<16xf32>
      %add3A_367 = arith.addf %select_n3A_278, %gather3A_366 : vector<16xf32>
      %broadcast_in_dim3A_368 = vector.shape_cast %xor3A_353 : vector<16xi32> to vector<16x1xi32>
      %gather3A_369 = vector.shape_cast %broadcast_in_dim3A_368 : vector<16x1xi32> to vector<16xi32>
      %gather3A_370 = tpu.dynamic_gather %add3A_367[%gather3A_369] in [0] : vector<16xf32>, vector<16xi32> -> vector<16xf32>
      %select_n3A_371 = arith.select %ne3A_359, %gather3A_370, %add3A_363 : vector<16xi1>, vector<16xf32>
      %broadcast_in_dim3A_372 = vector.shape_cast %xor3A_353 : vector<16xi32> to vector<16x1xi32>
      %gather3A_373 = vector.shape_cast %broadcast_in_dim3A_372 : vector<16x1xi32> to vector<16xi32>
      %gather3A_374 = tpu.dynamic_gather %select_n3A_290[%gather3A_373] in [0] : vector<16xf32>, vector<16xi32> -> vector<16xf32>
      %add3A_375 = arith.addf %select_n3A_290, %gather3A_374 : vector<16xf32>
      %broadcast_in_dim3A_376 = vector.shape_cast %xor3A_353 : vector<16xi32> to vector<16x1xi32>
      %gather3A_377 = vector.shape_cast %broadcast_in_dim3A_376 : vector<16x1xi32> to vector<16xi32>
      %gather3A_378 = tpu.dynamic_gather %select_n3A_302[%gather3A_377] in [0] : vector<16xf32>, vector<16xi32> -> vector<16xf32>
      %add3A_379 = arith.addf %select_n3A_302, %gather3A_378 : vector<16xf32>
      %broadcast_in_dim3A_380 = vector.shape_cast %xor3A_353 : vector<16xi32> to vector<16x1xi32>
      %gather3A_381 = vector.shape_cast %broadcast_in_dim3A_380 : vector<16x1xi32> to vector<16xi32>
      %gather3A_382 = tpu.dynamic_gather %add3A_379[%gather3A_381] in [0] : vector<16xf32>, vector<16xi32> -> vector<16xf32>
      %select_n3A_383 = arith.select %ne3A_359, %gather3A_382, %add3A_375 : vector<16xi1>, vector<16xf32>
      %broadcast_in_dim3A_384 = vector.shape_cast %xor3A_353 : vector<16xi32> to vector<16x1xi32>
      %gather3A_385 = vector.shape_cast %broadcast_in_dim3A_384 : vector<16x1xi32> to vector<16xi32>
      %gather3A_386 = tpu.dynamic_gather %select_n3A_314[%gather3A_385] in [0] : vector<16xf32>, vector<16xi32> -> vector<16xf32>
      %add3A_387 = arith.addf %select_n3A_314, %gather3A_386 : vector<16xf32>
      %broadcast_in_dim3A_388 = vector.shape_cast %xor3A_353 : vector<16xi32> to vector<16x1xi32>
      %gather3A_389 = vector.shape_cast %broadcast_in_dim3A_388 : vector<16x1xi32> to vector<16xi32>
      %gather3A_390 = tpu.dynamic_gather %select_n3A_326[%gather3A_389] in [0] : vector<16xf32>, vector<16xi32> -> vector<16xf32>
      %add3A_391 = arith.addf %select_n3A_326, %gather3A_390 : vector<16xf32>
      %broadcast_in_dim3A_392 = vector.shape_cast %xor3A_353 : vector<16xi32> to vector<16x1xi32>
      %gather3A_393 = vector.shape_cast %broadcast_in_dim3A_392 : vector<16x1xi32> to vector<16xi32>
      %gather3A_394 = tpu.dynamic_gather %add3A_391[%gather3A_393] in [0] : vector<16xf32>, vector<16xi32> -> vector<16xf32>
      %select_n3A_395 = arith.select %ne3A_359, %gather3A_394, %add3A_387 : vector<16xi1>, vector<16xf32>
      %broadcast_in_dim3A_396 = vector.shape_cast %xor3A_353 : vector<16xi32> to vector<16x1xi32>
      %gather3A_397 = vector.shape_cast %broadcast_in_dim3A_396 : vector<16x1xi32> to vector<16xi32>
      %gather3A_398 = tpu.dynamic_gather %select_n3A_338[%gather3A_397] in [0] : vector<16xf32>, vector<16xi32> -> vector<16xf32>
      %add3A_399 = arith.addf %select_n3A_338, %gather3A_398 : vector<16xf32>
      %broadcast_in_dim3A_400 = vector.shape_cast %xor3A_353 : vector<16xi32> to vector<16x1xi32>
      %gather3A_401 = vector.shape_cast %broadcast_in_dim3A_400 : vector<16x1xi32> to vector<16xi32>
      %gather3A_402 = tpu.dynamic_gather %select_n3A_350[%gather3A_401] in [0] : vector<16xf32>, vector<16xi32> -> vector<16xf32>
      %add3A_403 = arith.addf %select_n3A_350, %gather3A_402 : vector<16xf32>
      %broadcast_in_dim3A_404 = vector.shape_cast %xor3A_353 : vector<16xi32> to vector<16x1xi32>
      %gather3A_405 = vector.shape_cast %broadcast_in_dim3A_404 : vector<16x1xi32> to vector<16xi32>
      %gather3A_406 = tpu.dynamic_gather %add3A_403[%gather3A_405] in [0] : vector<16xf32>, vector<16xi32> -> vector<16xf32>
      %select_n3A_407 = arith.select %ne3A_359, %gather3A_406, %add3A_399 : vector<16xi1>, vector<16xf32>
      %xor3A_408 = arith.constant 2 : i32
      %xor3A_409 = vector.broadcast %xor3A_408 : i32 to vector<16xi32>
      %xor3A_410 = arith.xori %iota3A, %xor3A_409 : vector<16xi32>
      %and3A_411 = arith.constant 2 : i32
      %and3A_412 = vector.broadcast %and3A_411 : i32 to vector<16xi32>
      %and3A_413 = arith.andi %iota3A, %and3A_412 : vector<16xi32>
      %ne3A_414 = arith.constant 0 : i32
      %ne3A_415 = vector.broadcast %ne3A_414 : i32 to vector<16xi32>
      %ne3A_416 = arith.cmpi ne, %and3A_413, %ne3A_415 : vector<16xi32>
      %broadcast_in_dim3A_417 = vector.shape_cast %xor3A_410 : vector<16xi32> to vector<16x1xi32>
      %gather3A_418 = vector.shape_cast %broadcast_in_dim3A_417 : vector<16x1xi32> to vector<16xi32>
      %gather3A_419 = tpu.dynamic_gather %select_n3A_371[%gather3A_418] in [0] : vector<16xf32>, vector<16xi32> -> vector<16xf32>
      %add3A_420 = arith.addf %select_n3A_371, %gather3A_419 : vector<16xf32>
      %broadcast_in_dim3A_421 = vector.shape_cast %xor3A_410 : vector<16xi32> to vector<16x1xi32>
      %gather3A_422 = vector.shape_cast %broadcast_in_dim3A_421 : vector<16x1xi32> to vector<16xi32>
      %gather3A_423 = tpu.dynamic_gather %select_n3A_383[%gather3A_422] in [0] : vector<16xf32>, vector<16xi32> -> vector<16xf32>
      %add3A_424 = arith.addf %select_n3A_383, %gather3A_423 : vector<16xf32>
      %broadcast_in_dim3A_425 = vector.shape_cast %xor3A_410 : vector<16xi32> to vector<16x1xi32>
      %gather3A_426 = vector.shape_cast %broadcast_in_dim3A_425 : vector<16x1xi32> to vector<16xi32>
      %gather3A_427 = tpu.dynamic_gather %add3A_424[%gather3A_426] in [0] : vector<16xf32>, vector<16xi32> -> vector<16xf32>
      %select_n3A_428 = arith.select %ne3A_416, %gather3A_427, %add3A_420 : vector<16xi1>, vector<16xf32>
      %broadcast_in_dim3A_429 = vector.shape_cast %xor3A_410 : vector<16xi32> to vector<16x1xi32>
      %gather3A_430 = vector.shape_cast %broadcast_in_dim3A_429 : vector<16x1xi32> to vector<16xi32>
      %gather3A_431 = tpu.dynamic_gather %select_n3A_395[%gather3A_430] in [0] : vector<16xf32>, vector<16xi32> -> vector<16xf32>
      %add3A_432 = arith.addf %select_n3A_395, %gather3A_431 : vector<16xf32>
      %broadcast_in_dim3A_433 = vector.shape_cast %xor3A_410 : vector<16xi32> to vector<16x1xi32>
      %gather3A_434 = vector.shape_cast %broadcast_in_dim3A_433 : vector<16x1xi32> to vector<16xi32>
      %gather3A_435 = tpu.dynamic_gather %select_n3A_407[%gather3A_434] in [0] : vector<16xf32>, vector<16xi32> -> vector<16xf32>
      %add3A_436 = arith.addf %select_n3A_407, %gather3A_435 : vector<16xf32>
      %broadcast_in_dim3A_437 = vector.shape_cast %xor3A_410 : vector<16xi32> to vector<16x1xi32>
      %gather3A_438 = vector.shape_cast %broadcast_in_dim3A_437 : vector<16x1xi32> to vector<16xi32>
      %gather3A_439 = tpu.dynamic_gather %add3A_436[%gather3A_438] in [0] : vector<16xf32>, vector<16xi32> -> vector<16xf32>
      %select_n3A_440 = arith.select %ne3A_416, %gather3A_439, %add3A_432 : vector<16xi1>, vector<16xf32>
      %xor3A_441 = arith.constant 1 : i32
      %xor3A_442 = vector.broadcast %xor3A_441 : i32 to vector<16xi32>
      %xor3A_443 = arith.xori %iota3A, %xor3A_442 : vector<16xi32>
      %and3A_444 = arith.constant 1 : i32
      %and3A_445 = vector.broadcast %and3A_444 : i32 to vector<16xi32>
      %and3A_446 = arith.andi %iota3A, %and3A_445 : vector<16xi32>
      %ne3A_447 = arith.constant 0 : i32
      %ne3A_448 = vector.broadcast %ne3A_447 : i32 to vector<16xi32>
      %ne3A_449 = arith.cmpi ne, %and3A_446, %ne3A_448 : vector<16xi32>
      %broadcast_in_dim3A_450 = vector.shape_cast %xor3A_443 : vector<16xi32> to vector<16x1xi32>
      %gather3A_451 = vector.shape_cast %broadcast_in_dim3A_450 : vector<16x1xi32> to vector<16xi32>
      %gather3A_452 = tpu.dynamic_gather %select_n3A_428[%gather3A_451] in [0] : vector<16xf32>, vector<16xi32> -> vector<16xf32>
      %add3A_453 = arith.addf %select_n3A_428, %gather3A_452 : vector<16xf32>
      %broadcast_in_dim3A_454 = vector.shape_cast %xor3A_443 : vector<16xi32> to vector<16x1xi32>
      %gather3A_455 = vector.shape_cast %broadcast_in_dim3A_454 : vector<16x1xi32> to vector<16xi32>
      %gather3A_456 = tpu.dynamic_gather %select_n3A_440[%gather3A_455] in [0] : vector<16xf32>, vector<16xi32> -> vector<16xf32>
      %add3A_457 = arith.addf %select_n3A_440, %gather3A_456 : vector<16xf32>
      %broadcast_in_dim3A_458 = vector.shape_cast %xor3A_443 : vector<16xi32> to vector<16x1xi32>
      %gather3A_459 = vector.shape_cast %broadcast_in_dim3A_458 : vector<16x1xi32> to vector<16xi32>
      %gather3A_460 = tpu.dynamic_gather %add3A_457[%gather3A_459] in [0] : vector<16xf32>, vector<16xi32> -> vector<16xf32>
      %select_n3A_461 = arith.select %ne3A_449, %gather3A_460, %add3A_453 : vector<16xi1>, vector<16xf32>
      %mul3A_462 = arith.constant 16 : i32
      %mul3A_463 = arith.muli %add3A_124, %mul3A_462 : i32
      %add3A_464 = arith.constant 0 : i32
      %add3A_465 = arith.addi %add3A_464, %mul3A_463 : i32
      %swap3A = arith.index_cast %add3A_465 : i32 to index
      %swap3A_466 = tpu.vector_load %arg13[%swap3A] {strides = array<i32>} : memref<512xf32, #tpu.memory_space<vmem>>, vector<16xf32>,
      %swap3A_467 = vector.shape_cast %swap3A_466 : vector<16xf32> to vector<16xf32>
      %swap3A_468 = vector.shape_cast %select_n3A_461 : vector<16xf32> to vector<16xf32>
      tpu.vector_store %arg13[%swap3A], %swap3A_468 {strides = array<i32>} : memref<512xf32, #tpu.memory_space<vmem>>, vector<16xf32>,
    }
    %scan3A_39 = arith.constant 8 : i32
    %dma_start3A_40 = arith.constant 256 : i32
    %dma_start3A_41 = tpu.memref_slice %arg7[%dma_start3A_40] : memref<512xi32, #tpu.memory_space<vmem>> -> memref<128xi32, #tpu.memory_space<vmem>>
    %dma_start3A_42 = arith.constant 0 : i32
    %dma_start3A_43 = arith.constant 0 : i32
    %dma_start3A_44 = tpu.memref_slice %arg4[%dma_start3A_42, %dma_start3A_43] : memref<1000000x128xf32, #tpu.memory_space<hbm>> -> memref<1000000x128xf32, #tpu.memory_space<hbm>>
    tpu.enqueue_indirect_dma source(%dma_start3A_44 : memref<1000000x128xf32, #tpu.memory_space<hbm>>) target(%arg9 : memref<128x128xf32, #tpu.memory_space<vmem>>) offsets(%dma_start3A_41 : memref<128xi32, #tpu.memory_space<vmem>>) semaphore(%arg15 : memref<!tpu.dma_semaphore, #tpu.memory_space<semaphore_mem>>)
    %dma_start3A_45 = arith.constant 256 : i32
    %dma_start3A_46 = tpu.memref_slice %arg8[%dma_start3A_45] : memref<512xi32, #tpu.memory_space<vmem>> -> memref<128xi32, #tpu.memory_space<vmem>>
    %dma_start3A_47 = arith.constant 0 : i32
    %dma_start3A_48 = arith.constant 0 : i32
    %dma_start3A_49 = tpu.memref_slice %arg5[%dma_start3A_47, %dma_start3A_48] : memref<1000000x128xf32, #tpu.memory_space<hbm>> -> memref<1000000x128xf32, #tpu.memory_space<hbm>>
    tpu.enqueue_indirect_dma source(%dma_start3A_49 : memref<1000000x128xf32, #tpu.memory_space<hbm>>) target(%arg11 : memref<128x128xf32, #tpu.memory_space<vmem>>) offsets(%dma_start3A_46 : memref<128xi32, #tpu.memory_space<vmem>>) semaphore(%arg15 : memref<!tpu.dma_semaphore, #tpu.memory_space<semaphore_mem>>)
    %dma_wait3A_50 = arith.constant 128 : i32
    %dma_wait3A_51 = tpu.memref_slice %arg7[%dma_wait3A_50] : memref<512xi32, #tpu.memory_space<vmem>> -> memref<128xi32, #tpu.memory_space<vmem>>
    %dma_wait3A_52 = arith.constant 0 : i32
    %dma_wait3A_53 = arith.constant 0 : i32
    %dma_wait3A_54 = tpu.memref_slice %arg4[%dma_wait3A_52, %dma_wait3A_53] : memref<1000000x128xf32, #tpu.memory_space<hbm>> -> memref<1000000x128xf32, #tpu.memory_space<hbm>>
    tpu.wait_indirect_dma semaphore(%arg16 : memref<!tpu.dma_semaphore, #tpu.memory_space<semaphore_mem>>) src(%dma_wait3A_54 : memref<1000000x128xf32, #tpu.memory_space<hbm>>) dst(%arg10 : memref<128x128xf32, #tpu.memory_space<vmem>>)
    %dma_wait3A_55 = arith.constant 128 : i32
    %dma_wait3A_56 = tpu.memref_slice %arg8[%dma_wait3A_55] : memref<512xi32, #tpu.memory_space<vmem>> -> memref<128xi32, #tpu.memory_space<vmem>>
    %dma_wait3A_57 = arith.constant 0 : i32
    %dma_wait3A_58 = arith.constant 0 : i32
    %dma_wait3A_59 = tpu.memref_slice %arg5[%dma_wait3A_57, %dma_wait3A_58] : memref<1000000x128xf32, #tpu.memory_space<hbm>> -> memref<1000000x128xf32, #tpu.memory_space<hbm>>
    tpu.wait_indirect_dma semaphore(%arg16 : memref<!tpu.dma_semaphore, #tpu.memory_space<semaphore_mem>>) src(%dma_wait3A_59 : memref<1000000x128xf32, #tpu.memory_space<hbm>>) dst(%arg12 : memref<128x128xf32, #tpu.memory_space<vmem>>)
    %scan3A_60 = arith.constant 0 : i32
    %scan3A_61 = arith.constant 128 : i32
    %scan3A_62 = arith.addi %scan3A_60, %scan3A_61 : i32
    %scan3A_63 = arith.constant 1 : i32
    scf.for %scan3A_120 = %scan3A_60 to %scan3A_62 step %scan3A_63  : i32 {
      %mul3A_121 = arith.constant 1 : i32
      %mul3A_122 = arith.muli %scan3A_120, %mul3A_121 : i32
      %add3A_123 = arith.constant 0 : i32
      %add3A_124 = arith.addi %add3A_123, %mul3A_122 : i32
      %get3A = arith.index_cast %add3A_124 : i32 to index
      %get3A_125 = arith.constant 0 : index
      %get3A_126 = tpu.vector_load %arg10[%get3A, %get3A_125] {strides = array<i32>} : memref<128x128xf32, #tpu.memory_space<vmem>>, vector<1x16xf32>,
      %get3A_127 = vector.shape_cast %get3A_126 : vector<1x16xf32> to vector<16xf32>
      %get3A_128 = arith.index_cast %add3A_124 : i32 to index
      %get3A_129 = arith.constant 0 : index
      %get3A_130 = tpu.vector_load %arg12[%get3A_128, %get3A_129] {strides = array<i32>} : memref<128x128xf32, #tpu.memory_space<vmem>>, vector<1x16xf32>,
      %get3A_131 = vector.shape_cast %get3A_130 : vector<1x16xf32> to vector<16xf32>
      %mul3A_132 = arith.mulf %get3A_127, %get3A_131 : vector<16xf32>
      %get3A_133 = arith.index_cast %add3A_124 : i32 to index
      %get3A_134 = arith.constant 16 : index
      %get3A_135 = tpu.vector_load %arg10[%get3A_133, %get3A_134] {strides = array<i32>} : memref<128x128xf32, #tpu.memory_space<vmem>>, vector<1x16xf32>,
      %get3A_136 = vector.shape_cast %get3A_135 : vector<1x16xf32> to vector<16xf32>
      %get3A_137 = arith.index_cast %add3A_124 : i32 to index
      %get3A_138 = arith.constant 16 : index
      %get3A_139 = tpu.vector_load %arg12[%get3A_137, %get3A_138] {strides = array<i32>} : memref<128x128xf32, #tpu.memory_space<vmem>>, vector<1x16xf32>,
      %get3A_140 = vector.shape_cast %get3A_139 : vector<1x16xf32> to vector<16xf32>
      %mul3A_141 = arith.mulf %get3A_136, %get3A_140 : vector<16xf32>
      %get3A_142 = arith.index_cast %add3A_124 : i32 to index
      %get3A_143 = arith.constant 32 : index
      %get3A_144 = tpu.vector_load %arg10[%get3A_142, %get3A_143] {strides = array<i32>} : memref<128x128xf32, #tpu.memory_space<vmem>>, vector<1x16xf32>,
      %get3A_145 = vector.shape_cast %get3A_144 : vector<1x16xf32> to vector<16xf32>
      %get3A_146 = arith.index_cast %add3A_124 : i32 to index
      %get3A_147 = arith.constant 32 : index
      %get3A_148 = tpu.vector_load %arg12[%get3A_146, %get3A_147] {strides = array<i32>} : memref<128x128xf32, #tpu.memory_space<vmem>>, vector<1x16xf32>,
      %get3A_149 = vector.shape_cast %get3A_148 : vector<1x16xf32> to vector<16xf32>
      %mul3A_150 = arith.mulf %get3A_145, %get3A_149 : vector<16xf32>
      %get3A_151 = arith.index_cast %add3A_124 : i32 to index
      %get3A_152 = arith.constant 48 : index
      %get3A_153 = tpu.vector_load %arg10[%get3A_151, %get3A_152] {strides = array<i32>} : memref<128x128xf32, #tpu.memory_space<vmem>>, vector<1x16xf32>,
      %get3A_154 = vector.shape_cast %get3A_153 : vector<1x16xf32> to vector<16xf32>
      %get3A_155 = arith.index_cast %add3A_124 : i32 to index
      %get3A_156 = arith.constant 48 : index
      %get3A_157 = tpu.vector_load %arg12[%get3A_155, %get3A_156] {strides = array<i32>} : memref<128x128xf32, #tpu.memory_space<vmem>>, vector<1x16xf32>,
      %get3A_158 = vector.shape_cast %get3A_157 : vector<1x16xf32> to vector<16xf32>
      %mul3A_159 = arith.mulf %get3A_154, %get3A_158 : vector<16xf32>
      %get3A_160 = arith.index_cast %add3A_124 : i32 to index
      %get3A_161 = arith.constant 64 : index
      %get3A_162 = tpu.vector_load %arg10[%get3A_160, %get3A_161] {strides = array<i32>} : memref<128x128xf32, #tpu.memory_space<vmem>>, vector<1x16xf32>,
      %get3A_163 = vector.shape_cast %get3A_162 : vector<1x16xf32> to vector<16xf32>
      %get3A_164 = arith.index_cast %add3A_124 : i32 to index
      %get3A_165 = arith.constant 64 : index
      %get3A_166 = tpu.vector_load %arg12[%get3A_164, %get3A_165] {strides = array<i32>} : memref<128x128xf32, #tpu.memory_space<vmem>>, vector<1x16xf32>,
      %get3A_167 = vector.shape_cast %get3A_166 : vector<1x16xf32> to vector<16xf32>
      %mul3A_168 = arith.mulf %get3A_163, %get3A_167 : vector<16xf32>
      %get3A_169 = arith.index_cast %add3A_124 : i32 to index
      %get3A_170 = arith.constant 80 : index
      %get3A_171 = tpu.vector_load %arg10[%get3A_169, %get3A_170] {strides = array<i32>} : memref<128x128xf32, #tpu.memory_space<vmem>>, vector<1x16xf32>,
      %get3A_172 = vector.shape_cast %get3A_171 : vector<1x16xf32> to vector<16xf32>
      %get3A_173 = arith.index_cast %add3A_124 : i32 to index
      %get3A_174 = arith.constant 80 : index
      %get3A_175 = tpu.vector_load %arg12[%get3A_173, %get3A_174] {strides = array<i32>} : memref<128x128xf32, #tpu.memory_space<vmem>>, vector<1x16xf32>,
      %get3A_176 = vector.shape_cast %get3A_175 : vector<1x16xf32> to vector<16xf32>
      %mul3A_177 = arith.mulf %get3A_172, %get3A_176 : vector<16xf32>
      %get3A_178 = arith.index_cast %add3A_124 : i32 to index
      %get3A_179 = arith.constant 96 : index
      %get3A_180 = tpu.vector_load %arg10[%get3A_178, %get3A_179] {strides = array<i32>} : memref<128x128xf32, #tpu.memory_space<vmem>>, vector<1x16xf32>,
      %get3A_181 = vector.shape_cast %get3A_180 : vector<1x16xf32> to vector<16xf32>
      %get3A_182 = arith.index_cast %add3A_124 : i32 to index
      %get3A_183 = arith.constant 96 : index
      %get3A_184 = tpu.vector_load %arg12[%get3A_182, %get3A_183] {strides = array<i32>} : memref<128x128xf32, #tpu.memory_space<vmem>>, vector<1x16xf32>,
      %get3A_185 = vector.shape_cast %get3A_184 : vector<1x16xf32> to vector<16xf32>
      %mul3A_186 = arith.mulf %get3A_181, %get3A_185 : vector<16xf32>
      %get3A_187 = arith.index_cast %add3A_124 : i32 to index
      %get3A_188 = arith.constant 112 : index
      %get3A_189 = tpu.vector_load %arg10[%get3A_187, %get3A_188] {strides = array<i32>} : memref<128x128xf32, #tpu.memory_space<vmem>>, vector<1x16xf32>,
      %get3A_190 = vector.shape_cast %get3A_189 : vector<1x16xf32> to vector<16xf32>
      %get3A_191 = arith.index_cast %add3A_124 : i32 to index
      %get3A_192 = arith.constant 112 : index
      %get3A_193 = tpu.vector_load %arg12[%get3A_191, %get3A_192] {strides = array<i32>} : memref<128x128xf32, #tpu.memory_space<vmem>>, vector<1x16xf32>,
      %get3A_194 = vector.shape_cast %get3A_193 : vector<1x16xf32> to vector<16xf32>
      %mul3A_195 = arith.mulf %get3A_190, %get3A_194 : vector<16xf32>
      %add3A_196 = arith.addf %mul3A_132, %mul3A_141 : vector<16xf32>
      %add3A_197 = arith.addf %mul3A_150, %mul3A_159 : vector<16xf32>
      %add3A_198 = arith.addf %mul3A_168, %mul3A_177 : vector<16xf32>
      %add3A_199 = arith.addf %mul3A_186, %mul3A_195 : vector<16xf32>
      %add3A_200 = arith.addf %add3A_196, %add3A_197 : vector<16xf32>
      %add3A_201 = arith.addf %add3A_198, %add3A_199 : vector<16xf32>
      %add3A_202 = arith.addf %add3A_200, %add3A_201 : vector<16xf32>
      %swap3A = arith.index_cast %add3A_124 : i32 to index
      %swap3A_203 = arith.constant 0 : index
      %swap3A_204 = tpu.vector_load %arg14[%swap3A, %swap3A_203] {strides = array<i32>} : memref<128x16xf32, #tpu.memory_space<vmem>>, vector<1x16xf32>,
      %swap3A_205 = vector.shape_cast %swap3A_204 : vector<1x16xf32> to vector<16xf32>
      %swap3A_206 = vector.shape_cast %add3A_202 : vector<16xf32> to vector<1x16xf32>
      tpu.vector_store %arg14[%swap3A, %swap3A_203], %swap3A_206 {strides = array<i32>} : memref<128x16xf32, #tpu.memory_space<vmem>>, vector<1x16xf32>,
    }
    %scan3A_64 = arith.constant 128 : i32
    %scan3A_65 = arith.constant 0 : i32
    %scan3A_66 = arith.constant 8 : i32
    %scan3A_67 = arith.addi %scan3A_65, %scan3A_66 : i32
    %scan3A_68 = arith.constant 1 : i32
    scf.for %scan3A_120 = %scan3A_65 to %scan3A_67 step %scan3A_68  : i32 {
      %mul3A_121 = arith.constant 1 : i32
      %mul3A_122 = arith.muli %scan3A_120, %mul3A_121 : i32
      %add3A_123 = arith.constant 0 : i32
      %add3A_124 = arith.addi %add3A_123, %mul3A_122 : i32
      %mul3A_125 = arith.constant 16 : i32
      %mul3A_126 = arith.muli %add3A_124, %mul3A_125 : i32
      %add3A_127 = arith.constant 0 : i32
      %add3A_128 = arith.addi %mul3A_126, %add3A_127 : i32
      %get3A = arith.index_cast %add3A_128 : i32 to index
      %get3A_129 = arith.constant 0 : index
      %get3A_130 = tpu.vector_load %arg14[%get3A, %get3A_129] {strides = array<i32>} : memref<128x16xf32, #tpu.memory_space<vmem>>, vector<1x16xf32>,
      %get3A_131 = vector.shape_cast %get3A_130 : vector<1x16xf32> to vector<16xf32>
      %mul3A_132 = arith.constant 16 : i32
      %mul3A_133 = arith.muli %add3A_124, %mul3A_132 : i32
      %add3A_134 = arith.constant 1 : i32
      %add3A_135 = arith.addi %mul3A_133, %add3A_134 : i32
      %get3A_136 = arith.index_cast %add3A_135 : i32 to index
      %get3A_137 = arith.constant 0 : index
      %get3A_138 = tpu.vector_load %arg14[%get3A_136, %get3A_137] {strides = array<i32>} : memref<128x16xf32, #tpu.memory_space<vmem>>, vector<1x16xf32>,
      %get3A_139 = vector.shape_cast %get3A_138 : vector<1x16xf32> to vector<16xf32>
      %mul3A_140 = arith.constant 16 : i32
      %mul3A_141 = arith.muli %add3A_124, %mul3A_140 : i32
      %add3A_142 = arith.constant 2 : i32
      %add3A_143 = arith.addi %mul3A_141, %add3A_142 : i32
      %get3A_144 = arith.index_cast %add3A_143 : i32 to index
      %get3A_145 = arith.constant 0 : index
      %get3A_146 = tpu.vector_load %arg14[%get3A_144, %get3A_145] {strides = array<i32>} : memref<128x16xf32, #tpu.memory_space<vmem>>, vector<1x16xf32>,
      %get3A_147 = vector.shape_cast %get3A_146 : vector<1x16xf32> to vector<16xf32>
      %mul3A_148 = arith.constant 16 : i32
      %mul3A_149 = arith.muli %add3A_124, %mul3A_148 : i32
      %add3A_150 = arith.constant 3 : i32
      %add3A_151 = arith.addi %mul3A_149, %add3A_150 : i32
      %get3A_152 = arith.index_cast %add3A_151 : i32 to index
      %get3A_153 = arith.constant 0 : index
      %get3A_154 = tpu.vector_load %arg14[%get3A_152, %get3A_153] {strides = array<i32>} : memref<128x16xf32, #tpu.memory_space<vmem>>, vector<1x16xf32>,
      %get3A_155 = vector.shape_cast %get3A_154 : vector<1x16xf32> to vector<16xf32>
      %mul3A_156 = arith.constant 16 : i32
      %mul3A_157 = arith.muli %add3A_124, %mul3A_156 : i32
      %add3A_158 = arith.constant 4 : i32
      %add3A_159 = arith.addi %mul3A_157, %add3A_158 : i32
      %get3A_160 = arith.index_cast %add3A_159 : i32 to index
      %get3A_161 = arith.constant 0 : index
      %get3A_162 = tpu.vector_load %arg14[%get3A_160, %get3A_161] {strides = array<i32>} : memref<128x16xf32, #tpu.memory_space<vmem>>, vector<1x16xf32>,
      %get3A_163 = vector.shape_cast %get3A_162 : vector<1x16xf32> to vector<16xf32>
      %mul3A_164 = arith.constant 16 : i32
      %mul3A_165 = arith.muli %add3A_124, %mul3A_164 : i32
      %add3A_166 = arith.constant 5 : i32
      %add3A_167 = arith.addi %mul3A_165, %add3A_166 : i32
      %get3A_168 = arith.index_cast %add3A_167 : i32 to index
      %get3A_169 = arith.constant 0 : index
      %get3A_170 = tpu.vector_load %arg14[%get3A_168, %get3A_169] {strides = array<i32>} : memref<128x16xf32, #tpu.memory_space<vmem>>, vector<1x16xf32>,
      %get3A_171 = vector.shape_cast %get3A_170 : vector<1x16xf32> to vector<16xf32>
      %mul3A_172 = arith.constant 16 : i32
      %mul3A_173 = arith.muli %add3A_124, %mul3A_172 : i32
      %add3A_174 = arith.constant 6 : i32
      %add3A_175 = arith.addi %mul3A_173, %add3A_174 : i32
      %get3A_176 = arith.index_cast %add3A_175 : i32 to index
      %get3A_177 = arith.constant 0 : index
      %get3A_178 = tpu.vector_load %arg14[%get3A_176, %get3A_177] {strides = array<i32>} : memref<128x16xf32, #tpu.memory_space<vmem>>, vector<1x16xf32>,
      %get3A_179 = vector.shape_cast %get3A_178 : vector<1x16xf32> to vector<16xf32>
      %mul3A_180 = arith.constant 16 : i32
      %mul3A_181 = arith.muli %add3A_124, %mul3A_180 : i32
      %add3A_182 = arith.constant 7 : i32
      %add3A_183 = arith.addi %mul3A_181, %add3A_182 : i32
      %get3A_184 = arith.index_cast %add3A_183 : i32 to index
      %get3A_185 = arith.constant 0 : index
      %get3A_186 = tpu.vector_load %arg14[%get3A_184, %get3A_185] {strides = array<i32>} : memref<128x16xf32, #tpu.memory_space<vmem>>, vector<1x16xf32>,
      %get3A_187 = vector.shape_cast %get3A_186 : vector<1x16xf32> to vector<16xf32>
      %mul3A_188 = arith.constant 16 : i32
      %mul3A_189 = arith.muli %add3A_124, %mul3A_188 : i32
      %add3A_190 = arith.constant 8 : i32
      %add3A_191 = arith.addi %mul3A_189, %add3A_190 : i32
      %get3A_192 = arith.index_cast %add3A_191 : i32 to index
      %get3A_193 = arith.constant 0 : index
      %get3A_194 = tpu.vector_load %arg14[%get3A_192, %get3A_193] {strides = array<i32>} : memref<128x16xf32, #tpu.memory_space<vmem>>, vector<1x16xf32>,
      %get3A_195 = vector.shape_cast %get3A_194 : vector<1x16xf32> to vector<16xf32>
      %mul3A_196 = arith.constant 16 : i32
      %mul3A_197 = arith.muli %add3A_124, %mul3A_196 : i32
      %add3A_198 = arith.constant 9 : i32
      %add3A_199 = arith.addi %mul3A_197, %add3A_198 : i32
      %get3A_200 = arith.index_cast %add3A_199 : i32 to index
      %get3A_201 = arith.constant 0 : index
      %get3A_202 = tpu.vector_load %arg14[%get3A_200, %get3A_201] {strides = array<i32>} : memref<128x16xf32, #tpu.memory_space<vmem>>, vector<1x16xf32>,
      %get3A_203 = vector.shape_cast %get3A_202 : vector<1x16xf32> to vector<16xf32>
      %mul3A_204 = arith.constant 16 : i32
      %mul3A_205 = arith.muli %add3A_124, %mul3A_204 : i32
      %add3A_206 = arith.constant 10 : i32
      %add3A_207 = arith.addi %mul3A_205, %add3A_206 : i32
      %get3A_208 = arith.index_cast %add3A_207 : i32 to index
      %get3A_209 = arith.constant 0 : index
      %get3A_210 = tpu.vector_load %arg14[%get3A_208, %get3A_209] {strides = array<i32>} : memref<128x16xf32, #tpu.memory_space<vmem>>, vector<1x16xf32>,
      %get3A_211 = vector.shape_cast %get3A_210 : vector<1x16xf32> to vector<16xf32>
      %mul3A_212 = arith.constant 16 : i32
      %mul3A_213 = arith.muli %add3A_124, %mul3A_212 : i32
      %add3A_214 = arith.constant 11 : i32
      %add3A_215 = arith.addi %mul3A_213, %add3A_214 : i32
      %get3A_216 = arith.index_cast %add3A_215 : i32 to index
      %get3A_217 = arith.constant 0 : index
      %get3A_218 = tpu.vector_load %arg14[%get3A_216, %get3A_217] {strides = array<i32>} : memref<128x16xf32, #tpu.memory_space<vmem>>, vector<1x16xf32>,
      %get3A_219 = vector.shape_cast %get3A_218 : vector<1x16xf32> to vector<16xf32>
      %mul3A_220 = arith.constant 16 : i32
      %mul3A_221 = arith.muli %add3A_124, %mul3A_220 : i32
      %add3A_222 = arith.constant 12 : i32
      %add3A_223 = arith.addi %mul3A_221, %add3A_222 : i32
      %get3A_224 = arith.index_cast %add3A_223 : i32 to index
      %get3A_225 = arith.constant 0 : index
      %get3A_226 = tpu.vector_load %arg14[%get3A_224, %get3A_225] {strides = array<i32>} : memref<128x16xf32, #tpu.memory_space<vmem>>, vector<1x16xf32>,
      %get3A_227 = vector.shape_cast %get3A_226 : vector<1x16xf32> to vector<16xf32>
      %mul3A_228 = arith.constant 16 : i32
      %mul3A_229 = arith.muli %add3A_124, %mul3A_228 : i32
      %add3A_230 = arith.constant 13 : i32
      %add3A_231 = arith.addi %mul3A_229, %add3A_230 : i32
      %get3A_232 = arith.index_cast %add3A_231 : i32 to index
      %get3A_233 = arith.constant 0 : index
      %get3A_234 = tpu.vector_load %arg14[%get3A_232, %get3A_233] {strides = array<i32>} : memref<128x16xf32, #tpu.memory_space<vmem>>, vector<1x16xf32>,
      %get3A_235 = vector.shape_cast %get3A_234 : vector<1x16xf32> to vector<16xf32>
      %mul3A_236 = arith.constant 16 : i32
      %mul3A_237 = arith.muli %add3A_124, %mul3A_236 : i32
      %add3A_238 = arith.constant 14 : i32
      %add3A_239 = arith.addi %mul3A_237, %add3A_238 : i32
      %get3A_240 = arith.index_cast %add3A_239 : i32 to index
      %get3A_241 = arith.constant 0 : index
      %get3A_242 = tpu.vector_load %arg14[%get3A_240, %get3A_241] {strides = array<i32>} : memref<128x16xf32, #tpu.memory_space<vmem>>, vector<1x16xf32>,
      %get3A_243 = vector.shape_cast %get3A_242 : vector<1x16xf32> to vector<16xf32>
      %mul3A_244 = arith.constant 16 : i32
      %mul3A_245 = arith.muli %add3A_124, %mul3A_244 : i32
      %add3A_246 = arith.constant 15 : i32
      %add3A_247 = arith.addi %mul3A_245, %add3A_246 : i32
      %get3A_248 = arith.index_cast %add3A_247 : i32 to index
      %get3A_249 = arith.constant 0 : index
      %get3A_250 = tpu.vector_load %arg14[%get3A_248, %get3A_249] {strides = array<i32>} : memref<128x16xf32, #tpu.memory_space<vmem>>, vector<1x16xf32>,
      %get3A_251 = vector.shape_cast %get3A_250 : vector<1x16xf32> to vector<16xf32>
      %xor3A = arith.constant 8 : i32
      %xor3A_252 = vector.broadcast %xor3A : i32 to vector<16xi32>
      %xor3A_253 = arith.xori %iota3A, %xor3A_252 : vector<16xi32>
      %and3A = arith.constant 8 : i32
      %and3A_254 = vector.broadcast %and3A : i32 to vector<16xi32>
      %and3A_255 = arith.andi %iota3A, %and3A_254 : vector<16xi32>
      %ne3A = arith.constant 0 : i32
      %ne3A_256 = vector.broadcast %ne3A : i32 to vector<16xi32>
      %ne3A_257 = arith.cmpi ne, %and3A_255, %ne3A_256 : vector<16xi32>
      %broadcast_in_dim3A = vector.shape_cast %xor3A_253 : vector<16xi32> to vector<16x1xi32>
      %gather3A = vector.shape_cast %broadcast_in_dim3A : vector<16x1xi32> to vector<16xi32>
      %gather3A_258 = tpu.dynamic_gather %get3A_131[%gather3A] in [0] : vector<16xf32>, vector<16xi32> -> vector<16xf32>
      %add3A_259 = arith.addf %get3A_131, %gather3A_258 : vector<16xf32>
      %broadcast_in_dim3A_260 = vector.shape_cast %xor3A_253 : vector<16xi32> to vector<16x1xi32>
      %gather3A_261 = vector.shape_cast %broadcast_in_dim3A_260 : vector<16x1xi32> to vector<16xi32>
      %gather3A_262 = tpu.dynamic_gather %get3A_195[%gather3A_261] in [0] : vector<16xf32>, vector<16xi32> -> vector<16xf32>
      %add3A_263 = arith.addf %get3A_195, %gather3A_262 : vector<16xf32>
      %broadcast_in_dim3A_264 = vector.shape_cast %xor3A_253 : vector<16xi32> to vector<16x1xi32>
      %gather3A_265 = vector.shape_cast %broadcast_in_dim3A_264 : vector<16x1xi32> to vector<16xi32>
      %gather3A_266 = tpu.dynamic_gather %add3A_263[%gather3A_265] in [0] : vector<16xf32>, vector<16xi32> -> vector<16xf32>
      %select_n3A = arith.select %ne3A_257, %gather3A_266, %add3A_259 : vector<16xi1>, vector<16xf32>
      %broadcast_in_dim3A_267 = vector.shape_cast %xor3A_253 : vector<16xi32> to vector<16x1xi32>
      %gather3A_268 = vector.shape_cast %broadcast_in_dim3A_267 : vector<16x1xi32> to vector<16xi32>
      %gather3A_269 = tpu.dynamic_gather %get3A_163[%gather3A_268] in [0] : vector<16xf32>, vector<16xi32> -> vector<16xf32>
      %add3A_270 = arith.addf %get3A_163, %gather3A_269 : vector<16xf32>
      %broadcast_in_dim3A_271 = vector.shape_cast %xor3A_253 : vector<16xi32> to vector<16x1xi32>
      %gather3A_272 = vector.shape_cast %broadcast_in_dim3A_271 : vector<16x1xi32> to vector<16xi32>
      %gather3A_273 = tpu.dynamic_gather %get3A_227[%gather3A_272] in [0] : vector<16xf32>, vector<16xi32> -> vector<16xf32>
      %add3A_274 = arith.addf %get3A_227, %gather3A_273 : vector<16xf32>
      %broadcast_in_dim3A_275 = vector.shape_cast %xor3A_253 : vector<16xi32> to vector<16x1xi32>
      %gather3A_276 = vector.shape_cast %broadcast_in_dim3A_275 : vector<16x1xi32> to vector<16xi32>
      %gather3A_277 = tpu.dynamic_gather %add3A_274[%gather3A_276] in [0] : vector<16xf32>, vector<16xi32> -> vector<16xf32>
      %select_n3A_278 = arith.select %ne3A_257, %gather3A_277, %add3A_270 : vector<16xi1>, vector<16xf32>
      %broadcast_in_dim3A_279 = vector.shape_cast %xor3A_253 : vector<16xi32> to vector<16x1xi32>
      %gather3A_280 = vector.shape_cast %broadcast_in_dim3A_279 : vector<16x1xi32> to vector<16xi32>
      %gather3A_281 = tpu.dynamic_gather %get3A_147[%gather3A_280] in [0] : vector<16xf32>, vector<16xi32> -> vector<16xf32>
      %add3A_282 = arith.addf %get3A_147, %gather3A_281 : vector<16xf32>
      %broadcast_in_dim3A_283 = vector.shape_cast %xor3A_253 : vector<16xi32> to vector<16x1xi32>
      %gather3A_284 = vector.shape_cast %broadcast_in_dim3A_283 : vector<16x1xi32> to vector<16xi32>
      %gather3A_285 = tpu.dynamic_gather %get3A_211[%gather3A_284] in [0] : vector<16xf32>, vector<16xi32> -> vector<16xf32>
      %add3A_286 = arith.addf %get3A_211, %gather3A_285 : vector<16xf32>
      %broadcast_in_dim3A_287 = vector.shape_cast %xor3A_253 : vector<16xi32> to vector<16x1xi32>
      %gather3A_288 = vector.shape_cast %broadcast_in_dim3A_287 : vector<16x1xi32> to vector<16xi32>
      %gather3A_289 = tpu.dynamic_gather %add3A_286[%gather3A_288] in [0] : vector<16xf32>, vector<16xi32> -> vector<16xf32>
      %select_n3A_290 = arith.select %ne3A_257, %gather3A_289, %add3A_282 : vector<16xi1>, vector<16xf32>
      %broadcast_in_dim3A_291 = vector.shape_cast %xor3A_253 : vector<16xi32> to vector<16x1xi32>
      %gather3A_292 = vector.shape_cast %broadcast_in_dim3A_291 : vector<16x1xi32> to vector<16xi32>
      %gather3A_293 = tpu.dynamic_gather %get3A_179[%gather3A_292] in [0] : vector<16xf32>, vector<16xi32> -> vector<16xf32>
      %add3A_294 = arith.addf %get3A_179, %gather3A_293 : vector<16xf32>
      %broadcast_in_dim3A_295 = vector.shape_cast %xor3A_253 : vector<16xi32> to vector<16x1xi32>
      %gather3A_296 = vector.shape_cast %broadcast_in_dim3A_295 : vector<16x1xi32> to vector<16xi32>
      %gather3A_297 = tpu.dynamic_gather %get3A_243[%gather3A_296] in [0] : vector<16xf32>, vector<16xi32> -> vector<16xf32>
      %add3A_298 = arith.addf %get3A_243, %gather3A_297 : vector<16xf32>
      %broadcast_in_dim3A_299 = vector.shape_cast %xor3A_253 : vector<16xi32> to vector<16x1xi32>
      %gather3A_300 = vector.shape_cast %broadcast_in_dim3A_299 : vector<16x1xi32> to vector<16xi32>
      %gather3A_301 = tpu.dynamic_gather %add3A_298[%gather3A_300] in [0] : vector<16xf32>, vector<16xi32> -> vector<16xf32>
      %select_n3A_302 = arith.select %ne3A_257, %gather3A_301, %add3A_294 : vector<16xi1>, vector<16xf32>
      %broadcast_in_dim3A_303 = vector.shape_cast %xor3A_253 : vector<16xi32> to vector<16x1xi32>
      %gather3A_304 = vector.shape_cast %broadcast_in_dim3A_303 : vector<16x1xi32> to vector<16xi32>
      %gather3A_305 = tpu.dynamic_gather %get3A_139[%gather3A_304] in [0] : vector<16xf32>, vector<16xi32> -> vector<16xf32>
      %add3A_306 = arith.addf %get3A_139, %gather3A_305 : vector<16xf32>
      %broadcast_in_dim3A_307 = vector.shape_cast %xor3A_253 : vector<16xi32> to vector<16x1xi32>
      %gather3A_308 = vector.shape_cast %broadcast_in_dim3A_307 : vector<16x1xi32> to vector<16xi32>
      %gather3A_309 = tpu.dynamic_gather %get3A_203[%gather3A_308] in [0] : vector<16xf32>, vector<16xi32> -> vector<16xf32>
      %add3A_310 = arith.addf %get3A_203, %gather3A_309 : vector<16xf32>
      %broadcast_in_dim3A_311 = vector.shape_cast %xor3A_253 : vector<16xi32> to vector<16x1xi32>
      %gather3A_312 = vector.shape_cast %broadcast_in_dim3A_311 : vector<16x1xi32> to vector<16xi32>
      %gather3A_313 = tpu.dynamic_gather %add3A_310[%gather3A_312] in [0] : vector<16xf32>, vector<16xi32> -> vector<16xf32>
      %select_n3A_314 = arith.select %ne3A_257, %gather3A_313, %add3A_306 : vector<16xi1>, vector<16xf32>
      %broadcast_in_dim3A_315 = vector.shape_cast %xor3A_253 : vector<16xi32> to vector<16x1xi32>
      %gather3A_316 = vector.shape_cast %broadcast_in_dim3A_315 : vector<16x1xi32> to vector<16xi32>
      %gather3A_317 = tpu.dynamic_gather %get3A_171[%gather3A_316] in [0] : vector<16xf32>, vector<16xi32> -> vector<16xf32>
      %add3A_318 = arith.addf %get3A_171, %gather3A_317 : vector<16xf32>
      %broadcast_in_dim3A_319 = vector.shape_cast %xor3A_253 : vector<16xi32> to vector<16x1xi32>
      %gather3A_320 = vector.shape_cast %broadcast_in_dim3A_319 : vector<16x1xi32> to vector<16xi32>
      %gather3A_321 = tpu.dynamic_gather %get3A_235[%gather3A_320] in [0] : vector<16xf32>, vector<16xi32> -> vector<16xf32>
      %add3A_322 = arith.addf %get3A_235, %gather3A_321 : vector<16xf32>
      %broadcast_in_dim3A_323 = vector.shape_cast %xor3A_253 : vector<16xi32> to vector<16x1xi32>
      %gather3A_324 = vector.shape_cast %broadcast_in_dim3A_323 : vector<16x1xi32> to vector<16xi32>
      %gather3A_325 = tpu.dynamic_gather %add3A_322[%gather3A_324] in [0] : vector<16xf32>, vector<16xi32> -> vector<16xf32>
      %select_n3A_326 = arith.select %ne3A_257, %gather3A_325, %add3A_318 : vector<16xi1>, vector<16xf32>
      %broadcast_in_dim3A_327 = vector.shape_cast %xor3A_253 : vector<16xi32> to vector<16x1xi32>
      %gather3A_328 = vector.shape_cast %broadcast_in_dim3A_327 : vector<16x1xi32> to vector<16xi32>
      %gather3A_329 = tpu.dynamic_gather %get3A_155[%gather3A_328] in [0] : vector<16xf32>, vector<16xi32> -> vector<16xf32>
      %add3A_330 = arith.addf %get3A_155, %gather3A_329 : vector<16xf32>
      %broadcast_in_dim3A_331 = vector.shape_cast %xor3A_253 : vector<16xi32> to vector<16x1xi32>
      %gather3A_332 = vector.shape_cast %broadcast_in_dim3A_331 : vector<16x1xi32> to vector<16xi32>
      %gather3A_333 = tpu.dynamic_gather %get3A_219[%gather3A_332] in [0] : vector<16xf32>, vector<16xi32> -> vector<16xf32>
      %add3A_334 = arith.addf %get3A_219, %gather3A_333 : vector<16xf32>
      %broadcast_in_dim3A_335 = vector.shape_cast %xor3A_253 : vector<16xi32> to vector<16x1xi32>
      %gather3A_336 = vector.shape_cast %broadcast_in_dim3A_335 : vector<16x1xi32> to vector<16xi32>
      %gather3A_337 = tpu.dynamic_gather %add3A_334[%gather3A_336] in [0] : vector<16xf32>, vector<16xi32> -> vector<16xf32>
      %select_n3A_338 = arith.select %ne3A_257, %gather3A_337, %add3A_330 : vector<16xi1>, vector<16xf32>
      %broadcast_in_dim3A_339 = vector.shape_cast %xor3A_253 : vector<16xi32> to vector<16x1xi32>
      %gather3A_340 = vector.shape_cast %broadcast_in_dim3A_339 : vector<16x1xi32> to vector<16xi32>
      %gather3A_341 = tpu.dynamic_gather %get3A_187[%gather3A_340] in [0] : vector<16xf32>, vector<16xi32> -> vector<16xf32>
      %add3A_342 = arith.addf %get3A_187, %gather3A_341 : vector<16xf32>
      %broadcast_in_dim3A_343 = vector.shape_cast %xor3A_253 : vector<16xi32> to vector<16x1xi32>
      %gather3A_344 = vector.shape_cast %broadcast_in_dim3A_343 : vector<16x1xi32> to vector<16xi32>
      %gather3A_345 = tpu.dynamic_gather %get3A_251[%gather3A_344] in [0] : vector<16xf32>, vector<16xi32> -> vector<16xf32>
      %add3A_346 = arith.addf %get3A_251, %gather3A_345 : vector<16xf32>
      %broadcast_in_dim3A_347 = vector.shape_cast %xor3A_253 : vector<16xi32> to vector<16x1xi32>
      %gather3A_348 = vector.shape_cast %broadcast_in_dim3A_347 : vector<16x1xi32> to vector<16xi32>
      %gather3A_349 = tpu.dynamic_gather %add3A_346[%gather3A_348] in [0] : vector<16xf32>, vector<16xi32> -> vector<16xf32>
      %select_n3A_350 = arith.select %ne3A_257, %gather3A_349, %add3A_342 : vector<16xi1>, vector<16xf32>
      %xor3A_351 = arith.constant 4 : i32
      %xor3A_352 = vector.broadcast %xor3A_351 : i32 to vector<16xi32>
      %xor3A_353 = arith.xori %iota3A, %xor3A_352 : vector<16xi32>
      %and3A_354 = arith.constant 4 : i32
      %and3A_355 = vector.broadcast %and3A_354 : i32 to vector<16xi32>
      %and3A_356 = arith.andi %iota3A, %and3A_355 : vector<16xi32>
      %ne3A_357 = arith.constant 0 : i32
      %ne3A_358 = vector.broadcast %ne3A_357 : i32 to vector<16xi32>
      %ne3A_359 = arith.cmpi ne, %and3A_356, %ne3A_358 : vector<16xi32>
      %broadcast_in_dim3A_360 = vector.shape_cast %xor3A_353 : vector<16xi32> to vector<16x1xi32>
      %gather3A_361 = vector.shape_cast %broadcast_in_dim3A_360 : vector<16x1xi32> to vector<16xi32>
      %gather3A_362 = tpu.dynamic_gather %select_n3A[%gather3A_361] in [0] : vector<16xf32>, vector<16xi32> -> vector<16xf32>
      %add3A_363 = arith.addf %select_n3A, %gather3A_362 : vector<16xf32>
      %broadcast_in_dim3A_364 = vector.shape_cast %xor3A_353 : vector<16xi32> to vector<16x1xi32>
      %gather3A_365 = vector.shape_cast %broadcast_in_dim3A_364 : vector<16x1xi32> to vector<16xi32>
      %gather3A_366 = tpu.dynamic_gather %select_n3A_278[%gather3A_365] in [0] : vector<16xf32>, vector<16xi32> -> vector<16xf32>
      %add3A_367 = arith.addf %select_n3A_278, %gather3A_366 : vector<16xf32>
      %broadcast_in_dim3A_368 = vector.shape_cast %xor3A_353 : vector<16xi32> to vector<16x1xi32>
      %gather3A_369 = vector.shape_cast %broadcast_in_dim3A_368 : vector<16x1xi32> to vector<16xi32>
      %gather3A_370 = tpu.dynamic_gather %add3A_367[%gather3A_369] in [0] : vector<16xf32>, vector<16xi32> -> vector<16xf32>
      %select_n3A_371 = arith.select %ne3A_359, %gather3A_370, %add3A_363 : vector<16xi1>, vector<16xf32>
      %broadcast_in_dim3A_372 = vector.shape_cast %xor3A_353 : vector<16xi32> to vector<16x1xi32>
      %gather3A_373 = vector.shape_cast %broadcast_in_dim3A_372 : vector<16x1xi32> to vector<16xi32>
      %gather3A_374 = tpu.dynamic_gather %select_n3A_290[%gather3A_373] in [0] : vector<16xf32>, vector<16xi32> -> vector<16xf32>
      %add3A_375 = arith.addf %select_n3A_290, %gather3A_374 : vector<16xf32>
      %broadcast_in_dim3A_376 = vector.shape_cast %xor3A_353 : vector<16xi32> to vector<16x1xi32>
      %gather3A_377 = vector.shape_cast %broadcast_in_dim3A_376 : vector<16x1xi32> to vector<16xi32>
      %gather3A_378 = tpu.dynamic_gather %select_n3A_302[%gather3A_377] in [0] : vector<16xf32>, vector<16xi32> -> vector<16xf32>
      %add3A_379 = arith.addf %select_n3A_302, %gather3A_378 : vector<16xf32>
      %broadcast_in_dim3A_380 = vector.shape_cast %xor3A_353 : vector<16xi32> to vector<16x1xi32>
      %gather3A_381 = vector.shape_cast %broadcast_in_dim3A_380 : vector<16x1xi32> to vector<16xi32>
      %gather3A_382 = tpu.dynamic_gather %add3A_379[%gather3A_381] in [0] : vector<16xf32>, vector<16xi32> -> vector<16xf32>
      %select_n3A_383 = arith.select %ne3A_359, %gather3A_382, %add3A_375 : vector<16xi1>, vector<16xf32>
      %broadcast_in_dim3A_384 = vector.shape_cast %xor3A_353 : vector<16xi32> to vector<16x1xi32>
      %gather3A_385 = vector.shape_cast %broadcast_in_dim3A_384 : vector<16x1xi32> to vector<16xi32>
      %gather3A_386 = tpu.dynamic_gather %select_n3A_314[%gather3A_385] in [0] : vector<16xf32>, vector<16xi32> -> vector<16xf32>
      %add3A_387 = arith.addf %select_n3A_314, %gather3A_386 : vector<16xf32>
      %broadcast_in_dim3A_388 = vector.shape_cast %xor3A_353 : vector<16xi32> to vector<16x1xi32>
      %gather3A_389 = vector.shape_cast %broadcast_in_dim3A_388 : vector<16x1xi32> to vector<16xi32>
      %gather3A_390 = tpu.dynamic_gather %select_n3A_326[%gather3A_389] in [0] : vector<16xf32>, vector<16xi32> -> vector<16xf32>
      %add3A_391 = arith.addf %select_n3A_326, %gather3A_390 : vector<16xf32>
      %broadcast_in_dim3A_392 = vector.shape_cast %xor3A_353 : vector<16xi32> to vector<16x1xi32>
      %gather3A_393 = vector.shape_cast %broadcast_in_dim3A_392 : vector<16x1xi32> to vector<16xi32>
      %gather3A_394 = tpu.dynamic_gather %add3A_391[%gather3A_393] in [0] : vector<16xf32>, vector<16xi32> -> vector<16xf32>
      %select_n3A_395 = arith.select %ne3A_359, %gather3A_394, %add3A_387 : vector<16xi1>, vector<16xf32>
      %broadcast_in_dim3A_396 = vector.shape_cast %xor3A_353 : vector<16xi32> to vector<16x1xi32>
      %gather3A_397 = vector.shape_cast %broadcast_in_dim3A_396 : vector<16x1xi32> to vector<16xi32>
      %gather3A_398 = tpu.dynamic_gather %select_n3A_338[%gather3A_397] in [0] : vector<16xf32>, vector<16xi32> -> vector<16xf32>
      %add3A_399 = arith.addf %select_n3A_338, %gather3A_398 : vector<16xf32>
      %broadcast_in_dim3A_400 = vector.shape_cast %xor3A_353 : vector<16xi32> to vector<16x1xi32>
      %gather3A_401 = vector.shape_cast %broadcast_in_dim3A_400 : vector<16x1xi32> to vector<16xi32>
      %gather3A_402 = tpu.dynamic_gather %select_n3A_350[%gather3A_401] in [0] : vector<16xf32>, vector<16xi32> -> vector<16xf32>
      %add3A_403 = arith.addf %select_n3A_350, %gather3A_402 : vector<16xf32>
      %broadcast_in_dim3A_404 = vector.shape_cast %xor3A_353 : vector<16xi32> to vector<16x1xi32>
      %gather3A_405 = vector.shape_cast %broadcast_in_dim3A_404 : vector<16x1xi32> to vector<16xi32>
      %gather3A_406 = tpu.dynamic_gather %add3A_403[%gather3A_405] in [0] : vector<16xf32>, vector<16xi32> -> vector<16xf32>
      %select_n3A_407 = arith.select %ne3A_359, %gather3A_406, %add3A_399 : vector<16xi1>, vector<16xf32>
      %xor3A_408 = arith.constant 2 : i32
      %xor3A_409 = vector.broadcast %xor3A_408 : i32 to vector<16xi32>
      %xor3A_410 = arith.xori %iota3A, %xor3A_409 : vector<16xi32>
      %and3A_411 = arith.constant 2 : i32
      %and3A_412 = vector.broadcast %and3A_411 : i32 to vector<16xi32>
      %and3A_413 = arith.andi %iota3A, %and3A_412 : vector<16xi32>
      %ne3A_414 = arith.constant 0 : i32
      %ne3A_415 = vector.broadcast %ne3A_414 : i32 to vector<16xi32>
      %ne3A_416 = arith.cmpi ne, %and3A_413, %ne3A_415 : vector<16xi32>
      %broadcast_in_dim3A_417 = vector.shape_cast %xor3A_410 : vector<16xi32> to vector<16x1xi32>
      %gather3A_418 = vector.shape_cast %broadcast_in_dim3A_417 : vector<16x1xi32> to vector<16xi32>
      %gather3A_419 = tpu.dynamic_gather %select_n3A_371[%gather3A_418] in [0] : vector<16xf32>, vector<16xi32> -> vector<16xf32>
      %add3A_420 = arith.addf %select_n3A_371, %gather3A_419 : vector<16xf32>
      %broadcast_in_dim3A_421 = vector.shape_cast %xor3A_410 : vector<16xi32> to vector<16x1xi32>
      %gather3A_422 = vector.shape_cast %broadcast_in_dim3A_421 : vector<16x1xi32> to vector<16xi32>
      %gather3A_423 = tpu.dynamic_gather %select_n3A_383[%gather3A_422] in [0] : vector<16xf32>, vector<16xi32> -> vector<16xf32>
      %add3A_424 = arith.addf %select_n3A_383, %gather3A_423 : vector<16xf32>
      %broadcast_in_dim3A_425 = vector.shape_cast %xor3A_410 : vector<16xi32> to vector<16x1xi32>
      %gather3A_426 = vector.shape_cast %broadcast_in_dim3A_425 : vector<16x1xi32> to vector<16xi32>
      %gather3A_427 = tpu.dynamic_gather %add3A_424[%gather3A_426] in [0] : vector<16xf32>, vector<16xi32> -> vector<16xf32>
      %select_n3A_428 = arith.select %ne3A_416, %gather3A_427, %add3A_420 : vector<16xi1>, vector<16xf32>
      %broadcast_in_dim3A_429 = vector.shape_cast %xor3A_410 : vector<16xi32> to vector<16x1xi32>
      %gather3A_430 = vector.shape_cast %broadcast_in_dim3A_429 : vector<16x1xi32> to vector<16xi32>
      %gather3A_431 = tpu.dynamic_gather %select_n3A_395[%gather3A_430] in [0] : vector<16xf32>, vector<16xi32> -> vector<16xf32>
      %add3A_432 = arith.addf %select_n3A_395, %gather3A_431 : vector<16xf32>
      %broadcast_in_dim3A_433 = vector.shape_cast %xor3A_410 : vector<16xi32> to vector<16x1xi32>
      %gather3A_434 = vector.shape_cast %broadcast_in_dim3A_433 : vector<16x1xi32> to vector<16xi32>
      %gather3A_435 = tpu.dynamic_gather %select_n3A_407[%gather3A_434] in [0] : vector<16xf32>, vector<16xi32> -> vector<16xf32>
      %add3A_436 = arith.addf %select_n3A_407, %gather3A_435 : vector<16xf32>
      %broadcast_in_dim3A_437 = vector.shape_cast %xor3A_410 : vector<16xi32> to vector<16x1xi32>
      %gather3A_438 = vector.shape_cast %broadcast_in_dim3A_437 : vector<16x1xi32> to vector<16xi32>
      %gather3A_439 = tpu.dynamic_gather %add3A_436[%gather3A_438] in [0] : vector<16xf32>, vector<16xi32> -> vector<16xf32>
      %select_n3A_440 = arith.select %ne3A_416, %gather3A_439, %add3A_432 : vector<16xi1>, vector<16xf32>
      %xor3A_441 = arith.constant 1 : i32
      %xor3A_442 = vector.broadcast %xor3A_441 : i32 to vector<16xi32>
      %xor3A_443 = arith.xori %iota3A, %xor3A_442 : vector<16xi32>
      %and3A_444 = arith.constant 1 : i32
      %and3A_445 = vector.broadcast %and3A_444 : i32 to vector<16xi32>
      %and3A_446 = arith.andi %iota3A, %and3A_445 : vector<16xi32>
      %ne3A_447 = arith.constant 0 : i32
      %ne3A_448 = vector.broadcast %ne3A_447 : i32 to vector<16xi32>
      %ne3A_449 = arith.cmpi ne, %and3A_446, %ne3A_448 : vector<16xi32>
      %broadcast_in_dim3A_450 = vector.shape_cast %xor3A_443 : vector<16xi32> to vector<16x1xi32>
      %gather3A_451 = vector.shape_cast %broadcast_in_dim3A_450 : vector<16x1xi32> to vector<16xi32>
      %gather3A_452 = tpu.dynamic_gather %select_n3A_428[%gather3A_451] in [0] : vector<16xf32>, vector<16xi32> -> vector<16xf32>
      %add3A_453 = arith.addf %select_n3A_428, %gather3A_452 : vector<16xf32>
      %broadcast_in_dim3A_454 = vector.shape_cast %xor3A_443 : vector<16xi32> to vector<16x1xi32>
      %gather3A_455 = vector.shape_cast %broadcast_in_dim3A_454 : vector<16x1xi32> to vector<16xi32>
      %gather3A_456 = tpu.dynamic_gather %select_n3A_440[%gather3A_455] in [0] : vector<16xf32>, vector<16xi32> -> vector<16xf32>
      %add3A_457 = arith.addf %select_n3A_440, %gather3A_456 : vector<16xf32>
      %broadcast_in_dim3A_458 = vector.shape_cast %xor3A_443 : vector<16xi32> to vector<16x1xi32>
      %gather3A_459 = vector.shape_cast %broadcast_in_dim3A_458 : vector<16x1xi32> to vector<16xi32>
      %gather3A_460 = tpu.dynamic_gather %add3A_457[%gather3A_459] in [0] : vector<16xf32>, vector<16xi32> -> vector<16xf32>
      %select_n3A_461 = arith.select %ne3A_449, %gather3A_460, %add3A_453 : vector<16xi1>, vector<16xf32>
      %mul3A_462 = arith.constant 16 : i32
      %mul3A_463 = arith.muli %add3A_124, %mul3A_462 : i32
      %add3A_464 = arith.constant 128 : i32
      %add3A_465 = arith.addi %add3A_464, %mul3A_463 : i32
      %swap3A = arith.index_cast %add3A_465 : i32 to index
      %swap3A_466 = tpu.vector_load %arg13[%swap3A] {strides = array<i32>} : memref<512xf32, #tpu.memory_space<vmem>>, vector<16xf32>,
      %swap3A_467 = vector.shape_cast %swap3A_466 : vector<16xf32> to vector<16xf32>
      %swap3A_468 = vector.shape_cast %select_n3A_461 : vector<16xf32> to vector<16xf32>
      tpu.vector_store %arg13[%swap3A], %swap3A_468 {strides = array<i32>} : memref<512xf32, #tpu.memory_space<vmem>>, vector<16xf32>,
    }
    %scan3A_69 = arith.constant 8 : i32
    %dma_start3A_70 = arith.constant 384 : i32
    %dma_start3A_71 = tpu.memref_slice %arg7[%dma_start3A_70] : memref<512xi32, #tpu.memory_space<vmem>> -> memref<128xi32, #tpu.memory_space<vmem>>
    %dma_start3A_72 = arith.constant 0 : i32
    %dma_start3A_73 = arith.constant 0 : i32
    %dma_start3A_74 = tpu.memref_slice %arg4[%dma_start3A_72, %dma_start3A_73] : memref<1000000x128xf32, #tpu.memory_space<hbm>> -> memref<1000000x128xf32, #tpu.memory_space<hbm>>
    tpu.enqueue_indirect_dma source(%dma_start3A_74 : memref<1000000x128xf32, #tpu.memory_space<hbm>>) target(%arg10 : memref<128x128xf32, #tpu.memory_space<vmem>>) offsets(%dma_start3A_71 : memref<128xi32, #tpu.memory_space<vmem>>) semaphore(%arg16 : memref<!tpu.dma_semaphore, #tpu.memory_space<semaphore_mem>>)
    %dma_start3A_75 = arith.constant 384 : i32
    %dma_start3A_76 = tpu.memref_slice %arg8[%dma_start3A_75] : memref<512xi32, #tpu.memory_space<vmem>> -> memref<128xi32, #tpu.memory_space<vmem>>
    %dma_start3A_77 = arith.constant 0 : i32
    %dma_start3A_78 = arith.constant 0 : i32
    %dma_start3A_79 = tpu.memref_slice %arg5[%dma_start3A_77, %dma_start3A_78] : memref<1000000x128xf32, #tpu.memory_space<hbm>> -> memref<1000000x128xf32, #tpu.memory_space<hbm>>
    tpu.enqueue_indirect_dma source(%dma_start3A_79 : memref<1000000x128xf32, #tpu.memory_space<hbm>>) target(%arg12 : memref<128x128xf32, #tpu.memory_space<vmem>>) offsets(%dma_start3A_76 : memref<128xi32, #tpu.memory_space<vmem>>) semaphore(%arg16 : memref<!tpu.dma_semaphore, #tpu.memory_space<semaphore_mem>>)
    %dma_wait3A_80 = arith.constant 256 : i32
    %dma_wait3A_81 = tpu.memref_slice %arg7[%dma_wait3A_80] : memref<512xi32, #tpu.memory_space<vmem>> -> memref<128xi32, #tpu.memory_space<vmem>>
    %dma_wait3A_82 = arith.constant 0 : i32
    %dma_wait3A_83 = arith.constant 0 : i32
    %dma_wait3A_84 = tpu.memref_slice %arg4[%dma_wait3A_82, %dma_wait3A_83] : memref<1000000x128xf32, #tpu.memory_space<hbm>> -> memref<1000000x128xf32, #tpu.memory_space<hbm>>
    tpu.wait_indirect_dma semaphore(%arg15 : memref<!tpu.dma_semaphore, #tpu.memory_space<semaphore_mem>>) src(%dma_wait3A_84 : memref<1000000x128xf32, #tpu.memory_space<hbm>>) dst(%arg9 : memref<128x128xf32, #tpu.memory_space<vmem>>)
    %dma_wait3A_85 = arith.constant 256 : i32
    %dma_wait3A_86 = tpu.memref_slice %arg8[%dma_wait3A_85] : memref<512xi32, #tpu.memory_space<vmem>> -> memref<128xi32, #tpu.memory_space<vmem>>
    %dma_wait3A_87 = arith.constant 0 : i32
    %dma_wait3A_88 = arith.constant 0 : i32
    %dma_wait3A_89 = tpu.memref_slice %arg5[%dma_wait3A_87, %dma_wait3A_88] : memref<1000000x128xf32, #tpu.memory_space<hbm>> -> memref<1000000x128xf32, #tpu.memory_space<hbm>>
    tpu.wait_indirect_dma semaphore(%arg15 : memref<!tpu.dma_semaphore, #tpu.memory_space<semaphore_mem>>) src(%dma_wait3A_89 : memref<1000000x128xf32, #tpu.memory_space<hbm>>) dst(%arg11 : memref<128x128xf32, #tpu.memory_space<vmem>>)
    %scan3A_90 = arith.constant 0 : i32
    %scan3A_91 = arith.constant 128 : i32
    %scan3A_92 = arith.addi %scan3A_90, %scan3A_91 : i32
    %scan3A_93 = arith.constant 1 : i32
    scf.for %scan3A_120 = %scan3A_90 to %scan3A_92 step %scan3A_93  : i32 {
      %mul3A_121 = arith.constant 1 : i32
      %mul3A_122 = arith.muli %scan3A_120, %mul3A_121 : i32
      %add3A_123 = arith.constant 0 : i32
      %add3A_124 = arith.addi %add3A_123, %mul3A_122 : i32
      %get3A = arith.index_cast %add3A_124 : i32 to index
      %get3A_125 = arith.constant 0 : index
      %get3A_126 = tpu.vector_load %arg9[%get3A, %get3A_125] {strides = array<i32>} : memref<128x128xf32, #tpu.memory_space<vmem>>, vector<1x16xf32>,
      %get3A_127 = vector.shape_cast %get3A_126 : vector<1x16xf32> to vector<16xf32>
      %get3A_128 = arith.index_cast %add3A_124 : i32 to index
      %get3A_129 = arith.constant 0 : index
      %get3A_130 = tpu.vector_load %arg11[%get3A_128, %get3A_129] {strides = array<i32>} : memref<128x128xf32, #tpu.memory_space<vmem>>, vector<1x16xf32>,
      %get3A_131 = vector.shape_cast %get3A_130 : vector<1x16xf32> to vector<16xf32>
      %mul3A_132 = arith.mulf %get3A_127, %get3A_131 : vector<16xf32>
      %get3A_133 = arith.index_cast %add3A_124 : i32 to index
      %get3A_134 = arith.constant 16 : index
      %get3A_135 = tpu.vector_load %arg9[%get3A_133, %get3A_134] {strides = array<i32>} : memref<128x128xf32, #tpu.memory_space<vmem>>, vector<1x16xf32>,
      %get3A_136 = vector.shape_cast %get3A_135 : vector<1x16xf32> to vector<16xf32>
      %get3A_137 = arith.index_cast %add3A_124 : i32 to index
      %get3A_138 = arith.constant 16 : index
      %get3A_139 = tpu.vector_load %arg11[%get3A_137, %get3A_138] {strides = array<i32>} : memref<128x128xf32, #tpu.memory_space<vmem>>, vector<1x16xf32>,
      %get3A_140 = vector.shape_cast %get3A_139 : vector<1x16xf32> to vector<16xf32>
      %mul3A_141 = arith.mulf %get3A_136, %get3A_140 : vector<16xf32>
      %get3A_142 = arith.index_cast %add3A_124 : i32 to index
      %get3A_143 = arith.constant 32 : index
      %get3A_144 = tpu.vector_load %arg9[%get3A_142, %get3A_143] {strides = array<i32>} : memref<128x128xf32, #tpu.memory_space<vmem>>, vector<1x16xf32>,
      %get3A_145 = vector.shape_cast %get3A_144 : vector<1x16xf32> to vector<16xf32>
      %get3A_146 = arith.index_cast %add3A_124 : i32 to index
      %get3A_147 = arith.constant 32 : index
      %get3A_148 = tpu.vector_load %arg11[%get3A_146, %get3A_147] {strides = array<i32>} : memref<128x128xf32, #tpu.memory_space<vmem>>, vector<1x16xf32>,
      %get3A_149 = vector.shape_cast %get3A_148 : vector<1x16xf32> to vector<16xf32>
      %mul3A_150 = arith.mulf %get3A_145, %get3A_149 : vector<16xf32>
      %get3A_151 = arith.index_cast %add3A_124 : i32 to index
      %get3A_152 = arith.constant 48 : index
      %get3A_153 = tpu.vector_load %arg9[%get3A_151, %get3A_152] {strides = array<i32>} : memref<128x128xf32, #tpu.memory_space<vmem>>, vector<1x16xf32>,
      %get3A_154 = vector.shape_cast %get3A_153 : vector<1x16xf32> to vector<16xf32>
      %get3A_155 = arith.index_cast %add3A_124 : i32 to index
      %get3A_156 = arith.constant 48 : index
      %get3A_157 = tpu.vector_load %arg11[%get3A_155, %get3A_156] {strides = array<i32>} : memref<128x128xf32, #tpu.memory_space<vmem>>, vector<1x16xf32>,
      %get3A_158 = vector.shape_cast %get3A_157 : vector<1x16xf32> to vector<16xf32>
      %mul3A_159 = arith.mulf %get3A_154, %get3A_158 : vector<16xf32>
      %get3A_160 = arith.index_cast %add3A_124 : i32 to index
      %get3A_161 = arith.constant 64 : index
      %get3A_162 = tpu.vector_load %arg9[%get3A_160, %get3A_161] {strides = array<i32>} : memref<128x128xf32, #tpu.memory_space<vmem>>, vector<1x16xf32>,
      %get3A_163 = vector.shape_cast %get3A_162 : vector<1x16xf32> to vector<16xf32>
      %get3A_164 = arith.index_cast %add3A_124 : i32 to index
      %get3A_165 = arith.constant 64 : index
      %get3A_166 = tpu.vector_load %arg11[%get3A_164, %get3A_165] {strides = array<i32>} : memref<128x128xf32, #tpu.memory_space<vmem>>, vector<1x16xf32>,
      %get3A_167 = vector.shape_cast %get3A_166 : vector<1x16xf32> to vector<16xf32>
      %mul3A_168 = arith.mulf %get3A_163, %get3A_167 : vector<16xf32>
      %get3A_169 = arith.index_cast %add3A_124 : i32 to index
      %get3A_170 = arith.constant 80 : index
      %get3A_171 = tpu.vector_load %arg9[%get3A_169, %get3A_170] {strides = array<i32>} : memref<128x128xf32, #tpu.memory_space<vmem>>, vector<1x16xf32>,
      %get3A_172 = vector.shape_cast %get3A_171 : vector<1x16xf32> to vector<16xf32>
      %get3A_173 = arith.index_cast %add3A_124 : i32 to index
      %get3A_174 = arith.constant 80 : index
      %get3A_175 = tpu.vector_load %arg11[%get3A_173, %get3A_174] {strides = array<i32>} : memref<128x128xf32, #tpu.memory_space<vmem>>, vector<1x16xf32>,
      %get3A_176 = vector.shape_cast %get3A_175 : vector<1x16xf32> to vector<16xf32>
      %mul3A_177 = arith.mulf %get3A_172, %get3A_176 : vector<16xf32>
      %get3A_178 = arith.index_cast %add3A_124 : i32 to index
      %get3A_179 = arith.constant 96 : index
      %get3A_180 = tpu.vector_load %arg9[%get3A_178, %get3A_179] {strides = array<i32>} : memref<128x128xf32, #tpu.memory_space<vmem>>, vector<1x16xf32>,
      %get3A_181 = vector.shape_cast %get3A_180 : vector<1x16xf32> to vector<16xf32>
      %get3A_182 = arith.index_cast %add3A_124 : i32 to index
      %get3A_183 = arith.constant 96 : index
      %get3A_184 = tpu.vector_load %arg11[%get3A_182, %get3A_183] {strides = array<i32>} : memref<128x128xf32, #tpu.memory_space<vmem>>, vector<1x16xf32>,
      %get3A_185 = vector.shape_cast %get3A_184 : vector<1x16xf32> to vector<16xf32>
      %mul3A_186 = arith.mulf %get3A_181, %get3A_185 : vector<16xf32>
      %get3A_187 = arith.index_cast %add3A_124 : i32 to index
      %get3A_188 = arith.constant 112 : index
      %get3A_189 = tpu.vector_load %arg9[%get3A_187, %get3A_188] {strides = array<i32>} : memref<128x128xf32, #tpu.memory_space<vmem>>, vector<1x16xf32>,
      %get3A_190 = vector.shape_cast %get3A_189 : vector<1x16xf32> to vector<16xf32>
      %get3A_191 = arith.index_cast %add3A_124 : i32 to index
      %get3A_192 = arith.constant 112 : index
      %get3A_193 = tpu.vector_load %arg11[%get3A_191, %get3A_192] {strides = array<i32>} : memref<128x128xf32, #tpu.memory_space<vmem>>, vector<1x16xf32>,
      %get3A_194 = vector.shape_cast %get3A_193 : vector<1x16xf32> to vector<16xf32>
      %mul3A_195 = arith.mulf %get3A_190, %get3A_194 : vector<16xf32>
      %add3A_196 = arith.addf %mul3A_132, %mul3A_141 : vector<16xf32>
      %add3A_197 = arith.addf %mul3A_150, %mul3A_159 : vector<16xf32>
      %add3A_198 = arith.addf %mul3A_168, %mul3A_177 : vector<16xf32>
      %add3A_199 = arith.addf %mul3A_186, %mul3A_195 : vector<16xf32>
      %add3A_200 = arith.addf %add3A_196, %add3A_197 : vector<16xf32>
      %add3A_201 = arith.addf %add3A_198, %add3A_199 : vector<16xf32>
      %add3A_202 = arith.addf %add3A_200, %add3A_201 : vector<16xf32>
      %swap3A = arith.index_cast %add3A_124 : i32 to index
      %swap3A_203 = arith.constant 0 : index
      %swap3A_204 = tpu.vector_load %arg14[%swap3A, %swap3A_203] {strides = array<i32>} : memref<128x16xf32, #tpu.memory_space<vmem>>, vector<1x16xf32>,
      %swap3A_205 = vector.shape_cast %swap3A_204 : vector<1x16xf32> to vector<16xf32>
      %swap3A_206 = vector.shape_cast %add3A_202 : vector<16xf32> to vector<1x16xf32>
      tpu.vector_store %arg14[%swap3A, %swap3A_203], %swap3A_206 {strides = array<i32>} : memref<128x16xf32, #tpu.memory_space<vmem>>, vector<1x16xf32>,
    }
    %scan3A_94 = arith.constant 128 : i32
    %scan3A_95 = arith.constant 0 : i32
    %scan3A_96 = arith.constant 8 : i32
    %scan3A_97 = arith.addi %scan3A_95, %scan3A_96 : i32
    %scan3A_98 = arith.constant 1 : i32
    scf.for %scan3A_120 = %scan3A_95 to %scan3A_97 step %scan3A_98  : i32 {
      %mul3A_121 = arith.constant 1 : i32
      %mul3A_122 = arith.muli %scan3A_120, %mul3A_121 : i32
      %add3A_123 = arith.constant 0 : i32
      %add3A_124 = arith.addi %add3A_123, %mul3A_122 : i32
      %mul3A_125 = arith.constant 16 : i32
      %mul3A_126 = arith.muli %add3A_124, %mul3A_125 : i32
      %add3A_127 = arith.constant 0 : i32
      %add3A_128 = arith.addi %mul3A_126, %add3A_127 : i32
      %get3A = arith.index_cast %add3A_128 : i32 to index
      %get3A_129 = arith.constant 0 : index
      %get3A_130 = tpu.vector_load %arg14[%get3A, %get3A_129] {strides = array<i32>} : memref<128x16xf32, #tpu.memory_space<vmem>>, vector<1x16xf32>,
      %get3A_131 = vector.shape_cast %get3A_130 : vector<1x16xf32> to vector<16xf32>
      %mul3A_132 = arith.constant 16 : i32
      %mul3A_133 = arith.muli %add3A_124, %mul3A_132 : i32
      %add3A_134 = arith.constant 1 : i32
      %add3A_135 = arith.addi %mul3A_133, %add3A_134 : i32
      %get3A_136 = arith.index_cast %add3A_135 : i32 to index
      %get3A_137 = arith.constant 0 : index
      %get3A_138 = tpu.vector_load %arg14[%get3A_136, %get3A_137] {strides = array<i32>} : memref<128x16xf32, #tpu.memory_space<vmem>>, vector<1x16xf32>,
      %get3A_139 = vector.shape_cast %get3A_138 : vector<1x16xf32> to vector<16xf32>
      %mul3A_140 = arith.constant 16 : i32
      %mul3A_141 = arith.muli %add3A_124, %mul3A_140 : i32
      %add3A_142 = arith.constant 2 : i32
      %add3A_143 = arith.addi %mul3A_141, %add3A_142 : i32
      %get3A_144 = arith.index_cast %add3A_143 : i32 to index
      %get3A_145 = arith.constant 0 : index
      %get3A_146 = tpu.vector_load %arg14[%get3A_144, %get3A_145] {strides = array<i32>} : memref<128x16xf32, #tpu.memory_space<vmem>>, vector<1x16xf32>,
      %get3A_147 = vector.shape_cast %get3A_146 : vector<1x16xf32> to vector<16xf32>
      %mul3A_148 = arith.constant 16 : i32
      %mul3A_149 = arith.muli %add3A_124, %mul3A_148 : i32
      %add3A_150 = arith.constant 3 : i32
      %add3A_151 = arith.addi %mul3A_149, %add3A_150 : i32
      %get3A_152 = arith.index_cast %add3A_151 : i32 to index
      %get3A_153 = arith.constant 0 : index
      %get3A_154 = tpu.vector_load %arg14[%get3A_152, %get3A_153] {strides = array<i32>} : memref<128x16xf32, #tpu.memory_space<vmem>>, vector<1x16xf32>,
      %get3A_155 = vector.shape_cast %get3A_154 : vector<1x16xf32> to vector<16xf32>
      %mul3A_156 = arith.constant 16 : i32
      %mul3A_157 = arith.muli %add3A_124, %mul3A_156 : i32
      %add3A_158 = arith.constant 4 : i32
      %add3A_159 = arith.addi %mul3A_157, %add3A_158 : i32
      %get3A_160 = arith.index_cast %add3A_159 : i32 to index
      %get3A_161 = arith.constant 0 : index
      %get3A_162 = tpu.vector_load %arg14[%get3A_160, %get3A_161] {strides = array<i32>} : memref<128x16xf32, #tpu.memory_space<vmem>>, vector<1x16xf32>,
      %get3A_163 = vector.shape_cast %get3A_162 : vector<1x16xf32> to vector<16xf32>
      %mul3A_164 = arith.constant 16 : i32
      %mul3A_165 = arith.muli %add3A_124, %mul3A_164 : i32
      %add3A_166 = arith.constant 5 : i32
      %add3A_167 = arith.addi %mul3A_165, %add3A_166 : i32
      %get3A_168 = arith.index_cast %add3A_167 : i32 to index
      %get3A_169 = arith.constant 0 : index
      %get3A_170 = tpu.vector_load %arg14[%get3A_168, %get3A_169] {strides = array<i32>} : memref<128x16xf32, #tpu.memory_space<vmem>>, vector<1x16xf32>,
      %get3A_171 = vector.shape_cast %get3A_170 : vector<1x16xf32> to vector<16xf32>
      %mul3A_172 = arith.constant 16 : i32
      %mul3A_173 = arith.muli %add3A_124, %mul3A_172 : i32
      %add3A_174 = arith.constant 6 : i32
      %add3A_175 = arith.addi %mul3A_173, %add3A_174 : i32
      %get3A_176 = arith.index_cast %add3A_175 : i32 to index
      %get3A_177 = arith.constant 0 : index
      %get3A_178 = tpu.vector_load %arg14[%get3A_176, %get3A_177] {strides = array<i32>} : memref<128x16xf32, #tpu.memory_space<vmem>>, vector<1x16xf32>,
      %get3A_179 = vector.shape_cast %get3A_178 : vector<1x16xf32> to vector<16xf32>
      %mul3A_180 = arith.constant 16 : i32
      %mul3A_181 = arith.muli %add3A_124, %mul3A_180 : i32
      %add3A_182 = arith.constant 7 : i32
      %add3A_183 = arith.addi %mul3A_181, %add3A_182 : i32
      %get3A_184 = arith.index_cast %add3A_183 : i32 to index
      %get3A_185 = arith.constant 0 : index
      %get3A_186 = tpu.vector_load %arg14[%get3A_184, %get3A_185] {strides = array<i32>} : memref<128x16xf32, #tpu.memory_space<vmem>>, vector<1x16xf32>,
      %get3A_187 = vector.shape_cast %get3A_186 : vector<1x16xf32> to vector<16xf32>
      %mul3A_188 = arith.constant 16 : i32
      %mul3A_189 = arith.muli %add3A_124, %mul3A_188 : i32
      %add3A_190 = arith.constant 8 : i32
      %add3A_191 = arith.addi %mul3A_189, %add3A_190 : i32
      %get3A_192 = arith.index_cast %add3A_191 : i32 to index
      %get3A_193 = arith.constant 0 : index
      %get3A_194 = tpu.vector_load %arg14[%get3A_192, %get3A_193] {strides = array<i32>} : memref<128x16xf32, #tpu.memory_space<vmem>>, vector<1x16xf32>,
      %get3A_195 = vector.shape_cast %get3A_194 : vector<1x16xf32> to vector<16xf32>
      %mul3A_196 = arith.constant 16 : i32
      %mul3A_197 = arith.muli %add3A_124, %mul3A_196 : i32
      %add3A_198 = arith.constant 9 : i32
      %add3A_199 = arith.addi %mul3A_197, %add3A_198 : i32
      %get3A_200 = arith.index_cast %add3A_199 : i32 to index
      %get3A_201 = arith.constant 0 : index
      %get3A_202 = tpu.vector_load %arg14[%get3A_200, %get3A_201] {strides = array<i32>} : memref<128x16xf32, #tpu.memory_space<vmem>>, vector<1x16xf32>,
      %get3A_203 = vector.shape_cast %get3A_202 : vector<1x16xf32> to vector<16xf32>
      %mul3A_204 = arith.constant 16 : i32
      %mul3A_205 = arith.muli %add3A_124, %mul3A_204 : i32
      %add3A_206 = arith.constant 10 : i32
      %add3A_207 = arith.addi %mul3A_205, %add3A_206 : i32
      %get3A_208 = arith.index_cast %add3A_207 : i32 to index
      %get3A_209 = arith.constant 0 : index
      %get3A_210 = tpu.vector_load %arg14[%get3A_208, %get3A_209] {strides = array<i32>} : memref<128x16xf32, #tpu.memory_space<vmem>>, vector<1x16xf32>,
      %get3A_211 = vector.shape_cast %get3A_210 : vector<1x16xf32> to vector<16xf32>
      %mul3A_212 = arith.constant 16 : i32
      %mul3A_213 = arith.muli %add3A_124, %mul3A_212 : i32
      %add3A_214 = arith.constant 11 : i32
      %add3A_215 = arith.addi %mul3A_213, %add3A_214 : i32
      %get3A_216 = arith.index_cast %add3A_215 : i32 to index
      %get3A_217 = arith.constant 0 : index
      %get3A_218 = tpu.vector_load %arg14[%get3A_216, %get3A_217] {strides = array<i32>} : memref<128x16xf32, #tpu.memory_space<vmem>>, vector<1x16xf32>,
      %get3A_219 = vector.shape_cast %get3A_218 : vector<1x16xf32> to vector<16xf32>
      %mul3A_220 = arith.constant 16 : i32
      %mul3A_221 = arith.muli %add3A_124, %mul3A_220 : i32
      %add3A_222 = arith.constant 12 : i32
      %add3A_223 = arith.addi %mul3A_221, %add3A_222 : i32
      %get3A_224 = arith.index_cast %add3A_223 : i32 to index
      %get3A_225 = arith.constant 0 : index
      %get3A_226 = tpu.vector_load %arg14[%get3A_224, %get3A_225] {strides = array<i32>} : memref<128x16xf32, #tpu.memory_space<vmem>>, vector<1x16xf32>,
      %get3A_227 = vector.shape_cast %get3A_226 : vector<1x16xf32> to vector<16xf32>
      %mul3A_228 = arith.constant 16 : i32
      %mul3A_229 = arith.muli %add3A_124, %mul3A_228 : i32
      %add3A_230 = arith.constant 13 : i32
      %add3A_231 = arith.addi %mul3A_229, %add3A_230 : i32
      %get3A_232 = arith.index_cast %add3A_231 : i32 to index
      %get3A_233 = arith.constant 0 : index
      %get3A_234 = tpu.vector_load %arg14[%get3A_232, %get3A_233] {strides = array<i32>} : memref<128x16xf32, #tpu.memory_space<vmem>>, vector<1x16xf32>,
      %get3A_235 = vector.shape_cast %get3A_234 : vector<1x16xf32> to vector<16xf32>
      %mul3A_236 = arith.constant 16 : i32
      %mul3A_237 = arith.muli %add3A_124, %mul3A_236 : i32
      %add3A_238 = arith.constant 14 : i32
      %add3A_239 = arith.addi %mul3A_237, %add3A_238 : i32
      %get3A_240 = arith.index_cast %add3A_239 : i32 to index
      %get3A_241 = arith.constant 0 : index
      %get3A_242 = tpu.vector_load %arg14[%get3A_240, %get3A_241] {strides = array<i32>} : memref<128x16xf32, #tpu.memory_space<vmem>>, vector<1x16xf32>,
      %get3A_243 = vector.shape_cast %get3A_242 : vector<1x16xf32> to vector<16xf32>
      %mul3A_244 = arith.constant 16 : i32
      %mul3A_245 = arith.muli %add3A_124, %mul3A_244 : i32
      %add3A_246 = arith.constant 15 : i32
      %add3A_247 = arith.addi %mul3A_245, %add3A_246 : i32
      %get3A_248 = arith.index_cast %add3A_247 : i32 to index
      %get3A_249 = arith.constant 0 : index
      %get3A_250 = tpu.vector_load %arg14[%get3A_248, %get3A_249] {strides = array<i32>} : memref<128x16xf32, #tpu.memory_space<vmem>>, vector<1x16xf32>,
      %get3A_251 = vector.shape_cast %get3A_250 : vector<1x16xf32> to vector<16xf32>
      %xor3A = arith.constant 8 : i32
      %xor3A_252 = vector.broadcast %xor3A : i32 to vector<16xi32>
      %xor3A_253 = arith.xori %iota3A, %xor3A_252 : vector<16xi32>
      %and3A = arith.constant 8 : i32
      %and3A_254 = vector.broadcast %and3A : i32 to vector<16xi32>
      %and3A_255 = arith.andi %iota3A, %and3A_254 : vector<16xi32>
      %ne3A = arith.constant 0 : i32
      %ne3A_256 = vector.broadcast %ne3A : i32 to vector<16xi32>
      %ne3A_257 = arith.cmpi ne, %and3A_255, %ne3A_256 : vector<16xi32>
      %broadcast_in_dim3A = vector.shape_cast %xor3A_253 : vector<16xi32> to vector<16x1xi32>
      %gather3A = vector.shape_cast %broadcast_in_dim3A : vector<16x1xi32> to vector<16xi32>
      %gather3A_258 = tpu.dynamic_gather %get3A_131[%gather3A] in [0] : vector<16xf32>, vector<16xi32> -> vector<16xf32>
      %add3A_259 = arith.addf %get3A_131, %gather3A_258 : vector<16xf32>
      %broadcast_in_dim3A_260 = vector.shape_cast %xor3A_253 : vector<16xi32> to vector<16x1xi32>
      %gather3A_261 = vector.shape_cast %broadcast_in_dim3A_260 : vector<16x1xi32> to vector<16xi32>
      %gather3A_262 = tpu.dynamic_gather %get3A_195[%gather3A_261] in [0] : vector<16xf32>, vector<16xi32> -> vector<16xf32>
      %add3A_263 = arith.addf %get3A_195, %gather3A_262 : vector<16xf32>
      %broadcast_in_dim3A_264 = vector.shape_cast %xor3A_253 : vector<16xi32> to vector<16x1xi32>
      %gather3A_265 = vector.shape_cast %broadcast_in_dim3A_264 : vector<16x1xi32> to vector<16xi32>
      %gather3A_266 = tpu.dynamic_gather %add3A_263[%gather3A_265] in [0] : vector<16xf32>, vector<16xi32> -> vector<16xf32>
      %select_n3A = arith.select %ne3A_257, %gather3A_266, %add3A_259 : vector<16xi1>, vector<16xf32>
      %broadcast_in_dim3A_267 = vector.shape_cast %xor3A_253 : vector<16xi32> to vector<16x1xi32>
      %gather3A_268 = vector.shape_cast %broadcast_in_dim3A_267 : vector<16x1xi32> to vector<16xi32>
      %gather3A_269 = tpu.dynamic_gather %get3A_163[%gather3A_268] in [0] : vector<16xf32>, vector<16xi32> -> vector<16xf32>
      %add3A_270 = arith.addf %get3A_163, %gather3A_269 : vector<16xf32>
      %broadcast_in_dim3A_271 = vector.shape_cast %xor3A_253 : vector<16xi32> to vector<16x1xi32>
      %gather3A_272 = vector.shape_cast %broadcast_in_dim3A_271 : vector<16x1xi32> to vector<16xi32>
      %gather3A_273 = tpu.dynamic_gather %get3A_227[%gather3A_272] in [0] : vector<16xf32>, vector<16xi32> -> vector<16xf32>
      %add3A_274 = arith.addf %get3A_227, %gather3A_273 : vector<16xf32>
      %broadcast_in_dim3A_275 = vector.shape_cast %xor3A_253 : vector<16xi32> to vector<16x1xi32>
      %gather3A_276 = vector.shape_cast %broadcast_in_dim3A_275 : vector<16x1xi32> to vector<16xi32>
      %gather3A_277 = tpu.dynamic_gather %add3A_274[%gather3A_276] in [0] : vector<16xf32>, vector<16xi32> -> vector<16xf32>
      %select_n3A_278 = arith.select %ne3A_257, %gather3A_277, %add3A_270 : vector<16xi1>, vector<16xf32>
      %broadcast_in_dim3A_279 = vector.shape_cast %xor3A_253 : vector<16xi32> to vector<16x1xi32>
      %gather3A_280 = vector.shape_cast %broadcast_in_dim3A_279 : vector<16x1xi32> to vector<16xi32>
      %gather3A_281 = tpu.dynamic_gather %get3A_147[%gather3A_280] in [0] : vector<16xf32>, vector<16xi32> -> vector<16xf32>
      %add3A_282 = arith.addf %get3A_147, %gather3A_281 : vector<16xf32>
      %broadcast_in_dim3A_283 = vector.shape_cast %xor3A_253 : vector<16xi32> to vector<16x1xi32>
      %gather3A_284 = vector.shape_cast %broadcast_in_dim3A_283 : vector<16x1xi32> to vector<16xi32>
      %gather3A_285 = tpu.dynamic_gather %get3A_211[%gather3A_284] in [0] : vector<16xf32>, vector<16xi32> -> vector<16xf32>
      %add3A_286 = arith.addf %get3A_211, %gather3A_285 : vector<16xf32>
      %broadcast_in_dim3A_287 = vector.shape_cast %xor3A_253 : vector<16xi32> to vector<16x1xi32>
      %gather3A_288 = vector.shape_cast %broadcast_in_dim3A_287 : vector<16x1xi32> to vector<16xi32>
      %gather3A_289 = tpu.dynamic_gather %add3A_286[%gather3A_288] in [0] : vector<16xf32>, vector<16xi32> -> vector<16xf32>
      %select_n3A_290 = arith.select %ne3A_257, %gather3A_289, %add3A_282 : vector<16xi1>, vector<16xf32>
      %broadcast_in_dim3A_291 = vector.shape_cast %xor3A_253 : vector<16xi32> to vector<16x1xi32>
      %gather3A_292 = vector.shape_cast %broadcast_in_dim3A_291 : vector<16x1xi32> to vector<16xi32>
      %gather3A_293 = tpu.dynamic_gather %get3A_179[%gather3A_292] in [0] : vector<16xf32>, vector<16xi32> -> vector<16xf32>
      %add3A_294 = arith.addf %get3A_179, %gather3A_293 : vector<16xf32>
      %broadcast_in_dim3A_295 = vector.shape_cast %xor3A_253 : vector<16xi32> to vector<16x1xi32>
      %gather3A_296 = vector.shape_cast %broadcast_in_dim3A_295 : vector<16x1xi32> to vector<16xi32>
      %gather3A_297 = tpu.dynamic_gather %get3A_243[%gather3A_296] in [0] : vector<16xf32>, vector<16xi32> -> vector<16xf32>
      %add3A_298 = arith.addf %get3A_243, %gather3A_297 : vector<16xf32>
      %broadcast_in_dim3A_299 = vector.shape_cast %xor3A_253 : vector<16xi32> to vector<16x1xi32>
      %gather3A_300 = vector.shape_cast %broadcast_in_dim3A_299 : vector<16x1xi32> to vector<16xi32>
      %gather3A_301 = tpu.dynamic_gather %add3A_298[%gather3A_300] in [0] : vector<16xf32>, vector<16xi32> -> vector<16xf32>
      %select_n3A_302 = arith.select %ne3A_257, %gather3A_301, %add3A_294 : vector<16xi1>, vector<16xf32>
      %broadcast_in_dim3A_303 = vector.shape_cast %xor3A_253 : vector<16xi32> to vector<16x1xi32>
      %gather3A_304 = vector.shape_cast %broadcast_in_dim3A_303 : vector<16x1xi32> to vector<16xi32>
      %gather3A_305 = tpu.dynamic_gather %get3A_139[%gather3A_304] in [0] : vector<16xf32>, vector<16xi32> -> vector<16xf32>
      %add3A_306 = arith.addf %get3A_139, %gather3A_305 : vector<16xf32>
      %broadcast_in_dim3A_307 = vector.shape_cast %xor3A_253 : vector<16xi32> to vector<16x1xi32>
      %gather3A_308 = vector.shape_cast %broadcast_in_dim3A_307 : vector<16x1xi32> to vector<16xi32>
      %gather3A_309 = tpu.dynamic_gather %get3A_203[%gather3A_308] in [0] : vector<16xf32>, vector<16xi32> -> vector<16xf32>
      %add3A_310 = arith.addf %get3A_203, %gather3A_309 : vector<16xf32>
      %broadcast_in_dim3A_311 = vector.shape_cast %xor3A_253 : vector<16xi32> to vector<16x1xi32>
      %gather3A_312 = vector.shape_cast %broadcast_in_dim3A_311 : vector<16x1xi32> to vector<16xi32>
      %gather3A_313 = tpu.dynamic_gather %add3A_310[%gather3A_312] in [0] : vector<16xf32>, vector<16xi32> -> vector<16xf32>
      %select_n3A_314 = arith.select %ne3A_257, %gather3A_313, %add3A_306 : vector<16xi1>, vector<16xf32>
      %broadcast_in_dim3A_315 = vector.shape_cast %xor3A_253 : vector<16xi32> to vector<16x1xi32>
      %gather3A_316 = vector.shape_cast %broadcast_in_dim3A_315 : vector<16x1xi32> to vector<16xi32>
      %gather3A_317 = tpu.dynamic_gather %get3A_171[%gather3A_316] in [0] : vector<16xf32>, vector<16xi32> -> vector<16xf32>
      %add3A_318 = arith.addf %get3A_171, %gather3A_317 : vector<16xf32>
      %broadcast_in_dim3A_319 = vector.shape_cast %xor3A_253 : vector<16xi32> to vector<16x1xi32>
      %gather3A_320 = vector.shape_cast %broadcast_in_dim3A_319 : vector<16x1xi32> to vector<16xi32>
      %gather3A_321 = tpu.dynamic_gather %get3A_235[%gather3A_320] in [0] : vector<16xf32>, vector<16xi32> -> vector<16xf32>
      %add3A_322 = arith.addf %get3A_235, %gather3A_321 : vector<16xf32>
      %broadcast_in_dim3A_323 = vector.shape_cast %xor3A_253 : vector<16xi32> to vector<16x1xi32>
      %gather3A_324 = vector.shape_cast %broadcast_in_dim3A_323 : vector<16x1xi32> to vector<16xi32>
      %gather3A_325 = tpu.dynamic_gather %add3A_322[%gather3A_324] in [0] : vector<16xf32>, vector<16xi32> -> vector<16xf32>
      %select_n3A_326 = arith.select %ne3A_257, %gather3A_325, %add3A_318 : vector<16xi1>, vector<16xf32>
      %broadcast_in_dim3A_327 = vector.shape_cast %xor3A_253 : vector<16xi32> to vector<16x1xi32>
      %gather3A_328 = vector.shape_cast %broadcast_in_dim3A_327 : vector<16x1xi32> to vector<16xi32>
      %gather3A_329 = tpu.dynamic_gather %get3A_155[%gather3A_328] in [0] : vector<16xf32>, vector<16xi32> -> vector<16xf32>
      %add3A_330 = arith.addf %get3A_155, %gather3A_329 : vector<16xf32>
      %broadcast_in_dim3A_331 = vector.shape_cast %xor3A_253 : vector<16xi32> to vector<16x1xi32>
      %gather3A_332 = vector.shape_cast %broadcast_in_dim3A_331 : vector<16x1xi32> to vector<16xi32>
      %gather3A_333 = tpu.dynamic_gather %get3A_219[%gather3A_332] in [0] : vector<16xf32>, vector<16xi32> -> vector<16xf32>
      %add3A_334 = arith.addf %get3A_219, %gather3A_333 : vector<16xf32>
      %broadcast_in_dim3A_335 = vector.shape_cast %xor3A_253 : vector<16xi32> to vector<16x1xi32>
      %gather3A_336 = vector.shape_cast %broadcast_in_dim3A_335 : vector<16x1xi32> to vector<16xi32>
      %gather3A_337 = tpu.dynamic_gather %add3A_334[%gather3A_336] in [0] : vector<16xf32>, vector<16xi32> -> vector<16xf32>
      %select_n3A_338 = arith.select %ne3A_257, %gather3A_337, %add3A_330 : vector<16xi1>, vector<16xf32>
      %broadcast_in_dim3A_339 = vector.shape_cast %xor3A_253 : vector<16xi32> to vector<16x1xi32>
      %gather3A_340 = vector.shape_cast %broadcast_in_dim3A_339 : vector<16x1xi32> to vector<16xi32>
      %gather3A_341 = tpu.dynamic_gather %get3A_187[%gather3A_340] in [0] : vector<16xf32>, vector<16xi32> -> vector<16xf32>
      %add3A_342 = arith.addf %get3A_187, %gather3A_341 : vector<16xf32>
      %broadcast_in_dim3A_343 = vector.shape_cast %xor3A_253 : vector<16xi32> to vector<16x1xi32>
      %gather3A_344 = vector.shape_cast %broadcast_in_dim3A_343 : vector<16x1xi32> to vector<16xi32>
      %gather3A_345 = tpu.dynamic_gather %get3A_251[%gather3A_344] in [0] : vector<16xf32>, vector<16xi32> -> vector<16xf32>
      %add3A_346 = arith.addf %get3A_251, %gather3A_345 : vector<16xf32>
      %broadcast_in_dim3A_347 = vector.shape_cast %xor3A_253 : vector<16xi32> to vector<16x1xi32>
      %gather3A_348 = vector.shape_cast %broadcast_in_dim3A_347 : vector<16x1xi32> to vector<16xi32>
      %gather3A_349 = tpu.dynamic_gather %add3A_346[%gather3A_348] in [0] : vector<16xf32>, vector<16xi32> -> vector<16xf32>
      %select_n3A_350 = arith.select %ne3A_257, %gather3A_349, %add3A_342 : vector<16xi1>, vector<16xf32>
      %xor3A_351 = arith.constant 4 : i32
      %xor3A_352 = vector.broadcast %xor3A_351 : i32 to vector<16xi32>
      %xor3A_353 = arith.xori %iota3A, %xor3A_352 : vector<16xi32>
      %and3A_354 = arith.constant 4 : i32
      %and3A_355 = vector.broadcast %and3A_354 : i32 to vector<16xi32>
      %and3A_356 = arith.andi %iota3A, %and3A_355 : vector<16xi32>
      %ne3A_357 = arith.constant 0 : i32
      %ne3A_358 = vector.broadcast %ne3A_357 : i32 to vector<16xi32>
      %ne3A_359 = arith.cmpi ne, %and3A_356, %ne3A_358 : vector<16xi32>
      %broadcast_in_dim3A_360 = vector.shape_cast %xor3A_353 : vector<16xi32> to vector<16x1xi32>
      %gather3A_361 = vector.shape_cast %broadcast_in_dim3A_360 : vector<16x1xi32> to vector<16xi32>
      %gather3A_362 = tpu.dynamic_gather %select_n3A[%gather3A_361] in [0] : vector<16xf32>, vector<16xi32> -> vector<16xf32>
      %add3A_363 = arith.addf %select_n3A, %gather3A_362 : vector<16xf32>
      %broadcast_in_dim3A_364 = vector.shape_cast %xor3A_353 : vector<16xi32> to vector<16x1xi32>
      %gather3A_365 = vector.shape_cast %broadcast_in_dim3A_364 : vector<16x1xi32> to vector<16xi32>
      %gather3A_366 = tpu.dynamic_gather %select_n3A_278[%gather3A_365] in [0] : vector<16xf32>, vector<16xi32> -> vector<16xf32>
      %add3A_367 = arith.addf %select_n3A_278, %gather3A_366 : vector<16xf32>
      %broadcast_in_dim3A_368 = vector.shape_cast %xor3A_353 : vector<16xi32> to vector<16x1xi32>
      %gather3A_369 = vector.shape_cast %broadcast_in_dim3A_368 : vector<16x1xi32> to vector<16xi32>
      %gather3A_370 = tpu.dynamic_gather %add3A_367[%gather3A_369] in [0] : vector<16xf32>, vector<16xi32> -> vector<16xf32>
      %select_n3A_371 = arith.select %ne3A_359, %gather3A_370, %add3A_363 : vector<16xi1>, vector<16xf32>
      %broadcast_in_dim3A_372 = vector.shape_cast %xor3A_353 : vector<16xi32> to vector<16x1xi32>
      %gather3A_373 = vector.shape_cast %broadcast_in_dim3A_372 : vector<16x1xi32> to vector<16xi32>
      %gather3A_374 = tpu.dynamic_gather %select_n3A_290[%gather3A_373] in [0] : vector<16xf32>, vector<16xi32> -> vector<16xf32>
      %add3A_375 = arith.addf %select_n3A_290, %gather3A_374 : vector<16xf32>
      %broadcast_in_dim3A_376 = vector.shape_cast %xor3A_353 : vector<16xi32> to vector<16x1xi32>
      %gather3A_377 = vector.shape_cast %broadcast_in_dim3A_376 : vector<16x1xi32> to vector<16xi32>
      %gather3A_378 = tpu.dynamic_gather %select_n3A_302[%gather3A_377] in [0] : vector<16xf32>, vector<16xi32> -> vector<16xf32>
      %add3A_379 = arith.addf %select_n3A_302, %gather3A_378 : vector<16xf32>
      %broadcast_in_dim3A_380 = vector.shape_cast %xor3A_353 : vector<16xi32> to vector<16x1xi32>
      %gather3A_381 = vector.shape_cast %broadcast_in_dim3A_380 : vector<16x1xi32> to vector<16xi32>
      %gather3A_382 = tpu.dynamic_gather %add3A_379[%gather3A_381] in [0] : vector<16xf32>, vector<16xi32> -> vector<16xf32>
      %select_n3A_383 = arith.select %ne3A_359, %gather3A_382, %add3A_375 : vector<16xi1>, vector<16xf32>
      %broadcast_in_dim3A_384 = vector.shape_cast %xor3A_353 : vector<16xi32> to vector<16x1xi32>
      %gather3A_385 = vector.shape_cast %broadcast_in_dim3A_384 : vector<16x1xi32> to vector<16xi32>
      %gather3A_386 = tpu.dynamic_gather %select_n3A_314[%gather3A_385] in [0] : vector<16xf32>, vector<16xi32> -> vector<16xf32>
      %add3A_387 = arith.addf %select_n3A_314, %gather3A_386 : vector<16xf32>
      %broadcast_in_dim3A_388 = vector.shape_cast %xor3A_353 : vector<16xi32> to vector<16x1xi32>
      %gather3A_389 = vector.shape_cast %broadcast_in_dim3A_388 : vector<16x1xi32> to vector<16xi32>
      %gather3A_390 = tpu.dynamic_gather %select_n3A_326[%gather3A_389] in [0] : vector<16xf32>, vector<16xi32> -> vector<16xf32>
      %add3A_391 = arith.addf %select_n3A_326, %gather3A_390 : vector<16xf32>
      %broadcast_in_dim3A_392 = vector.shape_cast %xor3A_353 : vector<16xi32> to vector<16x1xi32>
      %gather3A_393 = vector.shape_cast %broadcast_in_dim3A_392 : vector<16x1xi32> to vector<16xi32>
      %gather3A_394 = tpu.dynamic_gather %add3A_391[%gather3A_393] in [0] : vector<16xf32>, vector<16xi32> -> vector<16xf32>
      %select_n3A_395 = arith.select %ne3A_359, %gather3A_394, %add3A_387 : vector<16xi1>, vector<16xf32>
      %broadcast_in_dim3A_396 = vector.shape_cast %xor3A_353 : vector<16xi32> to vector<16x1xi32>
      %gather3A_397 = vector.shape_cast %broadcast_in_dim3A_396 : vector<16x1xi32> to vector<16xi32>
      %gather3A_398 = tpu.dynamic_gather %select_n3A_338[%gather3A_397] in [0] : vector<16xf32>, vector<16xi32> -> vector<16xf32>
      %add3A_399 = arith.addf %select_n3A_338, %gather3A_398 : vector<16xf32>
      %broadcast_in_dim3A_400 = vector.shape_cast %xor3A_353 : vector<16xi32> to vector<16x1xi32>
      %gather3A_401 = vector.shape_cast %broadcast_in_dim3A_400 : vector<16x1xi32> to vector<16xi32>
      %gather3A_402 = tpu.dynamic_gather %select_n3A_350[%gather3A_401] in [0] : vector<16xf32>, vector<16xi32> -> vector<16xf32>
      %add3A_403 = arith.addf %select_n3A_350, %gather3A_402 : vector<16xf32>
      %broadcast_in_dim3A_404 = vector.shape_cast %xor3A_353 : vector<16xi32> to vector<16x1xi32>
      %gather3A_405 = vector.shape_cast %broadcast_in_dim3A_404 : vector<16x1xi32> to vector<16xi32>
      %gather3A_406 = tpu.dynamic_gather %add3A_403[%gather3A_405] in [0] : vector<16xf32>, vector<16xi32> -> vector<16xf32>
      %select_n3A_407 = arith.select %ne3A_359, %gather3A_406, %add3A_399 : vector<16xi1>, vector<16xf32>
      %xor3A_408 = arith.constant 2 : i32
      %xor3A_409 = vector.broadcast %xor3A_408 : i32 to vector<16xi32>
      %xor3A_410 = arith.xori %iota3A, %xor3A_409 : vector<16xi32>
      %and3A_411 = arith.constant 2 : i32
      %and3A_412 = vector.broadcast %and3A_411 : i32 to vector<16xi32>
      %and3A_413 = arith.andi %iota3A, %and3A_412 : vector<16xi32>
      %ne3A_414 = arith.constant 0 : i32
      %ne3A_415 = vector.broadcast %ne3A_414 : i32 to vector<16xi32>
      %ne3A_416 = arith.cmpi ne, %and3A_413, %ne3A_415 : vector<16xi32>
      %broadcast_in_dim3A_417 = vector.shape_cast %xor3A_410 : vector<16xi32> to vector<16x1xi32>
      %gather3A_418 = vector.shape_cast %broadcast_in_dim3A_417 : vector<16x1xi32> to vector<16xi32>
      %gather3A_419 = tpu.dynamic_gather %select_n3A_371[%gather3A_418] in [0] : vector<16xf32>, vector<16xi32> -> vector<16xf32>
      %add3A_420 = arith.addf %select_n3A_371, %gather3A_419 : vector<16xf32>
      %broadcast_in_dim3A_421 = vector.shape_cast %xor3A_410 : vector<16xi32> to vector<16x1xi32>
      %gather3A_422 = vector.shape_cast %broadcast_in_dim3A_421 : vector<16x1xi32> to vector<16xi32>
      %gather3A_423 = tpu.dynamic_gather %select_n3A_383[%gather3A_422] in [0] : vector<16xf32>, vector<16xi32> -> vector<16xf32>
      %add3A_424 = arith.addf %select_n3A_383, %gather3A_423 : vector<16xf32>
      %broadcast_in_dim3A_425 = vector.shape_cast %xor3A_410 : vector<16xi32> to vector<16x1xi32>
      %gather3A_426 = vector.shape_cast %broadcast_in_dim3A_425 : vector<16x1xi32> to vector<16xi32>
      %gather3A_427 = tpu.dynamic_gather %add3A_424[%gather3A_426] in [0] : vector<16xf32>, vector<16xi32> -> vector<16xf32>
      %select_n3A_428 = arith.select %ne3A_416, %gather3A_427, %add3A_420 : vector<16xi1>, vector<16xf32>
      %broadcast_in_dim3A_429 = vector.shape_cast %xor3A_410 : vector<16xi32> to vector<16x1xi32>
      %gather3A_430 = vector.shape_cast %broadcast_in_dim3A_429 : vector<16x1xi32> to vector<16xi32>
      %gather3A_431 = tpu.dynamic_gather %select_n3A_395[%gather3A_430] in [0] : vector<16xf32>, vector<16xi32> -> vector<16xf32>
      %add3A_432 = arith.addf %select_n3A_395, %gather3A_431 : vector<16xf32>
      %broadcast_in_dim3A_433 = vector.shape_cast %xor3A_410 : vector<16xi32> to vector<16x1xi32>
      %gather3A_434 = vector.shape_cast %broadcast_in_dim3A_433 : vector<16x1xi32> to vector<16xi32>
      %gather3A_435 = tpu.dynamic_gather %select_n3A_407[%gather3A_434] in [0] : vector<16xf32>, vector<16xi32> -> vector<16xf32>
      %add3A_436 = arith.addf %select_n3A_407, %gather3A_435 : vector<16xf32>
      %broadcast_in_dim3A_437 = vector.shape_cast %xor3A_410 : vector<16xi32> to vector<16x1xi32>
      %gather3A_438 = vector.shape_cast %broadcast_in_dim3A_437 : vector<16x1xi32> to vector<16xi32>
      %gather3A_439 = tpu.dynamic_gather %add3A_436[%gather3A_438] in [0] : vector<16xf32>, vector<16xi32> -> vector<16xf32>
      %select_n3A_440 = arith.select %ne3A_416, %gather3A_439, %add3A_432 : vector<16xi1>, vector<16xf32>
      %xor3A_441 = arith.constant 1 : i32
      %xor3A_442 = vector.broadcast %xor3A_441 : i32 to vector<16xi32>
      %xor3A_443 = arith.xori %iota3A, %xor3A_442 : vector<16xi32>
      %and3A_444 = arith.constant 1 : i32
      %and3A_445 = vector.broadcast %and3A_444 : i32 to vector<16xi32>
      %and3A_446 = arith.andi %iota3A, %and3A_445 : vector<16xi32>
      %ne3A_447 = arith.constant 0 : i32
      %ne3A_448 = vector.broadcast %ne3A_447 : i32 to vector<16xi32>
      %ne3A_449 = arith.cmpi ne, %and3A_446, %ne3A_448 : vector<16xi32>
      %broadcast_in_dim3A_450 = vector.shape_cast %xor3A_443 : vector<16xi32> to vector<16x1xi32>
      %gather3A_451 = vector.shape_cast %broadcast_in_dim3A_450 : vector<16x1xi32> to vector<16xi32>
      %gather3A_452 = tpu.dynamic_gather %select_n3A_428[%gather3A_451] in [0] : vector<16xf32>, vector<16xi32> -> vector<16xf32>
      %add3A_453 = arith.addf %select_n3A_428, %gather3A_452 : vector<16xf32>
      %broadcast_in_dim3A_454 = vector.shape_cast %xor3A_443 : vector<16xi32> to vector<16x1xi32>
      %gather3A_455 = vector.shape_cast %broadcast_in_dim3A_454 : vector<16x1xi32> to vector<16xi32>
      %gather3A_456 = tpu.dynamic_gather %select_n3A_440[%gather3A_455] in [0] : vector<16xf32>, vector<16xi32> -> vector<16xf32>
      %add3A_457 = arith.addf %select_n3A_440, %gather3A_456 : vector<16xf32>
      %broadcast_in_dim3A_458 = vector.shape_cast %xor3A_443 : vector<16xi32> to vector<16x1xi32>
      %gather3A_459 = vector.shape_cast %broadcast_in_dim3A_458 : vector<16x1xi32> to vector<16xi32>
      %gather3A_460 = tpu.dynamic_gather %add3A_457[%gather3A_459] in [0] : vector<16xf32>, vector<16xi32> -> vector<16xf32>
      %select_n3A_461 = arith.select %ne3A_449, %gather3A_460, %add3A_453 : vector<16xi1>, vector<16xf32>
      %mul3A_462 = arith.constant 16 : i32
      %mul3A_463 = arith.muli %add3A_124, %mul3A_462 : i32
      %add3A_464 = arith.constant 256 : i32
      %add3A_465 = arith.addi %add3A_464, %mul3A_463 : i32
      %swap3A = arith.index_cast %add3A_465 : i32 to index
      %swap3A_466 = tpu.vector_load %arg13[%swap3A] {strides = array<i32>} : memref<512xf32, #tpu.memory_space<vmem>>, vector<16xf32>,
      %swap3A_467 = vector.shape_cast %swap3A_466 : vector<16xf32> to vector<16xf32>
      %swap3A_468 = vector.shape_cast %select_n3A_461 : vector<16xf32> to vector<16xf32>
      tpu.vector_store %arg13[%swap3A], %swap3A_468 {strides = array<i32>} : memref<512xf32, #tpu.memory_space<vmem>>, vector<16xf32>,
    }
    %scan3A_99 = arith.constant 8 : i32
    %dma_wait3A_100 = arith.constant 384 : i32
    %dma_wait3A_101 = tpu.memref_slice %arg7[%dma_wait3A_100] : memref<512xi32, #tpu.memory_space<vmem>> -> memref<128xi32, #tpu.memory_space<vmem>>
    %dma_wait3A_102 = arith.constant 0 : i32
    %dma_wait3A_103 = arith.constant 0 : i32
    %dma_wait3A_104 = tpu.memref_slice %arg4[%dma_wait3A_102, %dma_wait3A_103] : memref<1000000x128xf32, #tpu.memory_space<hbm>> -> memref<1000000x128xf32, #tpu.memory_space<hbm>>
    tpu.wait_indirect_dma semaphore(%arg16 : memref<!tpu.dma_semaphore, #tpu.memory_space<semaphore_mem>>) src(%dma_wait3A_104 : memref<1000000x128xf32, #tpu.memory_space<hbm>>) dst(%arg10 : memref<128x128xf32, #tpu.memory_space<vmem>>)
    %dma_wait3A_105 = arith.constant 384 : i32
    %dma_wait3A_106 = tpu.memref_slice %arg8[%dma_wait3A_105] : memref<512xi32, #tpu.memory_space<vmem>> -> memref<128xi32, #tpu.memory_space<vmem>>
    %dma_wait3A_107 = arith.constant 0 : i32
    %dma_wait3A_108 = arith.constant 0 : i32
    %dma_wait3A_109 = tpu.memref_slice %arg5[%dma_wait3A_107, %dma_wait3A_108] : memref<1000000x128xf32, #tpu.memory_space<hbm>> -> memref<1000000x128xf32, #tpu.memory_space<hbm>>
    tpu.wait_indirect_dma semaphore(%arg16 : memref<!tpu.dma_semaphore, #tpu.memory_space<semaphore_mem>>) src(%dma_wait3A_109 : memref<1000000x128xf32, #tpu.memory_space<hbm>>) dst(%arg12 : memref<128x128xf32, #tpu.memory_space<vmem>>)
    %scan3A_110 = arith.constant 0 : i32
    %scan3A_111 = arith.constant 128 : i32
    %scan3A_112 = arith.addi %scan3A_110, %scan3A_111 : i32
    %scan3A_113 = arith.constant 1 : i32
    scf.for %scan3A_120 = %scan3A_110 to %scan3A_112 step %scan3A_113  : i32 {
      %mul3A_121 = arith.constant 1 : i32
      %mul3A_122 = arith.muli %scan3A_120, %mul3A_121 : i32
      %add3A_123 = arith.constant 0 : i32
      %add3A_124 = arith.addi %add3A_123, %mul3A_122 : i32
      %get3A = arith.index_cast %add3A_124 : i32 to index
      %get3A_125 = arith.constant 0 : index
      %get3A_126 = tpu.vector_load %arg10[%get3A, %get3A_125] {strides = array<i32>} : memref<128x128xf32, #tpu.memory_space<vmem>>, vector<1x16xf32>,
      %get3A_127 = vector.shape_cast %get3A_126 : vector<1x16xf32> to vector<16xf32>
      %get3A_128 = arith.index_cast %add3A_124 : i32 to index
      %get3A_129 = arith.constant 0 : index
      %get3A_130 = tpu.vector_load %arg12[%get3A_128, %get3A_129] {strides = array<i32>} : memref<128x128xf32, #tpu.memory_space<vmem>>, vector<1x16xf32>,
      %get3A_131 = vector.shape_cast %get3A_130 : vector<1x16xf32> to vector<16xf32>
      %mul3A_132 = arith.mulf %get3A_127, %get3A_131 : vector<16xf32>
      %get3A_133 = arith.index_cast %add3A_124 : i32 to index
      %get3A_134 = arith.constant 16 : index
      %get3A_135 = tpu.vector_load %arg10[%get3A_133, %get3A_134] {strides = array<i32>} : memref<128x128xf32, #tpu.memory_space<vmem>>, vector<1x16xf32>,
      %get3A_136 = vector.shape_cast %get3A_135 : vector<1x16xf32> to vector<16xf32>
      %get3A_137 = arith.index_cast %add3A_124 : i32 to index
      %get3A_138 = arith.constant 16 : index
      %get3A_139 = tpu.vector_load %arg12[%get3A_137, %get3A_138] {strides = array<i32>} : memref<128x128xf32, #tpu.memory_space<vmem>>, vector<1x16xf32>,
      %get3A_140 = vector.shape_cast %get3A_139 : vector<1x16xf32> to vector<16xf32>
      %mul3A_141 = arith.mulf %get3A_136, %get3A_140 : vector<16xf32>
      %get3A_142 = arith.index_cast %add3A_124 : i32 to index
      %get3A_143 = arith.constant 32 : index
      %get3A_144 = tpu.vector_load %arg10[%get3A_142, %get3A_143] {strides = array<i32>} : memref<128x128xf32, #tpu.memory_space<vmem>>, vector<1x16xf32>,
      %get3A_145 = vector.shape_cast %get3A_144 : vector<1x16xf32> to vector<16xf32>
      %get3A_146 = arith.index_cast %add3A_124 : i32 to index
      %get3A_147 = arith.constant 32 : index
      %get3A_148 = tpu.vector_load %arg12[%get3A_146, %get3A_147] {strides = array<i32>} : memref<128x128xf32, #tpu.memory_space<vmem>>, vector<1x16xf32>,
      %get3A_149 = vector.shape_cast %get3A_148 : vector<1x16xf32> to vector<16xf32>
      %mul3A_150 = arith.mulf %get3A_145, %get3A_149 : vector<16xf32>
      %get3A_151 = arith.index_cast %add3A_124 : i32 to index
      %get3A_152 = arith.constant 48 : index
      %get3A_153 = tpu.vector_load %arg10[%get3A_151, %get3A_152] {strides = array<i32>} : memref<128x128xf32, #tpu.memory_space<vmem>>, vector<1x16xf32>,
      %get3A_154 = vector.shape_cast %get3A_153 : vector<1x16xf32> to vector<16xf32>
      %get3A_155 = arith.index_cast %add3A_124 : i32 to index
      %get3A_156 = arith.constant 48 : index
      %get3A_157 = tpu.vector_load %arg12[%get3A_155, %get3A_156] {strides = array<i32>} : memref<128x128xf32, #tpu.memory_space<vmem>>, vector<1x16xf32>,
      %get3A_158 = vector.shape_cast %get3A_157 : vector<1x16xf32> to vector<16xf32>
      %mul3A_159 = arith.mulf %get3A_154, %get3A_158 : vector<16xf32>
      %get3A_160 = arith.index_cast %add3A_124 : i32 to index
      %get3A_161 = arith.constant 64 : index
      %get3A_162 = tpu.vector_load %arg10[%get3A_160, %get3A_161] {strides = array<i32>} : memref<128x128xf32, #tpu.memory_space<vmem>>, vector<1x16xf32>,
      %get3A_163 = vector.shape_cast %get3A_162 : vector<1x16xf32> to vector<16xf32>
      %get3A_164 = arith.index_cast %add3A_124 : i32 to index
      %get3A_165 = arith.constant 64 : index
      %get3A_166 = tpu.vector_load %arg12[%get3A_164, %get3A_165] {strides = array<i32>} : memref<128x128xf32, #tpu.memory_space<vmem>>, vector<1x16xf32>,
      %get3A_167 = vector.shape_cast %get3A_166 : vector<1x16xf32> to vector<16xf32>
      %mul3A_168 = arith.mulf %get3A_163, %get3A_167 : vector<16xf32>
      %get3A_169 = arith.index_cast %add3A_124 : i32 to index
      %get3A_170 = arith.constant 80 : index
      %get3A_171 = tpu.vector_load %arg10[%get3A_169, %get3A_170] {strides = array<i32>} : memref<128x128xf32, #tpu.memory_space<vmem>>, vector<1x16xf32>,
      %get3A_172 = vector.shape_cast %get3A_171 : vector<1x16xf32> to vector<16xf32>
      %get3A_173 = arith.index_cast %add3A_124 : i32 to index
      %get3A_174 = arith.constant 80 : index
      %get3A_175 = tpu.vector_load %arg12[%get3A_173, %get3A_174] {strides = array<i32>} : memref<128x128xf32, #tpu.memory_space<vmem>>, vector<1x16xf32>,
      %get3A_176 = vector.shape_cast %get3A_175 : vector<1x16xf32> to vector<16xf32>
      %mul3A_177 = arith.mulf %get3A_172, %get3A_176 : vector<16xf32>
      %get3A_178 = arith.index_cast %add3A_124 : i32 to index
      %get3A_179 = arith.constant 96 : index
      %get3A_180 = tpu.vector_load %arg10[%get3A_178, %get3A_179] {strides = array<i32>} : memref<128x128xf32, #tpu.memory_space<vmem>>, vector<1x16xf32>,
      %get3A_181 = vector.shape_cast %get3A_180 : vector<1x16xf32> to vector<16xf32>
      %get3A_182 = arith.index_cast %add3A_124 : i32 to index
      %get3A_183 = arith.constant 96 : index
      %get3A_184 = tpu.vector_load %arg12[%get3A_182, %get3A_183] {strides = array<i32>} : memref<128x128xf32, #tpu.memory_space<vmem>>, vector<1x16xf32>,
      %get3A_185 = vector.shape_cast %get3A_184 : vector<1x16xf32> to vector<16xf32>
      %mul3A_186 = arith.mulf %get3A_181, %get3A_185 : vector<16xf32>
      %get3A_187 = arith.index_cast %add3A_124 : i32 to index
      %get3A_188 = arith.constant 112 : index
      %get3A_189 = tpu.vector_load %arg10[%get3A_187, %get3A_188] {strides = array<i32>} : memref<128x128xf32, #tpu.memory_space<vmem>>, vector<1x16xf32>,
      %get3A_190 = vector.shape_cast %get3A_189 : vector<1x16xf32> to vector<16xf32>
      %get3A_191 = arith.index_cast %add3A_124 : i32 to index
      %get3A_192 = arith.constant 112 : index
      %get3A_193 = tpu.vector_load %arg12[%get3A_191, %get3A_192] {strides = array<i32>} : memref<128x128xf32, #tpu.memory_space<vmem>>, vector<1x16xf32>,
      %get3A_194 = vector.shape_cast %get3A_193 : vector<1x16xf32> to vector<16xf32>
      %mul3A_195 = arith.mulf %get3A_190, %get3A_194 : vector<16xf32>
      %add3A_196 = arith.addf %mul3A_132, %mul3A_141 : vector<16xf32>
      %add3A_197 = arith.addf %mul3A_150, %mul3A_159 : vector<16xf32>
      %add3A_198 = arith.addf %mul3A_168, %mul3A_177 : vector<16xf32>
      %add3A_199 = arith.addf %mul3A_186, %mul3A_195 : vector<16xf32>
      %add3A_200 = arith.addf %add3A_196, %add3A_197 : vector<16xf32>
      %add3A_201 = arith.addf %add3A_198, %add3A_199 : vector<16xf32>
      %add3A_202 = arith.addf %add3A_200, %add3A_201 : vector<16xf32>
      %swap3A = arith.index_cast %add3A_124 : i32 to index
      %swap3A_203 = arith.constant 0 : index
      %swap3A_204 = tpu.vector_load %arg14[%swap3A, %swap3A_203] {strides = array<i32>} : memref<128x16xf32, #tpu.memory_space<vmem>>, vector<1x16xf32>,
      %swap3A_205 = vector.shape_cast %swap3A_204 : vector<1x16xf32> to vector<16xf32>
      %swap3A_206 = vector.shape_cast %add3A_202 : vector<16xf32> to vector<1x16xf32>
      tpu.vector_store %arg14[%swap3A, %swap3A_203], %swap3A_206 {strides = array<i32>} : memref<128x16xf32, #tpu.memory_space<vmem>>, vector<1x16xf32>,
    }
    %scan3A_114 = arith.constant 128 : i32
    %scan3A_115 = arith.constant 0 : i32
    %scan3A_116 = arith.constant 8 : i32
    %scan3A_117 = arith.addi %scan3A_115, %scan3A_116 : i32
    %scan3A_118 = arith.constant 1 : i32
    scf.for %scan3A_120 = %scan3A_115 to %scan3A_117 step %scan3A_118  : i32 {
      %mul3A_121 = arith.constant 1 : i32
      %mul3A_122 = arith.muli %scan3A_120, %mul3A_121 : i32
      %add3A_123 = arith.constant 0 : i32
      %add3A_124 = arith.addi %add3A_123, %mul3A_122 : i32
      %mul3A_125 = arith.constant 16 : i32
      %mul3A_126 = arith.muli %add3A_124, %mul3A_125 : i32
      %add3A_127 = arith.constant 0 : i32
      %add3A_128 = arith.addi %mul3A_126, %add3A_127 : i32
      %get3A = arith.index_cast %add3A_128 : i32 to index
      %get3A_129 = arith.constant 0 : index
      %get3A_130 = tpu.vector_load %arg14[%get3A, %get3A_129] {strides = array<i32>} : memref<128x16xf32, #tpu.memory_space<vmem>>, vector<1x16xf32>,
      %get3A_131 = vector.shape_cast %get3A_130 : vector<1x16xf32> to vector<16xf32>
      %mul3A_132 = arith.constant 16 : i32
      %mul3A_133 = arith.muli %add3A_124, %mul3A_132 : i32
      %add3A_134 = arith.constant 1 : i32
      %add3A_135 = arith.addi %mul3A_133, %add3A_134 : i32
      %get3A_136 = arith.index_cast %add3A_135 : i32 to index
      %get3A_137 = arith.constant 0 : index
      %get3A_138 = tpu.vector_load %arg14[%get3A_136, %get3A_137] {strides = array<i32>} : memref<128x16xf32, #tpu.memory_space<vmem>>, vector<1x16xf32>,
      %get3A_139 = vector.shape_cast %get3A_138 : vector<1x16xf32> to vector<16xf32>
      %mul3A_140 = arith.constant 16 : i32
      %mul3A_141 = arith.muli %add3A_124, %mul3A_140 : i32
      %add3A_142 = arith.constant 2 : i32
      %add3A_143 = arith.addi %mul3A_141, %add3A_142 : i32
      %get3A_144 = arith.index_cast %add3A_143 : i32 to index
      %get3A_145 = arith.constant 0 : index
      %get3A_146 = tpu.vector_load %arg14[%get3A_144, %get3A_145] {strides = array<i32>} : memref<128x16xf32, #tpu.memory_space<vmem>>, vector<1x16xf32>,
      %get3A_147 = vector.shape_cast %get3A_146 : vector<1x16xf32> to vector<16xf32>
      %mul3A_148 = arith.constant 16 : i32
      %mul3A_149 = arith.muli %add3A_124, %mul3A_148 : i32
      %add3A_150 = arith.constant 3 : i32
      %add3A_151 = arith.addi %mul3A_149, %add3A_150 : i32
      %get3A_152 = arith.index_cast %add3A_151 : i32 to index
      %get3A_153 = arith.constant 0 : index
      %get3A_154 = tpu.vector_load %arg14[%get3A_152, %get3A_153] {strides = array<i32>} : memref<128x16xf32, #tpu.memory_space<vmem>>, vector<1x16xf32>,
      %get3A_155 = vector.shape_cast %get3A_154 : vector<1x16xf32> to vector<16xf32>
      %mul3A_156 = arith.constant 16 : i32
      %mul3A_157 = arith.muli %add3A_124, %mul3A_156 : i32
      %add3A_158 = arith.constant 4 : i32
      %add3A_159 = arith.addi %mul3A_157, %add3A_158 : i32
      %get3A_160 = arith.index_cast %add3A_159 : i32 to index
      %get3A_161 = arith.constant 0 : index
      %get3A_162 = tpu.vector_load %arg14[%get3A_160, %get3A_161] {strides = array<i32>} : memref<128x16xf32, #tpu.memory_space<vmem>>, vector<1x16xf32>,
      %get3A_163 = vector.shape_cast %get3A_162 : vector<1x16xf32> to vector<16xf32>
      %mul3A_164 = arith.constant 16 : i32
      %mul3A_165 = arith.muli %add3A_124, %mul3A_164 : i32
      %add3A_166 = arith.constant 5 : i32
      %add3A_167 = arith.addi %mul3A_165, %add3A_166 : i32
      %get3A_168 = arith.index_cast %add3A_167 : i32 to index
      %get3A_169 = arith.constant 0 : index
      %get3A_170 = tpu.vector_load %arg14[%get3A_168, %get3A_169] {strides = array<i32>} : memref<128x16xf32, #tpu.memory_space<vmem>>, vector<1x16xf32>,
      %get3A_171 = vector.shape_cast %get3A_170 : vector<1x16xf32> to vector<16xf32>
      %mul3A_172 = arith.constant 16 : i32
      %mul3A_173 = arith.muli %add3A_124, %mul3A_172 : i32
      %add3A_174 = arith.constant 6 : i32
      %add3A_175 = arith.addi %mul3A_173, %add3A_174 : i32
      %get3A_176 = arith.index_cast %add3A_175 : i32 to index
      %get3A_177 = arith.constant 0 : index
      %get3A_178 = tpu.vector_load %arg14[%get3A_176, %get3A_177] {strides = array<i32>} : memref<128x16xf32, #tpu.memory_space<vmem>>, vector<1x16xf32>,
      %get3A_179 = vector.shape_cast %get3A_178 : vector<1x16xf32> to vector<16xf32>
      %mul3A_180 = arith.constant 16 : i32
      %mul3A_181 = arith.muli %add3A_124, %mul3A_180 : i32
      %add3A_182 = arith.constant 7 : i32
      %add3A_183 = arith.addi %mul3A_181, %add3A_182 : i32
      %get3A_184 = arith.index_cast %add3A_183 : i32 to index
      %get3A_185 = arith.constant 0 : index
      %get3A_186 = tpu.vector_load %arg14[%get3A_184, %get3A_185] {strides = array<i32>} : memref<128x16xf32, #tpu.memory_space<vmem>>, vector<1x16xf32>,
      %get3A_187 = vector.shape_cast %get3A_186 : vector<1x16xf32> to vector<16xf32>
      %mul3A_188 = arith.constant 16 : i32
      %mul3A_189 = arith.muli %add3A_124, %mul3A_188 : i32
      %add3A_190 = arith.constant 8 : i32
      %add3A_191 = arith.addi %mul3A_189, %add3A_190 : i32
      %get3A_192 = arith.index_cast %add3A_191 : i32 to index
      %get3A_193 = arith.constant 0 : index
      %get3A_194 = tpu.vector_load %arg14[%get3A_192, %get3A_193] {strides = array<i32>} : memref<128x16xf32, #tpu.memory_space<vmem>>, vector<1x16xf32>,
      %get3A_195 = vector.shape_cast %get3A_194 : vector<1x16xf32> to vector<16xf32>
      %mul3A_196 = arith.constant 16 : i32
      %mul3A_197 = arith.muli %add3A_124, %mul3A_196 : i32
      %add3A_198 = arith.constant 9 : i32
      %add3A_199 = arith.addi %mul3A_197, %add3A_198 : i32
      %get3A_200 = arith.index_cast %add3A_199 : i32 to index
      %get3A_201 = arith.constant 0 : index
      %get3A_202 = tpu.vector_load %arg14[%get3A_200, %get3A_201] {strides = array<i32>} : memref<128x16xf32, #tpu.memory_space<vmem>>, vector<1x16xf32>,
      %get3A_203 = vector.shape_cast %get3A_202 : vector<1x16xf32> to vector<16xf32>
      %mul3A_204 = arith.constant 16 : i32
      %mul3A_205 = arith.muli %add3A_124, %mul3A_204 : i32
      %add3A_206 = arith.constant 10 : i32
      %add3A_207 = arith.addi %mul3A_205, %add3A_206 : i32
      %get3A_208 = arith.index_cast %add3A_207 : i32 to index
      %get3A_209 = arith.constant 0 : index
      %get3A_210 = tpu.vector_load %arg14[%get3A_208, %get3A_209] {strides = array<i32>} : memref<128x16xf32, #tpu.memory_space<vmem>>, vector<1x16xf32>,
      %get3A_211 = vector.shape_cast %get3A_210 : vector<1x16xf32> to vector<16xf32>
      %mul3A_212 = arith.constant 16 : i32
      %mul3A_213 = arith.muli %add3A_124, %mul3A_212 : i32
      %add3A_214 = arith.constant 11 : i32
      %add3A_215 = arith.addi %mul3A_213, %add3A_214 : i32
      %get3A_216 = arith.index_cast %add3A_215 : i32 to index
      %get3A_217 = arith.constant 0 : index
      %get3A_218 = tpu.vector_load %arg14[%get3A_216, %get3A_217] {strides = array<i32>} : memref<128x16xf32, #tpu.memory_space<vmem>>, vector<1x16xf32>,
      %get3A_219 = vector.shape_cast %get3A_218 : vector<1x16xf32> to vector<16xf32>
      %mul3A_220 = arith.constant 16 : i32
      %mul3A_221 = arith.muli %add3A_124, %mul3A_220 : i32
      %add3A_222 = arith.constant 12 : i32
      %add3A_223 = arith.addi %mul3A_221, %add3A_222 : i32
      %get3A_224 = arith.index_cast %add3A_223 : i32 to index
      %get3A_225 = arith.constant 0 : index
      %get3A_226 = tpu.vector_load %arg14[%get3A_224, %get3A_225] {strides = array<i32>} : memref<128x16xf32, #tpu.memory_space<vmem>>, vector<1x16xf32>,
      %get3A_227 = vector.shape_cast %get3A_226 : vector<1x16xf32> to vector<16xf32>
      %mul3A_228 = arith.constant 16 : i32
      %mul3A_229 = arith.muli %add3A_124, %mul3A_228 : i32
      %add3A_230 = arith.constant 13 : i32
      %add3A_231 = arith.addi %mul3A_229, %add3A_230 : i32
      %get3A_232 = arith.index_cast %add3A_231 : i32 to index
      %get3A_233 = arith.constant 0 : index
      %get3A_234 = tpu.vector_load %arg14[%get3A_232, %get3A_233] {strides = array<i32>} : memref<128x16xf32, #tpu.memory_space<vmem>>, vector<1x16xf32>,
      %get3A_235 = vector.shape_cast %get3A_234 : vector<1x16xf32> to vector<16xf32>
      %mul3A_236 = arith.constant 16 : i32
      %mul3A_237 = arith.muli %add3A_124, %mul3A_236 : i32
      %add3A_238 = arith.constant 14 : i32
      %add3A_239 = arith.addi %mul3A_237, %add3A_238 : i32
      %get3A_240 = arith.index_cast %add3A_239 : i32 to index
      %get3A_241 = arith.constant 0 : index
      %get3A_242 = tpu.vector_load %arg14[%get3A_240, %get3A_241] {strides = array<i32>} : memref<128x16xf32, #tpu.memory_space<vmem>>, vector<1x16xf32>,
      %get3A_243 = vector.shape_cast %get3A_242 : vector<1x16xf32> to vector<16xf32>
      %mul3A_244 = arith.constant 16 : i32
      %mul3A_245 = arith.muli %add3A_124, %mul3A_244 : i32
      %add3A_246 = arith.constant 15 : i32
      %add3A_247 = arith.addi %mul3A_245, %add3A_246 : i32
      %get3A_248 = arith.index_cast %add3A_247 : i32 to index
      %get3A_249 = arith.constant 0 : index
      %get3A_250 = tpu.vector_load %arg14[%get3A_248, %get3A_249] {strides = array<i32>} : memref<128x16xf32, #tpu.memory_space<vmem>>, vector<1x16xf32>,
      %get3A_251 = vector.shape_cast %get3A_250 : vector<1x16xf32> to vector<16xf32>
      %xor3A = arith.constant 8 : i32
      %xor3A_252 = vector.broadcast %xor3A : i32 to vector<16xi32>
      %xor3A_253 = arith.xori %iota3A, %xor3A_252 : vector<16xi32>
      %and3A = arith.constant 8 : i32
      %and3A_254 = vector.broadcast %and3A : i32 to vector<16xi32>
      %and3A_255 = arith.andi %iota3A, %and3A_254 : vector<16xi32>
      %ne3A = arith.constant 0 : i32
      %ne3A_256 = vector.broadcast %ne3A : i32 to vector<16xi32>
      %ne3A_257 = arith.cmpi ne, %and3A_255, %ne3A_256 : vector<16xi32>
      %broadcast_in_dim3A = vector.shape_cast %xor3A_253 : vector<16xi32> to vector<16x1xi32>
      %gather3A = vector.shape_cast %broadcast_in_dim3A : vector<16x1xi32> to vector<16xi32>
      %gather3A_258 = tpu.dynamic_gather %get3A_131[%gather3A] in [0] : vector<16xf32>, vector<16xi32> -> vector<16xf32>
      %add3A_259 = arith.addf %get3A_131, %gather3A_258 : vector<16xf32>
      %broadcast_in_dim3A_260 = vector.shape_cast %xor3A_253 : vector<16xi32> to vector<16x1xi32>
      %gather3A_261 = vector.shape_cast %broadcast_in_dim3A_260 : vector<16x1xi32> to vector<16xi32>
      %gather3A_262 = tpu.dynamic_gather %get3A_195[%gather3A_261] in [0] : vector<16xf32>, vector<16xi32> -> vector<16xf32>
      %add3A_263 = arith.addf %get3A_195, %gather3A_262 : vector<16xf32>
      %broadcast_in_dim3A_264 = vector.shape_cast %xor3A_253 : vector<16xi32> to vector<16x1xi32>
      %gather3A_265 = vector.shape_cast %broadcast_in_dim3A_264 : vector<16x1xi32> to vector<16xi32>
      %gather3A_266 = tpu.dynamic_gather %add3A_263[%gather3A_265] in [0] : vector<16xf32>, vector<16xi32> -> vector<16xf32>
      %select_n3A = arith.select %ne3A_257, %gather3A_266, %add3A_259 : vector<16xi1>, vector<16xf32>
      %broadcast_in_dim3A_267 = vector.shape_cast %xor3A_253 : vector<16xi32> to vector<16x1xi32>
      %gather3A_268 = vector.shape_cast %broadcast_in_dim3A_267 : vector<16x1xi32> to vector<16xi32>
      %gather3A_269 = tpu.dynamic_gather %get3A_163[%gather3A_268] in [0] : vector<16xf32>, vector<16xi32> -> vector<16xf32>
      %add3A_270 = arith.addf %get3A_163, %gather3A_269 : vector<16xf32>
      %broadcast_in_dim3A_271 = vector.shape_cast %xor3A_253 : vector<16xi32> to vector<16x1xi32>
      %gather3A_272 = vector.shape_cast %broadcast_in_dim3A_271 : vector<16x1xi32> to vector<16xi32>
      %gather3A_273 = tpu.dynamic_gather %get3A_227[%gather3A_272] in [0] : vector<16xf32>, vector<16xi32> -> vector<16xf32>
      %add3A_274 = arith.addf %get3A_227, %gather3A_273 : vector<16xf32>
      %broadcast_in_dim3A_275 = vector.shape_cast %xor3A_253 : vector<16xi32> to vector<16x1xi32>
      %gather3A_276 = vector.shape_cast %broadcast_in_dim3A_275 : vector<16x1xi32> to vector<16xi32>
      %gather3A_277 = tpu.dynamic_gather %add3A_274[%gather3A_276] in [0] : vector<16xf32>, vector<16xi32> -> vector<16xf32>
      %select_n3A_278 = arith.select %ne3A_257, %gather3A_277, %add3A_270 : vector<16xi1>, vector<16xf32>
      %broadcast_in_dim3A_279 = vector.shape_cast %xor3A_253 : vector<16xi32> to vector<16x1xi32>
      %gather3A_280 = vector.shape_cast %broadcast_in_dim3A_279 : vector<16x1xi32> to vector<16xi32>
      %gather3A_281 = tpu.dynamic_gather %get3A_147[%gather3A_280] in [0] : vector<16xf32>, vector<16xi32> -> vector<16xf32>
      %add3A_282 = arith.addf %get3A_147, %gather3A_281 : vector<16xf32>
      %broadcast_in_dim3A_283 = vector.shape_cast %xor3A_253 : vector<16xi32> to vector<16x1xi32>
      %gather3A_284 = vector.shape_cast %broadcast_in_dim3A_283 : vector<16x1xi32> to vector<16xi32>
      %gather3A_285 = tpu.dynamic_gather %get3A_211[%gather3A_284] in [0] : vector<16xf32>, vector<16xi32> -> vector<16xf32>
      %add3A_286 = arith.addf %get3A_211, %gather3A_285 : vector<16xf32>
      %broadcast_in_dim3A_287 = vector.shape_cast %xor3A_253 : vector<16xi32> to vector<16x1xi32>
      %gather3A_288 = vector.shape_cast %broadcast_in_dim3A_287 : vector<16x1xi32> to vector<16xi32>
      %gather3A_289 = tpu.dynamic_gather %add3A_286[%gather3A_288] in [0] : vector<16xf32>, vector<16xi32> -> vector<16xf32>
      %select_n3A_290 = arith.select %ne3A_257, %gather3A_289, %add3A_282 : vector<16xi1>, vector<16xf32>
      %broadcast_in_dim3A_291 = vector.shape_cast %xor3A_253 : vector<16xi32> to vector<16x1xi32>
      %gather3A_292 = vector.shape_cast %broadcast_in_dim3A_291 : vector<16x1xi32> to vector<16xi32>
      %gather3A_293 = tpu.dynamic_gather %get3A_179[%gather3A_292] in [0] : vector<16xf32>, vector<16xi32> -> vector<16xf32>
      %add3A_294 = arith.addf %get3A_179, %gather3A_293 : vector<16xf32>
      %broadcast_in_dim3A_295 = vector.shape_cast %xor3A_253 : vector<16xi32> to vector<16x1xi32>
      %gather3A_296 = vector.shape_cast %broadcast_in_dim3A_295 : vector<16x1xi32> to vector<16xi32>
      %gather3A_297 = tpu.dynamic_gather %get3A_243[%gather3A_296] in [0] : vector<16xf32>, vector<16xi32> -> vector<16xf32>
      %add3A_298 = arith.addf %get3A_243, %gather3A_297 : vector<16xf32>
      %broadcast_in_dim3A_299 = vector.shape_cast %xor3A_253 : vector<16xi32> to vector<16x1xi32>
      %gather3A_300 = vector.shape_cast %broadcast_in_dim3A_299 : vector<16x1xi32> to vector<16xi32>
      %gather3A_301 = tpu.dynamic_gather %add3A_298[%gather3A_300] in [0] : vector<16xf32>, vector<16xi32> -> vector<16xf32>
      %select_n3A_302 = arith.select %ne3A_257, %gather3A_301, %add3A_294 : vector<16xi1>, vector<16xf32>
      %broadcast_in_dim3A_303 = vector.shape_cast %xor3A_253 : vector<16xi32> to vector<16x1xi32>
      %gather3A_304 = vector.shape_cast %broadcast_in_dim3A_303 : vector<16x1xi32> to vector<16xi32>
      %gather3A_305 = tpu.dynamic_gather %get3A_139[%gather3A_304] in [0] : vector<16xf32>, vector<16xi32> -> vector<16xf32>
      %add3A_306 = arith.addf %get3A_139, %gather3A_305 : vector<16xf32>
      %broadcast_in_dim3A_307 = vector.shape_cast %xor3A_253 : vector<16xi32> to vector<16x1xi32>
      %gather3A_308 = vector.shape_cast %broadcast_in_dim3A_307 : vector<16x1xi32> to vector<16xi32>
      %gather3A_309 = tpu.dynamic_gather %get3A_203[%gather3A_308] in [0] : vector<16xf32>, vector<16xi32> -> vector<16xf32>
      %add3A_310 = arith.addf %get3A_203, %gather3A_309 : vector<16xf32>
      %broadcast_in_dim3A_311 = vector.shape_cast %xor3A_253 : vector<16xi32> to vector<16x1xi32>
      %gather3A_312 = vector.shape_cast %broadcast_in_dim3A_311 : vector<16x1xi32> to vector<16xi32>
      %gather3A_313 = tpu.dynamic_gather %add3A_310[%gather3A_312] in [0] : vector<16xf32>, vector<16xi32> -> vector<16xf32>
      %select_n3A_314 = arith.select %ne3A_257, %gather3A_313, %add3A_306 : vector<16xi1>, vector<16xf32>
      %broadcast_in_dim3A_315 = vector.shape_cast %xor3A_253 : vector<16xi32> to vector<16x1xi32>
      %gather3A_316 = vector.shape_cast %broadcast_in_dim3A_315 : vector<16x1xi32> to vector<16xi32>
      %gather3A_317 = tpu.dynamic_gather %get3A_171[%gather3A_316] in [0] : vector<16xf32>, vector<16xi32> -> vector<16xf32>
      %add3A_318 = arith.addf %get3A_171, %gather3A_317 : vector<16xf32>
      %broadcast_in_dim3A_319 = vector.shape_cast %xor3A_253 : vector<16xi32> to vector<16x1xi32>
      %gather3A_320 = vector.shape_cast %broadcast_in_dim3A_319 : vector<16x1xi32> to vector<16xi32>
      %gather3A_321 = tpu.dynamic_gather %get3A_235[%gather3A_320] in [0] : vector<16xf32>, vector<16xi32> -> vector<16xf32>
      %add3A_322 = arith.addf %get3A_235, %gather3A_321 : vector<16xf32>
      %broadcast_in_dim3A_323 = vector.shape_cast %xor3A_253 : vector<16xi32> to vector<16x1xi32>
      %gather3A_324 = vector.shape_cast %broadcast_in_dim3A_323 : vector<16x1xi32> to vector<16xi32>
      %gather3A_325 = tpu.dynamic_gather %add3A_322[%gather3A_324] in [0] : vector<16xf32>, vector<16xi32> -> vector<16xf32>
      %select_n3A_326 = arith.select %ne3A_257, %gather3A_325, %add3A_318 : vector<16xi1>, vector<16xf32>
      %broadcast_in_dim3A_327 = vector.shape_cast %xor3A_253 : vector<16xi32> to vector<16x1xi32>
      %gather3A_328 = vector.shape_cast %broadcast_in_dim3A_327 : vector<16x1xi32> to vector<16xi32>
      %gather3A_329 = tpu.dynamic_gather %get3A_155[%gather3A_328] in [0] : vector<16xf32>, vector<16xi32> -> vector<16xf32>
      %add3A_330 = arith.addf %get3A_155, %gather3A_329 : vector<16xf32>
      %broadcast_in_dim3A_331 = vector.shape_cast %xor3A_253 : vector<16xi32> to vector<16x1xi32>
      %gather3A_332 = vector.shape_cast %broadcast_in_dim3A_331 : vector<16x1xi32> to vector<16xi32>
      %gather3A_333 = tpu.dynamic_gather %get3A_219[%gather3A_332] in [0] : vector<16xf32>, vector<16xi32> -> vector<16xf32>
      %add3A_334 = arith.addf %get3A_219, %gather3A_333 : vector<16xf32>
      %broadcast_in_dim3A_335 = vector.shape_cast %xor3A_253 : vector<16xi32> to vector<16x1xi32>
      %gather3A_336 = vector.shape_cast %broadcast_in_dim3A_335 : vector<16x1xi32> to vector<16xi32>
      %gather3A_337 = tpu.dynamic_gather %add3A_334[%gather3A_336] in [0] : vector<16xf32>, vector<16xi32> -> vector<16xf32>
      %select_n3A_338 = arith.select %ne3A_257, %gather3A_337, %add3A_330 : vector<16xi1>, vector<16xf32>
      %broadcast_in_dim3A_339 = vector.shape_cast %xor3A_253 : vector<16xi32> to vector<16x1xi32>
      %gather3A_340 = vector.shape_cast %broadcast_in_dim3A_339 : vector<16x1xi32> to vector<16xi32>
      %gather3A_341 = tpu.dynamic_gather %get3A_187[%gather3A_340] in [0] : vector<16xf32>, vector<16xi32> -> vector<16xf32>
      %add3A_342 = arith.addf %get3A_187, %gather3A_341 : vector<16xf32>
      %broadcast_in_dim3A_343 = vector.shape_cast %xor3A_253 : vector<16xi32> to vector<16x1xi32>
      %gather3A_344 = vector.shape_cast %broadcast_in_dim3A_343 : vector<16x1xi32> to vector<16xi32>
      %gather3A_345 = tpu.dynamic_gather %get3A_251[%gather3A_344] in [0] : vector<16xf32>, vector<16xi32> -> vector<16xf32>
      %add3A_346 = arith.addf %get3A_251, %gather3A_345 : vector<16xf32>
      %broadcast_in_dim3A_347 = vector.shape_cast %xor3A_253 : vector<16xi32> to vector<16x1xi32>
      %gather3A_348 = vector.shape_cast %broadcast_in_dim3A_347 : vector<16x1xi32> to vector<16xi32>
      %gather3A_349 = tpu.dynamic_gather %add3A_346[%gather3A_348] in [0] : vector<16xf32>, vector<16xi32> -> vector<16xf32>
      %select_n3A_350 = arith.select %ne3A_257, %gather3A_349, %add3A_342 : vector<16xi1>, vector<16xf32>
      %xor3A_351 = arith.constant 4 : i32
      %xor3A_352 = vector.broadcast %xor3A_351 : i32 to vector<16xi32>
      %xor3A_353 = arith.xori %iota3A, %xor3A_352 : vector<16xi32>
      %and3A_354 = arith.constant 4 : i32
      %and3A_355 = vector.broadcast %and3A_354 : i32 to vector<16xi32>
      %and3A_356 = arith.andi %iota3A, %and3A_355 : vector<16xi32>
      %ne3A_357 = arith.constant 0 : i32
      %ne3A_358 = vector.broadcast %ne3A_357 : i32 to vector<16xi32>
      %ne3A_359 = arith.cmpi ne, %and3A_356, %ne3A_358 : vector<16xi32>
      %broadcast_in_dim3A_360 = vector.shape_cast %xor3A_353 : vector<16xi32> to vector<16x1xi32>
      %gather3A_361 = vector.shape_cast %broadcast_in_dim3A_360 : vector<16x1xi32> to vector<16xi32>
      %gather3A_362 = tpu.dynamic_gather %select_n3A[%gather3A_361] in [0] : vector<16xf32>, vector<16xi32> -> vector<16xf32>
      %add3A_363 = arith.addf %select_n3A, %gather3A_362 : vector<16xf32>
      %broadcast_in_dim3A_364 = vector.shape_cast %xor3A_353 : vector<16xi32> to vector<16x1xi32>
      %gather3A_365 = vector.shape_cast %broadcast_in_dim3A_364 : vector<16x1xi32> to vector<16xi32>
      %gather3A_366 = tpu.dynamic_gather %select_n3A_278[%gather3A_365] in [0] : vector<16xf32>, vector<16xi32> -> vector<16xf32>
      %add3A_367 = arith.addf %select_n3A_278, %gather3A_366 : vector<16xf32>
      %broadcast_in_dim3A_368 = vector.shape_cast %xor3A_353 : vector<16xi32> to vector<16x1xi32>
      %gather3A_369 = vector.shape_cast %broadcast_in_dim3A_368 : vector<16x1xi32> to vector<16xi32>
      %gather3A_370 = tpu.dynamic_gather %add3A_367[%gather3A_369] in [0] : vector<16xf32>, vector<16xi32> -> vector<16xf32>
      %select_n3A_371 = arith.select %ne3A_359, %gather3A_370, %add3A_363 : vector<16xi1>, vector<16xf32>
      %broadcast_in_dim3A_372 = vector.shape_cast %xor3A_353 : vector<16xi32> to vector<16x1xi32>
      %gather3A_373 = vector.shape_cast %broadcast_in_dim3A_372 : vector<16x1xi32> to vector<16xi32>
      %gather3A_374 = tpu.dynamic_gather %select_n3A_290[%gather3A_373] in [0] : vector<16xf32>, vector<16xi32> -> vector<16xf32>
      %add3A_375 = arith.addf %select_n3A_290, %gather3A_374 : vector<16xf32>
      %broadcast_in_dim3A_376 = vector.shape_cast %xor3A_353 : vector<16xi32> to vector<16x1xi32>
      %gather3A_377 = vector.shape_cast %broadcast_in_dim3A_376 : vector<16x1xi32> to vector<16xi32>
      %gather3A_378 = tpu.dynamic_gather %select_n3A_302[%gather3A_377] in [0] : vector<16xf32>, vector<16xi32> -> vector<16xf32>
      %add3A_379 = arith.addf %select_n3A_302, %gather3A_378 : vector<16xf32>
      %broadcast_in_dim3A_380 = vector.shape_cast %xor3A_353 : vector<16xi32> to vector<16x1xi32>
      %gather3A_381 = vector.shape_cast %broadcast_in_dim3A_380 : vector<16x1xi32> to vector<16xi32>
      %gather3A_382 = tpu.dynamic_gather %add3A_379[%gather3A_381] in [0] : vector<16xf32>, vector<16xi32> -> vector<16xf32>
      %select_n3A_383 = arith.select %ne3A_359, %gather3A_382, %add3A_375 : vector<16xi1>, vector<16xf32>
      %broadcast_in_dim3A_384 = vector.shape_cast %xor3A_353 : vector<16xi32> to vector<16x1xi32>
      %gather3A_385 = vector.shape_cast %broadcast_in_dim3A_384 : vector<16x1xi32> to vector<16xi32>
      %gather3A_386 = tpu.dynamic_gather %select_n3A_314[%gather3A_385] in [0] : vector<16xf32>, vector<16xi32> -> vector<16xf32>
      %add3A_387 = arith.addf %select_n3A_314, %gather3A_386 : vector<16xf32>
      %broadcast_in_dim3A_388 = vector.shape_cast %xor3A_353 : vector<16xi32> to vector<16x1xi32>
      %gather3A_389 = vector.shape_cast %broadcast_in_dim3A_388 : vector<16x1xi32> to vector<16xi32>
      %gather3A_390 = tpu.dynamic_gather %select_n3A_326[%gather3A_389] in [0] : vector<16xf32>, vector<16xi32> -> vector<16xf32>
      %add3A_391 = arith.addf %select_n3A_326, %gather3A_390 : vector<16xf32>
      %broadcast_in_dim3A_392 = vector.shape_cast %xor3A_353 : vector<16xi32> to vector<16x1xi32>
      %gather3A_393 = vector.shape_cast %broadcast_in_dim3A_392 : vector<16x1xi32> to vector<16xi32>
      %gather3A_394 = tpu.dynamic_gather %add3A_391[%gather3A_393] in [0] : vector<16xf32>, vector<16xi32> -> vector<16xf32>
      %select_n3A_395 = arith.select %ne3A_359, %gather3A_394, %add3A_387 : vector<16xi1>, vector<16xf32>
      %broadcast_in_dim3A_396 = vector.shape_cast %xor3A_353 : vector<16xi32> to vector<16x1xi32>
      %gather3A_397 = vector.shape_cast %broadcast_in_dim3A_396 : vector<16x1xi32> to vector<16xi32>
      %gather3A_398 = tpu.dynamic_gather %select_n3A_338[%gather3A_397] in [0] : vector<16xf32>, vector<16xi32> -> vector<16xf32>
      %add3A_399 = arith.addf %select_n3A_338, %gather3A_398 : vector<16xf32>
      %broadcast_in_dim3A_400 = vector.shape_cast %xor3A_353 : vector<16xi32> to vector<16x1xi32>
      %gather3A_401 = vector.shape_cast %broadcast_in_dim3A_400 : vector<16x1xi32> to vector<16xi32>
      %gather3A_402 = tpu.dynamic_gather %select_n3A_350[%gather3A_401] in [0] : vector<16xf32>, vector<16xi32> -> vector<16xf32>
      %add3A_403 = arith.addf %select_n3A_350, %gather3A_402 : vector<16xf32>
      %broadcast_in_dim3A_404 = vector.shape_cast %xor3A_353 : vector<16xi32> to vector<16x1xi32>
      %gather3A_405 = vector.shape_cast %broadcast_in_dim3A_404 : vector<16x1xi32> to vector<16xi32>
      %gather3A_406 = tpu.dynamic_gather %add3A_403[%gather3A_405] in [0] : vector<16xf32>, vector<16xi32> -> vector<16xf32>
      %select_n3A_407 = arith.select %ne3A_359, %gather3A_406, %add3A_399 : vector<16xi1>, vector<16xf32>
      %xor3A_408 = arith.constant 2 : i32
      %xor3A_409 = vector.broadcast %xor3A_408 : i32 to vector<16xi32>
      %xor3A_410 = arith.xori %iota3A, %xor3A_409 : vector<16xi32>
      %and3A_411 = arith.constant 2 : i32
      %and3A_412 = vector.broadcast %and3A_411 : i32 to vector<16xi32>
      %and3A_413 = arith.andi %iota3A, %and3A_412 : vector<16xi32>
      %ne3A_414 = arith.constant 0 : i32
      %ne3A_415 = vector.broadcast %ne3A_414 : i32 to vector<16xi32>
      %ne3A_416 = arith.cmpi ne, %and3A_413, %ne3A_415 : vector<16xi32>
      %broadcast_in_dim3A_417 = vector.shape_cast %xor3A_410 : vector<16xi32> to vector<16x1xi32>
      %gather3A_418 = vector.shape_cast %broadcast_in_dim3A_417 : vector<16x1xi32> to vector<16xi32>
      %gather3A_419 = tpu.dynamic_gather %select_n3A_371[%gather3A_418] in [0] : vector<16xf32>, vector<16xi32> -> vector<16xf32>
      %add3A_420 = arith.addf %select_n3A_371, %gather3A_419 : vector<16xf32>
      %broadcast_in_dim3A_421 = vector.shape_cast %xor3A_410 : vector<16xi32> to vector<16x1xi32>
      %gather3A_422 = vector.shape_cast %broadcast_in_dim3A_421 : vector<16x1xi32> to vector<16xi32>
      %gather3A_423 = tpu.dynamic_gather %select_n3A_383[%gather3A_422] in [0] : vector<16xf32>, vector<16xi32> -> vector<16xf32>
      %add3A_424 = arith.addf %select_n3A_383, %gather3A_423 : vector<16xf32>
      %broadcast_in_dim3A_425 = vector.shape_cast %xor3A_410 : vector<16xi32> to vector<16x1xi32>
      %gather3A_426 = vector.shape_cast %broadcast_in_dim3A_425 : vector<16x1xi32> to vector<16xi32>
      %gather3A_427 = tpu.dynamic_gather %add3A_424[%gather3A_426] in [0] : vector<16xf32>, vector<16xi32> -> vector<16xf32>
      %select_n3A_428 = arith.select %ne3A_416, %gather3A_427, %add3A_420 : vector<16xi1>, vector<16xf32>
      %broadcast_in_dim3A_429 = vector.shape_cast %xor3A_410 : vector<16xi32> to vector<16x1xi32>
      %gather3A_430 = vector.shape_cast %broadcast_in_dim3A_429 : vector<16x1xi32> to vector<16xi32>
      %gather3A_431 = tpu.dynamic_gather %select_n3A_395[%gather3A_430] in [0] : vector<16xf32>, vector<16xi32> -> vector<16xf32>
      %add3A_432 = arith.addf %select_n3A_395, %gather3A_431 : vector<16xf32>
      %broadcast_in_dim3A_433 = vector.shape_cast %xor3A_410 : vector<16xi32> to vector<16x1xi32>
      %gather3A_434 = vector.shape_cast %broadcast_in_dim3A_433 : vector<16x1xi32> to vector<16xi32>
      %gather3A_435 = tpu.dynamic_gather %select_n3A_407[%gather3A_434] in [0] : vector<16xf32>, vector<16xi32> -> vector<16xf32>
      %add3A_436 = arith.addf %select_n3A_407, %gather3A_435 : vector<16xf32>
      %broadcast_in_dim3A_437 = vector.shape_cast %xor3A_410 : vector<16xi32> to vector<16x1xi32>
      %gather3A_438 = vector.shape_cast %broadcast_in_dim3A_437 : vector<16x1xi32> to vector<16xi32>
      %gather3A_439 = tpu.dynamic_gather %add3A_436[%gather3A_438] in [0] : vector<16xf32>, vector<16xi32> -> vector<16xf32>
      %select_n3A_440 = arith.select %ne3A_416, %gather3A_439, %add3A_432 : vector<16xi1>, vector<16xf32>
      %xor3A_441 = arith.constant 1 : i32
      %xor3A_442 = vector.broadcast %xor3A_441 : i32 to vector<16xi32>
      %xor3A_443 = arith.xori %iota3A, %xor3A_442 : vector<16xi32>
      %and3A_444 = arith.constant 1 : i32
      %and3A_445 = vector.broadcast %and3A_444 : i32 to vector<16xi32>
      %and3A_446 = arith.andi %iota3A, %and3A_445 : vector<16xi32>
      %ne3A_447 = arith.constant 0 : i32
      %ne3A_448 = vector.broadcast %ne3A_447 : i32 to vector<16xi32>
      %ne3A_449 = arith.cmpi ne, %and3A_446, %ne3A_448 : vector<16xi32>
      %broadcast_in_dim3A_450 = vector.shape_cast %xor3A_443 : vector<16xi32> to vector<16x1xi32>
      %gather3A_451 = vector.shape_cast %broadcast_in_dim3A_450 : vector<16x1xi32> to vector<16xi32>
      %gather3A_452 = tpu.dynamic_gather %select_n3A_428[%gather3A_451] in [0] : vector<16xf32>, vector<16xi32> -> vector<16xf32>
      %add3A_453 = arith.addf %select_n3A_428, %gather3A_452 : vector<16xf32>
      %broadcast_in_dim3A_454 = vector.shape_cast %xor3A_443 : vector<16xi32> to vector<16x1xi32>
      %gather3A_455 = vector.shape_cast %broadcast_in_dim3A_454 : vector<16x1xi32> to vector<16xi32>
      %gather3A_456 = tpu.dynamic_gather %select_n3A_440[%gather3A_455] in [0] : vector<16xf32>, vector<16xi32> -> vector<16xf32>
      %add3A_457 = arith.addf %select_n3A_440, %gather3A_456 : vector<16xf32>
      %broadcast_in_dim3A_458 = vector.shape_cast %xor3A_443 : vector<16xi32> to vector<16x1xi32>
      %gather3A_459 = vector.shape_cast %broadcast_in_dim3A_458 : vector<16x1xi32> to vector<16xi32>
      %gather3A_460 = tpu.dynamic_gather %add3A_457[%gather3A_459] in [0] : vector<16xf32>, vector<16xi32> -> vector<16xf32>
      %select_n3A_461 = arith.select %ne3A_449, %gather3A_460, %add3A_453 : vector<16xi1>, vector<16xf32>
      %mul3A_462 = arith.constant 16 : i32
      %mul3A_463 = arith.muli %add3A_124, %mul3A_462 : i32
      %add3A_464 = arith.constant 384 : i32
      %add3A_465 = arith.addi %add3A_464, %mul3A_463 : i32
      %swap3A = arith.index_cast %add3A_465 : i32 to index
      %swap3A_466 = tpu.vector_load %arg13[%swap3A] {strides = array<i32>} : memref<512xf32, #tpu.memory_space<vmem>>, vector<16xf32>,
      %swap3A_467 = vector.shape_cast %swap3A_466 : vector<16xf32> to vector<16xf32>
      %swap3A_468 = vector.shape_cast %select_n3A_461 : vector<16xf32> to vector<16xf32>
      tpu.vector_store %arg13[%swap3A], %swap3A_468 {strides = array<i32>} : memref<512xf32, #tpu.memory_space<vmem>>, vector<16xf32>,
    }
    %scan3A_119 = arith.constant 8 : i32
    "tpu.region"() ({
      %run_scoped3A = tpu.sem_alloc : memref<!tpu.dma_semaphore, #tpu.memory_space<semaphore_mem>>
      %dma_start3A_120 = tpu.memref_slice %arg6[%mul3A_2] : memref<16384xf32, #tpu.memory_space<hbm>> -> memref<512xf32, #tpu.memory_space<hbm>>
      %dma_start3A_121 = tpu.memref_slice %arg6[%mul3A_2] : memref<16384xf32, #tpu.memory_space<hbm>> -> memref<512xf32, #tpu.memory_space<hbm>>
      tpu.enqueue_dma source(%arg13 : memref<512xf32, #tpu.memory_space<vmem>>) target(%dma_start3A_121 : memref<512xf32, #tpu.memory_space<hbm>>) target_semaphore(%run_scoped3A : memref<!tpu.dma_semaphore, #tpu.memory_space<semaphore_mem>>)
      %dma_wait3A_122 = tpu.memref_slice %arg6[%mul3A_2] : memref<16384xf32, #tpu.memory_space<hbm>> -> memref<512xf32, #tpu.memory_space<hbm>>
      %dma_wait3A_123 = tpu.memref_slice %arg6[%mul3A_2] : memref<16384xf32, #tpu.memory_space<hbm>> -> memref<512xf32, #tpu.memory_space<hbm>>
      tpu.wait_dma2 semaphore(%run_scoped3A : memref<!tpu.dma_semaphore, #tpu.memory_space<semaphore_mem>>) src(%arg13 : memref<512xf32, #tpu.memory_space<vmem>>) dst(%dma_wait3A_123 : memref<512xf32, #tpu.memory_space<hbm>>)
      tpu.yield
    }) : () -> ()
    return
  }
}

</mosaic_0001>

<sc_bundles>
// kernel: kernel.3.cloned.1.call-start
scs
__scs_entry_jumppad:
0x0: {  	(pc) =	sbr.rel $0x88, $3  }
0x1: {  	(tag) =	ssettag $0x0;
	lr =	simm.s32 $0x1  }
0x2: {  	[smem:$0x3F9E] =	sst lr;
	_ =	strace $0xD0000000  }
0x3: {  	_ = 	snop  }
0x4: {  	_ = 	snop  }
0x5: {  	_ = 	snop  }
0x6: {  	_ = 	snop  }
0x7: {  	_ = 	snop  }
__scs_overlays_trampoline_lowered:
0x8: {  	[smem:$0x3FAD] =	sst s0  }
0x9: {  	[smem:$0x3FAE] =	sst s1  }
0xa: {  	[smem:$0x3FAF] =	sst s2  }
0xb: {  	[smem:$0x3FB0] =	sst s3  }
0xc: {  	[smem:$0x3FB1] =	sst s4  }
0xd: {  	[smem:$0x3FB2] =	sst s5  }
0xe: {  	[smem:$0x3FB3] =	sst s6  }
0xf: {  	[smem:$0x3FB4] =	sst s7  }
0x10: {  	[smem:$0x3FB5] =	sst s8  }
0x11: {  	[smem:$0x3FB6] =	sst s9;
	s0 =	simm.s32 @!p0 $0x0  }
0x12: {  	s1 =	sld [smem:$0x3F9C];
	s0 =	simm.s32 @p0 $0x1  }
0x13: {  	[smem:$0x3FB7] =	sst s0;
	s0 =	simm.s32 @!p1 $0x0  }
0x14: {  	s2 =	sld [smem:$0x3F9B];
	s0 =	simm.s32 @p1 $0x1  }
0x15: {  	[smem:$0x3FB8] =	sst s0;
	s0 =	simm.s32 @!p2 $0x0  }
0x16: {  	s3 =	sld [smem:$0x3FDB];
	s0 =	simm.s32 @p2 $0x1  }
0x17: {  	s4 =	simm.s32 $0x1BF5;
	[smem:$0x3FBA] =	sst s0  }
0x18: {  	s0 =	sld [smem:$0x3F9D];
	_ =	swait.ge [sflag:s4], $0x0  }
0x19: {  	s7 =	sld [smem:$0x3F9E]  }
0x1a: {  	s8 =	sadd.s32 $0xFFFFE003, lr  }
0x1b: {  	s9 =	sadd.s32 $0xFFFFFEF7, lr;
	s5 =	simm.s32 $0xFFFFFFFF;
	p2 =	slt.u32 s8, $0xFFFFF086  }
0x1c: {  	p1 =	slt.u32 s9, $0xF7A;
	s5 =	simm.s32 @!p2 $0x0  }
0x1d: {  	s5 =	simm.s32 @p1 $0x1;
	p0 =	seq.s32 s7, s2  }
0x1e: {  	s7 =	smul.u32 @!p0 $0xF7A, s2;
	p2 =	seq.s32 @!p0 s5, $0x0  }
0x1f: {  	s9 =	smul.u32 $0xF7A, s1;
	s8 =	simm.s32 @!p0 $0x1BF5;
	p2 =	por !p2, p0  }
0x20: {  	[sflag:s8] =	ssyncset.s32 @!p0 $0xFFFFF086;
	s6 =	sadd.s32 @!p0 s3, s7;
	s7 =	simm.s32 @!p0 $0x108  }
0x21: {  	s3 =	sadd.s32 s3, s9;
	s6 =	sadd.s32 @!p0 $0x88, s6;
	s7 =	simm.s32 @p2 $0x1082  }
0x22: {  	[simem:s7], [sflag:s8] =	dma.local @!p0 [hbm:s6], $0xF7A  }
0x23: {  	s9 =	sor.u32 $0xD0000000, s2;
	s6 =	simm.s32 $0x108;
	_ =	swait.ge @!p0 [sflag:s8], $0x0  }
0x24: {  	s3 =	sadd.s32 $0x88, s3;
	s6 =	simm.s32 @!p1 $0x1082;
	[sflag:s4] =	ssyncset.s32 $0xFFFFF086  }
0x25: {  	[simem:s6], [sflag:s4] =	dma.local [hbm:s3], $0xF7A  }
0x26: {  	[smem:$0x3F9E] =	sst s1;
	(tag) =	ssettag s2;
	_ =	strace s9  }
0x27: {  	s1 =	sld [smem:$0x3FAE]  }
0x28: {  	s2 =	sld [smem:$0x3FAF]  }
0x29: {  	s4 =	sld [smem:$0x3FB1]  }
0x2a: {  	p0 =	seq.s32 s5, $0x0;
	s5 =	sld [smem:$0x3FB2]  }
0x2b: {  	s6 =	sld [smem:$0x3FB3]  }
0x2c: {  	s7 =	sld [smem:$0x3FB4]  }
0x2d: {  	s3 =	simm.s32 $0x108;
	s8 =	sld [smem:$0x3FB5]  }
0x2e: {  	s3 =	simm.s32 @!p0 $0x1082;
	s9 =	sld [smem:$0x3FB6]  }
0x2f: {  	lr =	sadd.s32 s0, s3;
	s0 =	sld [smem:$0x3FAD]  }
0x30: {  	s3 =	sld [smem:$0x3FB0]  }
0x31: {  	[smem:$0x3FB9] =	sst s10  }
0x32: {  	s10 =	sld [smem:$0x3FB7];
	_ =	sdelay $0x3  }
0x33: {  	p0 =	seq.s32 s10, $0x1;
	s10 =	sld [smem:$0x3FB9];
	_ =	sdelay $0x3  }
0x34: {  	[smem:$0x3FB9] =	sst s10  }
0x35: {  	s10 =	sld [smem:$0x3FB8];
	_ =	sdelay $0x3  }
0x36: {  	p1 =	seq.s32 s10, $0x1;
	s10 =	sld [smem:$0x3FB9];
	_ =	sdelay $0x3  }
0x37: {  	[smem:$0x3FB9] =	sst s10  }
0x38: {  	s10 =	sld [smem:$0x3FBA]  }
0x39: {  	_ = 	snop;
	(pc) =	sbr.ind lr, $3  }
0x3a: {  	_ = 	snop  }
0x3b: {  	_ = 	snop  }
0x3c: {  	p2 =	seq.s32 s10, $0x1;
	s10 =	sld [smem:$0x3FB9]  }
0x3d: {  	_ =	shalt  }
0x3e: {  	_ =	shalt  }
0x3f: {  	_ =	shalt  }
0x40: {  	_ =	shalt  }
0x41: {  	_ =	shalt  }
0x42: {  	_ =	shalt  }
0x43: {  	_ =	shalt  }
0x44: {  	_ =	shalt  }
0x45: {  	_ =	shalt  }
0x46: {  	_ =	shalt  }
0x47: {  	_ =	shalt  }
0x48: {  	_ =	shalt  }
0x49: {  	_ =	shalt  }
0x4a: {  	_ =	shalt  }
0x4b: {  	_ =	shalt  }
0x4c: {  	_ =	shalt  }
0x4d: {  	_ =	shalt  }
0x4e: {  	_ =	shalt  }
0x4f: {  	_ =	shalt  }
0x50: {  	_ =	shalt  }
0x51: {  	_ =	shalt  }
0x52: {  	_ =	shalt  }
0x53: {  	_ =	shalt  }
0x54: {  	_ =	shalt  }
0x55: {  	_ =	shalt  }
0x56: {  	_ =	shalt  }
0x57: {  	_ =	shalt  }
0x58: {  	_ =	shalt  }
0x59: {  	_ =	shalt  }
0x5a: {  	_ =	shalt  }
0x5b: {  	_ =	shalt  }
0x5c: {  	_ =	shalt  }
0x5d: {  	_ =	shalt  }
0x5e: {  	_ =	shalt  }
0x5f: {  	_ =	shalt  }
0x60: {  	_ =	shalt  }
0x61: {  	_ =	shalt  }
0x62: {  	_ =	shalt  }
0x63: {  	_ =	shalt  }
0x64: {  	_ =	shalt  }
0x65: {  	_ =	shalt  }
0x66: {  	_ =	shalt  }
0x67: {  	_ =	shalt  }
0x68: {  	_ =	shalt  }
0x69: {  	_ =	shalt  }
0x6a: {  	_ =	shalt  }
0x6b: {  	_ =	shalt  }
0x6c: {  	_ =	shalt  }
0x6d: {  	_ =	shalt  }
0x6e: {  	_ =	shalt  }
0x6f: {  	_ =	shalt  }
0x70: {  	_ =	shalt  }
0x71: {  	_ =	shalt  }
0x72: {  	_ =	shalt  }
0x73: {  	_ =	shalt  }
0x74: {  	_ =	shalt  }
0x75: {  	_ =	shalt  }
0x76: {  	_ =	shalt  }
0x77: {  	_ =	shalt  }
0x78: {  	_ =	shalt  }
0x79: {  	_ =	shalt  }
0x7a: {  	_ =	shalt  }
0x7b: {  	_ =	shalt  }
0x7c: {  	_ =	shalt  }
0x7d: {  	_ =	shalt  }
0x7e: {  	_ =	shalt  }
0x7f: {  	_ =	shalt  }
0x80: {  	_ =	shalt  }
0x81: {  	_ =	shalt  }
0x82: {  	_ =	shalt  }
0x83: {  	_ =	shalt  }
0x84: {  	_ =	shalt  }
0x85: {  	_ =	shalt  }
0x86: {  	_ =	shalt  }
0x87: {  	_ =	shalt  }
.Lfunc_end0:
.L_simem_size_0:
called_computation_lowered:
.L_overlay_start_0:
0x88: {  	s2 =	sld [smem:$0x3FD9]  }
0x89: {  	s3 =	sld [smem:$0x3FFE];
	_ =	sdelay $0x1  }
0x8a: {  	s1 =	srdreg.scid  }
0x8b: {  	s0 =	sand.u32 $0x1, s1  }
0x8c: {  	s17 =	sshll.u32 s0, $0xA;
	s2 =	sadd.s32 s3, s2  }
0x8d: {  	s2 =	sadd.s32 s2, s17  }
0x8e: {  	[smem:$0x3FC5] =	sst s2  }
0x8f: {  	_ = 	snop  }
0x90: {  	s2 =	sld [smem:$0x3FC8]  }
0x91: {  	s18 =	sld [smem:$0x3FC7]  }
0x92: {  	s4 =	sld [smem:$0x3FD0];
	(tm) =	ssettm $0x1  }
0x93: {  	s5 =	sld [smem:$0x3FFB];
	_ =	sdelay $0x3  }
0x94: {  	_ =	strace s5  }
0x95: {  	s5 =	sld [smem:$0x3FFC];
	_ =	sdelay $0x3  }
0x96: {  	_ =	strace s5  }
0x97: {  	s5 =	sld [smem:$0x3FFD];
	_ =	sdelay $0x3  }
0x98: {  	_ =	strace s5  }
0x99: {  	_ =	strace $0x8FFFFFFF  }
0x9a: {  	s19 =	sld [smem:$0x3FDB];
	_ =	sdelay $0x1  }
0x9b: {  	s6 =	simm.s32 $_scs_section_size  }
0x9c: {  	s7 =	simm.s32 $_size__tile_overlayer_lowered;
	s8 =	simm.s32 $_tile_overlayer_lowered  }
0x9d: {  	s22 =	simm.s32 $0x1BFF;
	s21 =	sshll.u32 s8, $0x1;
	s5 =	sadd.s32 s6, s19  }
0x9e: {  	s9 =	simm.s32 $0x0;
	s20 =	sshll.u32 s7, $0x1;
	s7 =	sadd.s32 s21, s5  }
0x9f: {  	[timem:s9], [sflag:s22] =	dma.local [hbm:s7], s20  }
0xa0: {  	_ =	swait.ge [sflag:s22], s20  }
0xa1: {  	s6 =	ssub.s32 $0x0, s20;
	[sflag:s22] =	ssyncset.done $0x0  }
0xa2: {  	[sflag:s22] =	ssyncadd.s32 s6;
	_ =	sdelay $0x1  }
0xa3: {  	s23 =	simm.s32 $0x1B8B  }
0xa4: {  	_ =	swait.ge [sflag:s23], $0x1  }
0xa5: {  	[sflag:s23] =	ssyncset.done $0x0  }
0xa6: {  	s25 =	simm.s32 $0x1B8E;
	s24 =	sld [smem:$0x3FFE];
	[sflag:s23] =	ssyncadd.s32 $0xFFFFFFFF  }
0xa7: {  	s26 =	simm.s32 $execute0_lowered;
	[smem:$0x3FD2] =	sst s25  }
0xa8: {  	s7 =	sshll.u32 s26, $0x1;
	_ =	strace $0x80000046;
	[dreg:$0x1] =	wrdreg $0xFFFFFFFF  }
0xa9: {  	s28 =	simm.s32 $_size_execute0_lowered;
	s5 =	sadd.s32 s5, s7;
	[dreg:$0x0] =	wrdreg $0x0  }
0xaa: {  	s7 =	sshll.u32 s28, $0x1;
	[dreg:$0x2] =	wrdreg s5  }
0xab: {  	[dreg:$0x3] =	wrdreg s7  }
0xac: {  	[dreg:$0x4] =	wrdreg $0xC0  }
0xad: {  	_ =	task [dreg:s9], $0x5FFFF  }
0xae: {  	[dreg:$0x1] =	wrdreg $0xFFFFFFFF  }
0xaf: {  	[dreg:$0x0] =	wrdreg $0x60  }
0xb0: {  	[dreg:$0x2] =	wrdreg s24  }
0xb1: {  	[dreg:$0x3] =	wrdreg s2  }
0xb2: {  	[dreg:$0x4] =	wrdreg s18  }
0xb3: {  	[dreg:$0x5] =	wrdreg s4  }
0xb4: {  	[dreg:$0x6] =	wrdreg $0x9  }
0xb5: {  	_ =	task.clear_ibuf [dreg:s9], $0x7FFFF;
	_ =	strace $0x90000046  }
0xb6: {  	s29 =	simm.s32 $0x9;
	_ =	strace $0x80000048  }
0xb7: {  	_ =	swait.ge [sflag:s29], $0x1  }
0xb8: {  	[sflag:s29] =	ssyncadd.s32 $0xFFFFFFFF  }
0xb9: {  	_ =	strace $0x90000048  }
0xba: {  	_ =	sfence  }
0xbb: {  	s30 =	sld [smem:$0x0];
	_ =	sdelay $0x2  }
0xbc: {  	s31 =	sshll.u32 s1, $0xD;
	s1 =	sshrl.u32 s1, $0x2  }
0xbd: {  	s3 =	sand.u32 $0x4000, s31;
	s1 =	sadd.s32 s1, s30  }
0xbe: {  	s0 =	sor.u32 s3, s0;
	s1 =	sshll.u32 s1, $0x11  }
0xbf: {  	s0 =	sor.u32 s1, s0  }
0xc0: {  	s0 =	sadd.s32 $0x8F2B, s0  }
0xc1: {  	[sflag:s0] =	ssyncadd.remote.s32 $0x1  }
0xc2: {  	_ =	sfence.sel $0xFFFF  }
0xc3: {  	[dreg:$0x0] =	wrdreg $0xFFFFFFFF;
	(pc) =	sbr.abs _section_cstart, $3  }
0xc4: {  	[dreg:$0x1] =	wrdreg $0xFFFFFFFF  }
0xc5: {  	_ =	task.clear_ibuf [dreg:s9], $0x2FFFF;
	_ =	strace $0x9FFFFFFF  }
0xc6: {  	(tm) =	ssettm $0x7FFFFFFF  }
0xc7: {  	_ =	shalt  }
tec
execute0_lowered:
.L_overlay_start_1:
0x0: {  	(tag) =	ssettag $0x1  }
0x1: {  	v0 =	vimm.s32 $0x76543210;
	v1 =	vimm.s32 $0xFEDCBA98;
	v2 =	vimm.s32 $0xBA98FEDC  }
0x2: {  	v3 =	vimm.s32 $0x32107654;
	v4 =	vimm.s32 $0xDCFE98BA;
	v5 =	vimm.s32 $0x54761032  }
0x3: {  	vm0 =	vcmask $0x2F20;
	vm1 =	vcmask $0xF00;
	vm2 =	vcmask $0x1710  }
0x4: {  	vm3 =	vcmask $0x700;
	vm4 =	vcmask $0x300;
	v1 =	vunpack.c.l.s4.s8 v1  }
0x5: {  	v0 =	vunpack.c.l.s4.s8 v0;
	v2 =	vunpack.c.l.s4.s8 v2;
	v3 =	vunpack.c.l.s4.s8 v3  }
0x6: {  	s5 =	rddreg [dreg:$0x0];
	v4 =	vunpack.c.l.s4.s8 v4;
	vm0 =	vmor vm1, vm0;
	v1 =	vunpack.c.0.s8.s32 v1  }
0x7: {  	s0 =	rddreg [dreg:$0x1];
	v0 =	vunpack.c.0.s8.s32 v0;
	v2 =	vunpack.c.0.s8.s32 v2;
	v3 =	vunpack.c.0.s8.s32 v3  }
0x8: {  	s1 =	rddreg [dreg:$0x2];
	vm1 =	vmor vm3, vm2;
	vm3 =	vcmask $0xB08;
	v1 =	vand.u32 $0xF, v1  }
0x9: {  	s7 =	rddreg [dreg:$0x3];
	s4 =	srdreg.scid;
	v0 =	vcombine.low v1, v0;
	v1 =	vcombine.low v3, v2;
	v2 =	vunpack.c.l.s4.s8 v5  }
0xa: {  	s2 =	rddreg [dreg:$0x4];
	s3 =	stileid.u32;
	s11 =	simm.s32 $0x80;
	vm2 =	vcmask $0x2720;
	vm3 =	vmor vm4, vm3  }
0xb: {  	s12 =	simm.s32 $0x400;
	s13 =	simm.s32 $0x8400;
	s14 =	simm.s32 $0x4400;
	vm4 =	vcmask $0x1310;
	v3 =	vunpack.c.0.s8.s32 v4;
	v2 =	vunpack.c.0.s8.s32 v2  }
0xc: {  	s15 =	simm.s32 $0x280;
	s16 =	simm.s32 $0xC400;
	s17 =	simm.s32 $0x1;
	vm1 =	vmor vm1, vm2;
	vm2 =	vcmask $0x3730;
	vm3 =	vmor vm3, vm4  }
0xd: {  	s18 =	simm.s32 $0x100;
	s19 =	simm.s32 $0x300;
	s20 =	simm.s32 $0x2;
	v4 =	vimm.s32 $0x67452301;
	v2 =	vcombine.low v2, v3;
	v3 =	vimm.s32 $0xEFCDAB89  }
0xe: {  	s21 =	simm.s32 $0x180;
	s22 =	simm.s32 $0x380;
	s23 =	simm.s32 $0x10400;
	vm4 =	vcmask $0x1B18;
	v4 =	vunpack.c.l.s4.s8 v4;
	v3 =	vunpack.c.l.s4.s8 v3  }
0xf: {  	s24 =	simm.s32 $0x0;
	s6 =	sand.u32 $0x1, s4;
	s4 =	simm.s32 $0x0;
	vm1 =	vmor vm1, vm2;
	vm2 =	vmor vm3, vm4  }
0x10: {  	s8 =	sshll.u32 s3, $0x7;
	s9 =	sshll.u32 s6, $0x6;
	s6 =	ssub.s32 $0x2, s6;
	vm3 =	vcmask $0x2320;
	v4 =	vunpack.c.0.s8.s32 v4;
	v3 =	vunpack.c.0.s8.s32 v3  }
0x11: {  	[smem:$0x7FF] =	sst s4;
	s8 =	sor.u32 s9, s8;
	s31 =	sshrl.u32 s6, $0x1;
	vm4 =	vcmask $0x2B28;
	vm3 =	vmor vm2, vm3;
	vm2 =	vmmov $0xff  }
0x12: {  	_ =	strace $0x80000047;
	s9 =	sadd.s32 s8, s5;
	s10 =	ssub.s32 s6, s31;
	vm3 =	vmor vm3, vm4;
	vm4 =	vcmask $0x3330;
	v3 =	vcombine.low v4, v3  }
0x13: {  	s7 =	sadd.s32 s7, s8;
	s5 =	sadd.s32 $0xE00, s9;
	s6 =	sadd.s32 $0x600, s9;
	vm3 =	vmor vm3, vm4;
	vm4 =	vcmask $0x3B38;
	v1 =	vand.u32 $0xF, v1  }
0x14: {  	s8 =	smax.u32 s10, $0x1;
	s9 =	simm.s32 $0x3;
	s10 =	simm.s32 $0x200;
	vm3 =	vmor vm3, vm4;
	v2 =	vand.u32 $0xF, v2;
	v3 =	vand.u32 $0xF, v3  }
.LBB2_1:
0x15: {  	[tilespmem:s4], [sflag:$0x3] =	stream.linear.gather [hbm4b:s5+s4], $0x200, $0x38;
	[tilespmem:$0x14600] =	vst v63  }
0x16: {  	_ =	swait.ge [sflag:s9], $0x200  }
0x17: {  	[sflag:s9] =	ssyncset.done $0x0  }
0x18: {  	[sflag:s9] =	ssyncadd.s32 $0xFFFFFE00  }
0x19: {  	[tilespmem:s10], [sflag:$0x3] =	stream.linear.gather [hbm4b:s6+s4], $0x200, $0x38;
	[tilespmem:$0x14600] =	vst v63  }
0x1a: {  	_ =	swait.ge [sflag:s9], $0x200  }
0x1b: {  	[sflag:s9] =	ssyncset.done $0x0  }
0x1c: {  	[sflag:s9] =	ssyncadd.s32 $0xFFFFFE00  }
0x1d: {  	[tilespmem:s12], [sflag:$0x1] =	stream.indirect.gather [hbm4b:s0+s11], $0x80, s4, s11, $0xb8;
	[tilespmem:$0x14600] =	vst v63  }
0x1e: {  	_ = 	snop  }
0x1f: {  	[tilespmem:s13], [sflag:$0x1] =	stream.indirect.gather [hbm4b:s1+s11], $0x80, s10, s11, $0xb8;
	[tilespmem:$0x14600] =	vst v63  }
0x20: {  	_ = 	snop  }
0x21: {  	[tilespmem:s14], [sflag:$0x2] =	stream.indirect.gather [hbm4b:s0+s11], $0x80, s11, s11, $0xb8;
	[tilespmem:$0x14600] =	vst v63  }
0x22: {  	_ = 	snop  }
0x23: {  	[tilespmem:s16], [sflag:$0x2] =	stream.indirect.gather [hbm4b:s1+s11], $0x80, s15, s11, $0xb8;
	[tilespmem:$0x14600] =	vst v63  }
0x24: {  	_ =	swait.ge [sflag:s17], $0x4000  }
0x25: {  	[sflag:s17] =	ssyncset.done $0x0  }
0x26: {  	[sflag:s17] =	ssyncadd.s32 $0xFFFFC000  }
0x27: {  	_ =	swait.ge [sflag:s17], $0x4000  }
0x28: {  	[sflag:s17] =	ssyncset.done $0x0  }
0x29: {  	s25 =	simm.s32 $0x0;
	[sflag:s17] =	ssyncadd.s32 $0xFFFFC000  }
0x2a: {  	v10 =	vld [tilespmem:s25+$0x400]  }
0x2b: {  	v4 =	vld [tilespmem:s25+$0x8400]  }
0x2c: {  	v5 =	vld [tilespmem:s25+$0x410]  }
0x2d: {  	v6 =	vld [tilespmem:s25+$0x8410]  }
0x2e: {  	v7 =	vld [tilespmem:s25+$0x420]  }
0x2f: {  	v8 =	vld [tilespmem:s25+$0x8420]  }
0x30: {  	v9 =	vld [tilespmem:s25+$0x430]  }
0x31: {  	v12 =	vld [tilespmem:s25+$0x8430]  }
0x32: {  	v11 =	vld [tilespmem:s25+$0x440]  }
0x33: {  	v13 =	vld [tilespmem:s25+$0x8440]  }
0x34: {  	v14 =	vld [tilespmem:s25+$0x450]  }
0x35: {  	v16 =	vld [tilespmem:s25+$0x8450]  }
0x36: {  	v15 =	vld [tilespmem:s25+$0x460]  }
0x37: {  	v17 =	vld [tilespmem:s25+$0x8460]  }
0x38: {  	s26 =	simm.s32 $0x200;
	v18 =	vld [tilespmem:s25+$0x470]  }
.LBB2_2:
0x39: {  	s28 =	sshra.s32 s26, $0x2;
	p0 =	sne.s32 s26, $0xFE00;
	v19 =	vld [tilespmem:s25+$0x8470]  }
0x3a: {  	v20 =	vld [tilespmem:s28+$0x400]  }
0x3b: {  	v10 =	vmul.f32 v4, v10;
	v21 =	vmul.f32 v6, v5;
	v4 =	vld [tilespmem:s28+$0x8400]  }
0x3c: {  	v22 =	vmul.f32 v8, v7;
	v9 =	vmul.f32 v12, v9;
	v5 =	vld [tilespmem:s28+$0x410]  }
0x3d: {  	v11 =	vmul.f32 v13, v11;
	v12 =	vmul.f32 v16, v14;
	v6 =	vld [tilespmem:s28+$0x8410]  }
0x3e: {  	v13 =	vmul.f32 v17, v15;
	v7 =	vld [tilespmem:s28+$0x420];
	v14 =	vmul.f32 v19, v18  }
0x3f: {  	v16 =	vadd.f32 v9, v22;
	v15 =	vadd.f32 v21, v10;
	v8 =	vld [tilespmem:s28+$0x8420];
	v10 =	vmov v20  }
0x40: {  	v17 =	vadd.f32 v12, v11;
	v9 =	vld [tilespmem:s28+$0x430];
	v13 =	vadd.f32 v14, v13  }
0x41: {  	v12 =	vld [tilespmem:s28+$0x8430]  }
0x42: {  	v15 =	vadd.f32 v16, v15;
	v11 =	vld [tilespmem:s28+$0x440];
	v16 =	vadd.f32 v13, v17  }
0x43: {  	v13 =	vld [tilespmem:s28+$0x8440]  }
.Ltmp0:
0x44: {  	v14 =	vld [tilespmem:s28+$0x450];
	v17 =	vadd.f32 v16, v15;
	(pc) =	sbr.rel @p0 .LBB2_2-.Ltmp0, $4  }
0x45: {  	v16 =	vld [tilespmem:s28+$0x8450]  }
0x46: {  	v15 =	vld [tilespmem:s28+$0x460];
	[tilespmem:s25+$0x10600] =	vst v17;
	s25 =	smov.u32 s28  }
0x47: {  	v17 =	vld [tilespmem:s25+$0x8460]  }
0x48: {  	s26 =	sadd.s32 $0x200, s26;
	v18 =	vld [tilespmem:s25+$0x470]  }
0x49: {  	v19 =	vld [tilespmem:s25+$0x8470];
	_ =	sdelay $0x1  }
0x4a: {  	v4 =	vmul.f32 v4, v10;
	v5 =	vmul.f32 v6, v5  }
0x4b: {  	v6 =	vmul.f32 v8, v7;
	v7 =	vmul.f32 v12, v9  }
0x4c: {  	v24 =	vmul.f32 v13, v11;
	v25 =	vmul.f32 v16, v14  }
0x4d: {  	v26 =	vmul.f32 v17, v15;
	v27 =	vmul.f32 v19, v18  }
0x4e: {  	v4 =	vadd.f32 v5, v4;
	v5 =	vadd.f32 v7, v6  }
0x4f: {  	v6 =	vadd.f32 v25, v24;
	v7 =	vadd.f32 v27, v26;
	_ =	sdelay $0x1  }
0x50: {  	v4 =	vadd.f32 v5, v4;
	v5 =	vadd.f32 v7, v6;
	_ =	sdelay $0x1  }
0x51: {  	v4 =	vadd.f32 v5, v4;
	_ =	sdelay $0x1  }
0x52: {  	[tilespmem:s25+$0x10600] =	vst v4;
	s25 =	simm.s32 $0x10A00  }
0x53: {  	v4 =	vld [tilespmem:s25+$0xFFFFFE00]  }
0x54: {  	v5 =	vld [tilespmem:s25+$0xFFFFFC00]  }
0x55: {  	v6 =	vld [tilespmem:s25+$0x200]  }
0x56: {  	v7 =	vld [tilespmem:s25+$0xFFFFFC80]  }
0x57: {  	v28 =	vld [tilespmem:s25+$0x80]  }
0x58: {  	v29 =	vld [tilespmem:s25+$0xFFFFFD00]  }
0x59: {  	v30 =	vld [tilespmem:s25+$0xFFFFFE80]  }
0x5a: {  	v31 =	vld [tilespmem:s25+$0x100]  }
0x5b: {  	v34 =	vld [tilespmem:s25+$0xFFFFFF00]  }
0x5c: {  	v39 =	vld [tilespmem:s25+$0x280]  }
0x5d: {  	v41 =	vld [tilespmem:s25+$0x380];
	v32 =	vperm.xlane v5, v0;
	v33 =	vperm.xlane v4, v0  }
0x5e: {  	v43 =	vld [tilespmem:s25+$0x180];
	v35 =	vperm.xlane v6, v0;
	v36 =	vperm.xlane v7, v0  }
0x5f: {  	v45 =	vld [tilespmem:s25+$0xFFFFFF80];
	v38 =	vperm.xlane v28, v0;
	v40 =	vperm.xlane v29, v0  }
0x60: {  	v46 =	vld [tilespmem:s25+$0xFFFFFD80];
	v42 =	vperm.xlane v30, v0;
	v44 =	vperm.xlane v31, v0  }
0x61: {  	v48 =	vld [tilespmem:s25+$0x0];
	v20 =	vperm.xlane v34, v0;
	v47 =	vperm.xlane v39, v0  }
0x62: {  	v21 =	vperm.xlane v41, v0;
	v5 =	vadd.f32 v32, v5;
	v4 =	vadd.f32 v33, v4  }
0x63: {  	v49 =	vperm.xlane v43, v0;
	v6 =	vadd.f32 v35, v6;
	v7 =	vadd.f32 v36, v7  }
0x64: {  	v37 =	vld [tilespmem:s25+$0x300];
	v51 =	vperm.xlane v45, v0;
	v8 =	vadd.f32 v38, v28;
	v9 =	vadd.f32 v40, v29  }
0x65: {  	v52 =	vperm.xlane v46, v0;
	v10 =	vadd.f32 v42, v30;
	v11 =	vadd.f32 v44, v31  }
0x66: {  	v53 =	vperm.xlane v48, v0;
	v13 =	vadd.f32 v47, v39;
	v16 =	vadd.f32 v21, v41  }
0x67: {  	v14 =	vadd.f32 v20, v34;
	v17 =	vadd.f32 v49, v43;
	v6 =	vperm.xlane v6, v0  }
0x68: {  	v15 =	vadd.f32 v51, v45;
	v8 =	vperm.xlane v8, v0;
	v11 =	vperm.xlane v11, v0  }
0x69: {  	v13 =	vperm.xlane v13, v0;
	v4 =	vsel vm2, v4, v6;
	v6 =	vperm.xlane v37, v0  }
0x6a: {  	v12 =	vadd.f32 v52, v46;
	v16 =	vperm.xlane v16, v0;
	v54 =	vperm.xlane v17, v0  }
0x6b: {  	v7 =	vsel vm2, v7, v8;
	v10 =	vsel vm2, v10, v13;
	v6 =	vadd.f32 v6, v37  }
0x6c: {  	v15 =	vsel vm2, v15, v16;
	v9 =	vsel vm2, v9, v11;
	v50 =	vperm.xlane v7, v1  }
0x6d: {  	v8 =	vadd.f32 v53, v48;
	v55 =	vperm.xlane v10, v1;
	v6 =	vperm.xlane v6, v0  }
0x6e: {  	v12 =	vsel vm2, v12, v54;
	v57 =	vperm.xlane v15, v1;
	v58 =	vperm.xlane v4, v1  }
0x6f: {  	v59 =	vperm.xlane v9, v1;
	v13 =	vperm.xlane v12, v1;
	v6 =	vsel vm2, v14, v6  }
0x70: {  	v10 =	vadd.f32 v55, v10;
	v11 =	vadd.f32 v57, v15;
	v56 =	vperm.xlane v6, v1  }
0x71: {  	v8 =	vperm.xlane v8, v0;
	v9 =	vadd.f32 v59, v9;
	v4 =	vadd.f32 v58, v4  }
0x72: {  	v12 =	vadd.f32 v13, v12;
	v11 =	vperm.xlane v11, v1;
	v6 =	vadd.f32 v56, v6  }
0x73: {  	v7 =	vadd.f32 v50, v7;
	v5 =	vsel vm2, v5, v8;
	v10 =	vperm.xlane v10, v1  }
0x74: {  	v8 =	vperm.xlane v5, v1;
	v11 =	vsel vm0, v12, v11;
	v6 =	vperm.xlane v6, v1  }
0x75: {  	v4 =	vperm.xlane v4, v1;
	v7 =	vsel vm0, v7, v10;
	v60 =	vperm.xlane v11, v2  }
0x76: {  	v5 =	vadd.f32 v8, v5;
	v62 =	vperm.xlane v7, v2;
	v6 =	vsel vm0, v9, v6  }
0x77: {  	v9 =	vadd.f32 v60, v11;
	v61 =	vperm.xlane v6, v2  }
0x78: {  	v4 =	vsel vm0, v5, v4;
	v5 =	vadd.f32 v62, v7  }
0x79: {  	v7 =	vperm.xlane v4, v2;
	v63 =	vperm.xlane v9, v2;
	v6 =	vadd.f32 v61, v6;
	_ =	sdelay $0x1  }
0x7a: {  	v4 =	vadd.f32 v7, v4;
	v5 =	vsel vm1, v5, v63;
	v6 =	vperm.xlane v6, v2  }
0x7b: {  	v7 =	vperm.xlane v5, v3  }
0x7c: {  	v4 =	vsel vm1, v4, v6  }
0x7d: {  	v5 =	vadd.f32 v7, v5;
	v6 =	vperm.xlane v4, v3;
	_ =	sdelay $0x1  }
0x7e: {  	s26 =	simm.s32 $0x0;
	s29 =	simm.s32 $0x40;
	v5 =	vperm.xlane v5, v3;
	v4 =	vadd.f32 v6, v4  }
.LBB2_4:
0x7f: {  	s28 =	smov.u32 s29  }
0x80: {  	s30 =	sshra.s32 s29, $0x2;
	s25 =	sadd.s32 $0x800, s25;
	v4 =	vsel vm3, v4, v5;
	s28 =	sadd.s32 $0x40, s29  }
0x81: {  	p0 =	sne.s32 s29, $0x1C0;
	[tilespmem:s26+$0x10400] =	vst v4;
	s26 =	smov.u32 s30  }
0x82: {  	v4 =	vld [tilespmem:s25+$0xFFFFFE00]  }
0x83: {  	v5 =	vld [tilespmem:s25+$0xFFFFFC00]  }
0x84: {  	v6 =	vld [tilespmem:s25+$0x200]  }
0x85: {  	v7 =	vld [tilespmem:s25+$0xFFFFFC80]  }
0x86: {  	v8 =	vld [tilespmem:s25+$0x80]  }
0x87: {  	v9 =	vld [tilespmem:s25+$0xFFFFFD00]  }
0x88: {  	v12 =	vperm.xlane v4, v0;
	v10 =	vld [tilespmem:s25+$0xFFFFFE80];
	v11 =	vperm.xlane v5, v0  }
0x89: {  	v13 =	vld [tilespmem:s25+$0x100];
	v14 =	vperm.xlane v6, v0  }
0x8a: {  	v4 =	vadd.f32 v12, v4;
	v15 =	vld [tilespmem:s25+$0xFFFFFF00];
	v5 =	vadd.f32 v11, v5;
	v11 =	vperm.xlane v7, v0  }
0x8b: {  	v12 =	vld [tilespmem:s25+$0x300];
	v6 =	vadd.f32 v14, v6;
	v14 =	vperm.xlane v8, v0  }
0x8c: {  	v16 =	vld [tilespmem:s25+$0x280];
	v17 =	vperm.xlane v9, v0;
	v7 =	vadd.f32 v11, v7  }
0x8d: {  	v11 =	vld [tilespmem:s25+$0x380];
	v6 =	vperm.xlane v6, v0;
	v8 =	vadd.f32 v14, v8;
	v14 =	vperm.xlane v10, v0  }
0x8e: {  	v18 =	vld [tilespmem:s25+$0x180];
	v9 =	vadd.f32 v17, v9;
	v17 =	vperm.xlane v13, v0  }
0x8f: {  	v19 =	vld [tilespmem:s25+$0xFFFFFF80];
	v20 =	vperm.xlane v15, v0;
	v8 =	vperm.xlane v8, v0;
	v10 =	vadd.f32 v14, v10  }
0x90: {  	v4 =	vsel vm2, v4, v6;
	v14 =	vld [tilespmem:s25+$0xFFFFFD80];
	v6 =	vadd.f32 v17, v13;
	v13 =	vperm.xlane v12, v0  }
0x91: {  	v15 =	vadd.f32 v20, v15;
	v7 =	vsel vm2, v7, v8;
	v8 =	vperm.xlane v16, v0  }
0x92: {  	v17 =	vld [tilespmem:s25+$0x0];
	v6 =	vperm.xlane v6, v0;
	v12 =	vadd.f32 v13, v12;
	v13 =	vperm.xlane v11, v0  }
0x93: {  	v20 =	vperm.xlane v7, v1;
	v8 =	vadd.f32 v8, v16;
	v16 =	vperm.xlane v18, v0  }
0x94: {  	v12 =	vperm.xlane v12, v0;
	v21 =	vperm.xlane v19, v0;
	v11 =	vadd.f32 v13, v11  }
0x95: {  	v8 =	vperm.xlane v8, v0;
	v13 =	vperm.xlane v14, v0;
	v16 =	vadd.f32 v16, v18  }
0x96: {  	v12 =	vsel vm2, v15, v12;
	v15 =	vadd.f32 v21, v19;
	v11 =	vperm.xlane v11, v0  }
0x97: {  	v18 =	vperm.xlane v17, v0;
	v8 =	vsel vm2, v10, v8;
	v10 =	vperm.xlane v16, v0  }
0x98: {  	v6 =	vsel vm2, v9, v6;
	v9 =	vsel vm2, v15, v11;
	v11 =	vperm.xlane v8, v1  }
0x99: {  	v13 =	vadd.f32 v13, v14;
	v14 =	vperm.xlane v12, v1;
	v15 =	vperm.xlane v9, v1  }
0x9a: {  	v19 =	vperm.xlane v6, v1;
	v16 =	vperm.xlane v4, v1;
	v8 =	vadd.f32 v11, v8  }
0x9b: {  	v10 =	vsel vm2, v13, v10;
	v11 =	vadd.f32 v18, v17;
	v9 =	vadd.f32 v15, v9  }
0x9c: {  	v6 =	vadd.f32 v19, v6;
	v12 =	vadd.f32 v14, v12;
	v13 =	vperm.xlane v10, v1  }
0x9d: {  	v4 =	vadd.f32 v16, v4;
	v11 =	vperm.xlane v11, v0;
	v9 =	vperm.xlane v9, v1  }
0x9e: {  	v12 =	vperm.xlane v12, v1;
	v8 =	vperm.xlane v8, v1;
	v10 =	vadd.f32 v13, v10  }
0x9f: {  	v7 =	vadd.f32 v20, v7;
	v4 =	vperm.xlane v4, v1;
	v5 =	vsel vm2, v5, v11  }
0xa0: {  	v6 =	vsel vm0, v6, v12;
	v11 =	vperm.xlane v5, v1;
	v9 =	vsel vm0, v10, v9  }
0xa1: {  	v7 =	vsel vm0, v7, v8;
	v8 =	vperm.xlane v6, v2;
	v10 =	vperm.xlane v9, v2  }
0xa2: {  	v5 =	vadd.f32 v11, v5;
	v11 =	vperm.xlane v7, v2  }
0xa3: {  	v6 =	vadd.f32 v8, v6;
	v8 =	vadd.f32 v10, v9  }
0xa4: {  	v4 =	vsel vm0, v5, v4;
	v5 =	vadd.f32 v11, v7  }
0xa5: {  	v7 =	vperm.xlane v4, v2;
	v8 =	vperm.xlane v8, v2;
	_ =	sdelay $0x1  }
0xa6: {  	v6 =	vperm.xlane v6, v2;
	v4 =	vadd.f32 v7, v4;
	v5 =	vsel vm1, v5, v8  }
.Ltmp1:
0xa7: {  	v7 =	vperm.xlane v5, v3;
	(pc) =	sbr.rel @p0 .LBB2_4-.Ltmp1, $3  }
0xa8: {  	v4 =	vsel vm1, v4, v6  }
0xa9: {  	v6 =	vperm.xlane v4, v3;
	v5 =	vadd.f32 v7, v5;
	_ =	sdelay $0x1  }
0xaa: {  	s29 =	smov.u32 s28;
	v4 =	vadd.f32 v6, v4;
	v5 =	vperm.xlane v5, v3  }
0xab: {  	_ = 	snop  }
0xac: {  	v4 =	vsel vm3, v4, v5  }
0xad: {  	[tilespmem:s26+$0x10400] =	vst v4  }
0xae: {  	[tilespmem:s12], [sflag:$0x1] =	stream.indirect.gather [hbm4b:s0+s11], $0x80, s18, s11, $0xb8;
	[tilespmem:$0x14600] =	vst v63  }
0xaf: {  	_ = 	snop  }
0xb0: {  	[tilespmem:s13], [sflag:$0x1] =	stream.indirect.gather [hbm4b:s1+s11], $0x80, s19, s11, $0xb8;
	[tilespmem:$0x14600] =	vst v63  }
0xb1: {  	_ =	swait.ge [sflag:s20], $0x4000  }
0xb2: {  	[sflag:s20] =	ssyncset.done $0x0  }
0xb3: {  	[sflag:s20] =	ssyncadd.s32 $0xFFFFC000  }
0xb4: {  	_ =	swait.ge [sflag:s20], $0x4000  }
0xb5: {  	[sflag:s20] =	ssyncset.done $0x0  }
0xb6: {  	s25 =	simm.s32 $0x0;
	[sflag:s20] =	ssyncadd.s32 $0xFFFFC000  }
0xb7: {  	v10 =	vld [tilespmem:s25+$0x4400]  }
0xb8: {  	v4 =	vld [tilespmem:s25+$0xC400]  }
0xb9: {  	v5 =	vld [tilespmem:s25+$0x4410]  }
0xba: {  	v6 =	vld [tilespmem:s25+$0xC410]  }
0xbb: {  	v7 =	vld [tilespmem:s25+$0x4420]  }
0xbc: {  	v8 =	vld [tilespmem:s25+$0xC420]  }
0xbd: {  	v9 =	vld [tilespmem:s25+$0x4430]  }
0xbe: {  	v12 =	vld [tilespmem:s25+$0xC430]  }
0xbf: {  	v11 =	vld [tilespmem:s25+$0x4440]  }
0xc0: {  	v13 =	vld [tilespmem:s25+$0xC440]  }
0xc1: {  	v14 =	vld [tilespmem:s25+$0x4450]  }
0xc2: {  	v16 =	vld [tilespmem:s25+$0xC450]  }
0xc3: {  	v15 =	vld [tilespmem:s25+$0x4460]  }
0xc4: {  	v17 =	vld [tilespmem:s25+$0xC460]  }
0xc5: {  	s28 =	simm.s32 $0x200;
	s26 =	simm.s32 $0x0;
	v18 =	vld [tilespmem:s25+$0x4470]  }
.LBB2_6:
0xc6: {  	s29 =	sshra.s32 s28, $0x2;
	p0 =	sne.s32 s28, $0xFE00;
	v19 =	vld [tilespmem:s26+$0xC470]  }
0xc7: {  	v20 =	vld [tilespmem:s29+$0x4400]  }
0xc8: {  	v10 =	vmul.f32 v4, v10;
	v21 =	vmul.f32 v6, v5;
	v4 =	vld [tilespmem:s29+$0xC400]  }
0xc9: {  	v22 =	vmul.f32 v8, v7;
	v9 =	vmul.f32 v12, v9;
	v5 =	vld [tilespmem:s29+$0x4410]  }
0xca: {  	v11 =	vmul.f32 v13, v11;
	v12 =	vmul.f32 v16, v14;
	v6 =	vld [tilespmem:s29+$0xC410]  }
0xcb: {  	v13 =	vmul.f32 v17, v15;
	v7 =	vld [tilespmem:s29+$0x4420];
	v14 =	vmul.f32 v19, v18  }
0xcc: {  	v16 =	vadd.f32 v9, v22;
	v15 =	vadd.f32 v21, v10;
	v8 =	vld [tilespmem:s29+$0xC420];
	v10 =	vmov v20  }
0xcd: {  	v17 =	vadd.f32 v12, v11;
	v9 =	vld [tilespmem:s29+$0x4430];
	v13 =	vadd.f32 v14, v13  }
0xce: {  	v12 =	vld [tilespmem:s29+$0xC430]  }
0xcf: {  	v15 =	vadd.f32 v16, v15;
	v11 =	vld [tilespmem:s29+$0x4440];
	v16 =	vadd.f32 v13, v17  }
0xd0: {  	v13 =	vld [tilespmem:s29+$0xC440]  }
.Ltmp2:
0xd1: {  	v14 =	vld [tilespmem:s29+$0x4450];
	v17 =	vadd.f32 v16, v15;
	(pc) =	sbr.rel @p0 .LBB2_6-.Ltmp2, $4  }
0xd2: {  	v16 =	vld [tilespmem:s29+$0xC450]  }
0xd3: {  	v15 =	vld [tilespmem:s29+$0x4460];
	[tilespmem:s26+$0x10600] =	vst v17;
	s26 =	smov.u32 s29  }
0xd4: {  	v17 =	vld [tilespmem:s26+$0xC460]  }
0xd5: {  	s28 =	sadd.s32 $0x200, s28;
	v18 =	vld [tilespmem:s26+$0x4470]  }
0xd6: {  	v19 =	vld [tilespmem:s26+$0xC470];
	_ =	sdelay $0x1  }
0xd7: {  	v4 =	vmul.f32 v4, v10;
	v5 =	vmul.f32 v6, v5  }
0xd8: {  	v6 =	vmul.f32 v8, v7;
	v7 =	vmul.f32 v12, v9  }
0xd9: {  	v24 =	vmul.f32 v13, v11;
	v25 =	vmul.f32 v16, v14  }
0xda: {  	v26 =	vmul.f32 v17, v15;
	v27 =	vmul.f32 v19, v18  }
0xdb: {  	v4 =	vadd.f32 v5, v4;
	v5 =	vadd.f32 v7, v6  }
0xdc: {  	v6 =	vadd.f32 v25, v24;
	v7 =	vadd.f32 v27, v26;
	_ =	sdelay $0x1  }
0xdd: {  	v4 =	vadd.f32 v5, v4;
	v5 =	vadd.f32 v7, v6;
	_ =	sdelay $0x1  }
0xde: {  	v4 =	vadd.f32 v5, v4;
	_ =	sdelay $0x1  }
0xdf: {  	[tilespmem:s26+$0x10600] =	vst v4;
	s26 =	simm.s32 $0x10A00  }
0xe0: {  	v4 =	vld [tilespmem:s26+$0xFFFFFE00]  }
0xe1: {  	v5 =	vld [tilespmem:s26+$0xFFFFFC00]  }
0xe2: {  	v6 =	vld [tilespmem:s26+$0x200]  }
0xe3: {  	v7 =	vld [tilespmem:s26+$0xFFFFFC80]  }
0xe4: {  	v28 =	vld [tilespmem:s26+$0x80]  }
0xe5: {  	v29 =	vld [tilespmem:s26+$0xFFFFFD00]  }
0xe6: {  	v30 =	vld [tilespmem:s26+$0xFFFFFE80]  }
0xe7: {  	v31 =	vld [tilespmem:s26+$0x100]  }
0xe8: {  	v34 =	vld [tilespmem:s26+$0xFFFFFF00]  }
0xe9: {  	v39 =	vld [tilespmem:s26+$0x280]  }
0xea: {  	v41 =	vld [tilespmem:s26+$0x380];
	v32 =	vperm.xlane v5, v0;
	v33 =	vperm.xlane v4, v0  }
0xeb: {  	v43 =	vld [tilespmem:s26+$0x180];
	v35 =	vperm.xlane v6, v0;
	v36 =	vperm.xlane v7, v0  }
0xec: {  	v45 =	vld [tilespmem:s26+$0xFFFFFF80];
	v38 =	vperm.xlane v28, v0;
	v40 =	vperm.xlane v29, v0  }
0xed: {  	v46 =	vld [tilespmem:s26+$0xFFFFFD80];
	v42 =	vperm.xlane v30, v0;
	v44 =	vperm.xlane v31, v0  }
0xee: {  	v48 =	vld [tilespmem:s26+$0x0];
	v20 =	vperm.xlane v34, v0;
	v47 =	vperm.xlane v39, v0  }
0xef: {  	v21 =	vperm.xlane v41, v0;
	v5 =	vadd.f32 v32, v5;
	v4 =	vadd.f32 v33, v4  }
0xf0: {  	v49 =	vperm.xlane v43, v0;
	v6 =	vadd.f32 v35, v6;
	v7 =	vadd.f32 v36, v7  }
0xf1: {  	v37 =	vld [tilespmem:s26+$0x300];
	v51 =	vperm.xlane v45, v0;
	v8 =	vadd.f32 v38, v28;
	v9 =	vadd.f32 v40, v29  }
0xf2: {  	v52 =	vperm.xlane v46, v0;
	v10 =	vadd.f32 v42, v30;
	v11 =	vadd.f32 v44, v31  }
0xf3: {  	v53 =	vperm.xlane v48, v0;
	v13 =	vadd.f32 v47, v39;
	v16 =	vadd.f32 v21, v41  }
0xf4: {  	v14 =	vadd.f32 v20, v34;
	v17 =	vadd.f32 v49, v43;
	v6 =	vperm.xlane v6, v0  }
0xf5: {  	v15 =	vadd.f32 v51, v45;
	v8 =	vperm.xlane v8, v0;
	v11 =	vperm.xlane v11, v0  }
0xf6: {  	v13 =	vperm.xlane v13, v0;
	v4 =	vsel vm2, v4, v6;
	v6 =	vperm.xlane v37, v0  }
0xf7: {  	v12 =	vadd.f32 v52, v46;
	v16 =	vperm.xlane v16, v0;
	v54 =	vperm.xlane v17, v0  }
0xf8: {  	v7 =	vsel vm2, v7, v8;
	v10 =	vsel vm2, v10, v13;
	v6 =	vadd.f32 v6, v37  }
0xf9: {  	v15 =	vsel vm2, v15, v16;
	v9 =	vsel vm2, v9, v11;
	v50 =	vperm.xlane v7, v1  }
0xfa: {  	v8 =	vadd.f32 v53, v48;
	v55 =	vperm.xlane v10, v1;
	v6 =	vperm.xlane v6, v0  }
0xfb: {  	v12 =	vsel vm2, v12, v54;
	v57 =	vperm.xlane v15, v1;
	v58 =	vperm.xlane v4, v1  }
0xfc: {  	v59 =	vperm.xlane v9, v1;
	v13 =	vperm.xlane v12, v1;
	v6 =	vsel vm2, v14, v6  }
0xfd: {  	v10 =	vadd.f32 v55, v10;
	v11 =	vadd.f32 v57, v15;
	v56 =	vperm.xlane v6, v1  }
0xfe: {  	v8 =	vperm.xlane v8, v0;
	v9 =	vadd.f32 v59, v9;
	v4 =	vadd.f32 v58, v4  }
0xff: {  	v12 =	vadd.f32 v13, v12;
	v11 =	vperm.xlane v11, v1;
	v6 =	vadd.f32 v56, v6  }
0x100: {  	v7 =	vadd.f32 v50, v7;
	v5 =	vsel vm2, v5, v8;
	v10 =	vperm.xlane v10, v1  }
0x101: {  	v8 =	vperm.xlane v5, v1;
	v11 =	vsel vm0, v12, v11;
	v6 =	vperm.xlane v6, v1  }
0x102: {  	v4 =	vperm.xlane v4, v1;
	v7 =	vsel vm0, v7, v10;
	v60 =	vperm.xlane v11, v2  }
0x103: {  	v5 =	vadd.f32 v8, v5;
	v62 =	vperm.xlane v7, v2;
	v6 =	vsel vm0, v9, v6  }
0x104: {  	v9 =	vadd.f32 v60, v11;
	v61 =	vperm.xlane v6, v2  }
0x105: {  	v4 =	vsel vm0, v5, v4;
	v5 =	vadd.f32 v62, v7  }
0x106: {  	v7 =	vperm.xlane v4, v2;
	v63 =	vperm.xlane v9, v2;
	v6 =	vadd.f32 v61, v6;
	_ =	sdelay $0x1  }
0x107: {  	v4 =	vadd.f32 v7, v4;
	v5 =	vsel vm1, v5, v63;
	v6 =	vperm.xlane v6, v2  }
0x108: {  	v7 =	vperm.xlane v5, v3  }
0x109: {  	v4 =	vsel vm1, v4, v6  }
0x10a: {  	v5 =	vadd.f32 v7, v5;
	v6 =	vperm.xlane v4, v3;
	_ =	sdelay $0x1  }
0x10b: {  	s29 =	simm.s32 $0x40;
	v5 =	vperm.xlane v5, v3;
	v4 =	vadd.f32 v6, v4  }
.LBB2_8:
0x10c: {  	s28 =	smov.u32 s29  }
0x10d: {  	s30 =	sshra.s32 s29, $0x2;
	s26 =	sadd.s32 $0x800, s26;
	v4 =	vsel vm3, v4, v5;
	s28 =	sadd.s32 $0x40, s29  }
0x10e: {  	p0 =	sne.s32 s29, $0x1C0;
	[tilespmem:s25+$0x10480] =	vst v4;
	s25 =	smov.u32 s30  }
0x10f: {  	v4 =	vld [tilespmem:s26+$0xFFFFFE00]  }
0x110: {  	v5 =	vld [tilespmem:s26+$0xFFFFFC00]  }
0x111: {  	v6 =	vld [tilespmem:s26+$0x200]  }
0x112: {  	v7 =	vld [tilespmem:s26+$0xFFFFFC80]  }
0x113: {  	v8 =	vld [tilespmem:s26+$0x80]  }
0x114: {  	v9 =	vld [tilespmem:s26+$0xFFFFFD00]  }
0x115: {  	v12 =	vperm.xlane v4, v0;
	v10 =	vld [tilespmem:s26+$0xFFFFFE80];
	v11 =	vperm.xlane v5, v0  }
0x116: {  	v13 =	vld [tilespmem:s26+$0x100];
	v14 =	vperm.xlane v6, v0  }
0x117: {  	v4 =	vadd.f32 v12, v4;
	v15 =	vld [tilespmem:s26+$0xFFFFFF00];
	v5 =	vadd.f32 v11, v5;
	v11 =	vperm.xlane v7, v0  }
0x118: {  	v12 =	vld [tilespmem:s26+$0x300];
	v6 =	vadd.f32 v14, v6;
	v14 =	vperm.xlane v8, v0  }
0x119: {  	v16 =	vld [tilespmem:s26+$0x280];
	v17 =	vperm.xlane v9, v0;
	v7 =	vadd.f32 v11, v7  }
0x11a: {  	v11 =	vld [tilespmem:s26+$0x380];
	v6 =	vperm.xlane v6, v0;
	v8 =	vadd.f32 v14, v8;
	v14 =	vperm.xlane v10, v0  }
0x11b: {  	v18 =	vld [tilespmem:s26+$0x180];
	v9 =	vadd.f32 v17, v9;
	v17 =	vperm.xlane v13, v0  }
0x11c: {  	v19 =	vld [tilespmem:s26+$0xFFFFFF80];
	v20 =	vperm.xlane v15, v0;
	v8 =	vperm.xlane v8, v0;
	v10 =	vadd.f32 v14, v10  }
0x11d: {  	v4 =	vsel vm2, v4, v6;
	v14 =	vld [tilespmem:s26+$0xFFFFFD80];
	v6 =	vadd.f32 v17, v13;
	v13 =	vperm.xlane v12, v0  }
0x11e: {  	v15 =	vadd.f32 v20, v15;
	v7 =	vsel vm2, v7, v8;
	v8 =	vperm.xlane v16, v0  }
0x11f: {  	v17 =	vld [tilespmem:s26+$0x0];
	v6 =	vperm.xlane v6, v0;
	v12 =	vadd.f32 v13, v12;
	v13 =	vperm.xlane v11, v0  }
0x120: {  	v20 =	vperm.xlane v7, v1;
	v8 =	vadd.f32 v8, v16;
	v16 =	vperm.xlane v18, v0  }
0x121: {  	v12 =	vperm.xlane v12, v0;
	v21 =	vperm.xlane v19, v0;
	v11 =	vadd.f32 v13, v11  }
0x122: {  	v8 =	vperm.xlane v8, v0;
	v13 =	vperm.xlane v14, v0;
	v16 =	vadd.f32 v16, v18  }
0x123: {  	v12 =	vsel vm2, v15, v12;
	v15 =	vadd.f32 v21, v19;
	v11 =	vperm.xlane v11, v0  }
0x124: {  	v18 =	vperm.xlane v17, v0;
	v8 =	vsel vm2, v10, v8;
	v10 =	vperm.xlane v16, v0  }
0x125: {  	v6 =	vsel vm2, v9, v6;
	v9 =	vsel vm2, v15, v11;
	v11 =	vperm.xlane v8, v1  }
0x126: {  	v13 =	vadd.f32 v13, v14;
	v14 =	vperm.xlane v12, v1;
	v15 =	vperm.xlane v9, v1  }
0x127: {  	v19 =	vperm.xlane v6, v1;
	v16 =	vperm.xlane v4, v1;
	v8 =	vadd.f32 v11, v8  }
0x128: {  	v10 =	vsel vm2, v13, v10;
	v11 =	vadd.f32 v18, v17;
	v9 =	vadd.f32 v15, v9  }
0x129: {  	v6 =	vadd.f32 v19, v6;
	v12 =	vadd.f32 v14, v12;
	v13 =	vperm.xlane v10, v1  }
0x12a: {  	v4 =	vadd.f32 v16, v4;
	v11 =	vperm.xlane v11, v0;
	v9 =	vperm.xlane v9, v1  }
0x12b: {  	v12 =	vperm.xlane v12, v1;
	v8 =	vperm.xlane v8, v1;
	v10 =	vadd.f32 v13, v10  }
0x12c: {  	v7 =	vadd.f32 v20, v7;
	v4 =	vperm.xlane v4, v1;
	v5 =	vsel vm2, v5, v11  }
0x12d: {  	v6 =	vsel vm0, v6, v12;
	v11 =	vperm.xlane v5, v1;
	v9 =	vsel vm0, v10, v9  }
0x12e: {  	v7 =	vsel vm0, v7, v8;
	v8 =	vperm.xlane v6, v2;
	v10 =	vperm.xlane v9, v2  }
0x12f: {  	v5 =	vadd.f32 v11, v5;
	v11 =	vperm.xlane v7, v2  }
0x130: {  	v6 =	vadd.f32 v8, v6;
	v8 =	vadd.f32 v10, v9  }
0x131: {  	v4 =	vsel vm0, v5, v4;
	v5 =	vadd.f32 v11, v7  }
0x132: {  	v7 =	vperm.xlane v4, v2;
	v8 =	vperm.xlane v8, v2;
	_ =	sdelay $0x1  }
0x133: {  	v6 =	vperm.xlane v6, v2;
	v4 =	vadd.f32 v7, v4;
	v5 =	vsel vm1, v5, v8  }
.Ltmp3:
0x134: {  	v7 =	vperm.xlane v5, v3;
	(pc) =	sbr.rel @p0 .LBB2_8-.Ltmp3, $3  }
0x135: {  	v4 =	vsel vm1, v4, v6  }
0x136: {  	v6 =	vperm.xlane v4, v3;
	v5 =	vadd.f32 v7, v5;
	_ =	sdelay $0x1  }
0x137: {  	s29 =	smov.u32 s28;
	v4 =	vadd.f32 v6, v4;
	v5 =	vperm.xlane v5, v3  }
0x138: {  	_ = 	snop  }
0x139: {  	v4 =	vsel vm3, v4, v5  }
0x13a: {  	[tilespmem:s25+$0x10480] =	vst v4  }
0x13b: {  	[tilespmem:s14], [sflag:$0x2] =	stream.indirect.gather [hbm4b:s0+s11], $0x80, s21, s11, $0xb8;
	[tilespmem:$0x14600] =	vst v63  }
0x13c: {  	_ = 	snop  }
0x13d: {  	[tilespmem:s16], [sflag:$0x2] =	stream.indirect.gather [hbm4b:s1+s11], $0x80, s22, s11, $0xb8;
	[tilespmem:$0x14600] =	vst v63  }
0x13e: {  	_ =	swait.ge [sflag:s17], $0x4000  }
0x13f: {  	[sflag:s17] =	ssyncset.done $0x0  }
0x140: {  	[sflag:s17] =	ssyncadd.s32 $0xFFFFC000  }
0x141: {  	_ =	swait.ge [sflag:s17], $0x4000  }
0x142: {  	[sflag:s17] =	ssyncset.done $0x0  }
0x143: {  	s25 =	simm.s32 $0x0;
	[sflag:s17] =	ssyncadd.s32 $0xFFFFC000  }
0x144: {  	v10 =	vld [tilespmem:s25+$0x400]  }
0x145: {  	v4 =	vld [tilespmem:s25+$0x8400]  }
0x146: {  	v5 =	vld [tilespmem:s25+$0x410]  }
0x147: {  	v6 =	vld [tilespmem:s25+$0x8410]  }
0x148: {  	v7 =	vld [tilespmem:s25+$0x420]  }
0x149: {  	v8 =	vld [tilespmem:s25+$0x8420]  }
0x14a: {  	v9 =	vld [tilespmem:s25+$0x430]  }
0x14b: {  	v12 =	vld [tilespmem:s25+$0x8430]  }
0x14c: {  	v11 =	vld [tilespmem:s25+$0x440]  }
0x14d: {  	v13 =	vld [tilespmem:s25+$0x8440]  }
0x14e: {  	v14 =	vld [tilespmem:s25+$0x450]  }
0x14f: {  	v16 =	vld [tilespmem:s25+$0x8450]  }
0x150: {  	v15 =	vld [tilespmem:s25+$0x460]  }
0x151: {  	v17 =	vld [tilespmem:s25+$0x8460]  }
0x152: {  	s28 =	simm.s32 $0x200;
	s26 =	simm.s32 $0x0;
	v18 =	vld [tilespmem:s25+$0x470]  }
.LBB2_10:
0x153: {  	s29 =	sshra.s32 s28, $0x2;
	p0 =	sne.s32 s28, $0xFE00;
	v19 =	vld [tilespmem:s26+$0x8470]  }
0x154: {  	v20 =	vld [tilespmem:s29+$0x400]  }
0x155: {  	v10 =	vmul.f32 v4, v10;
	v21 =	vmul.f32 v6, v5;
	v4 =	vld [tilespmem:s29+$0x8400]  }
0x156: {  	v22 =	vmul.f32 v8, v7;
	v9 =	vmul.f32 v12, v9;
	v5 =	vld [tilespmem:s29+$0x410]  }
0x157: {  	v11 =	vmul.f32 v13, v11;
	v12 =	vmul.f32 v16, v14;
	v6 =	vld [tilespmem:s29+$0x8410]  }
0x158: {  	v13 =	vmul.f32 v17, v15;
	v7 =	vld [tilespmem:s29+$0x420];
	v14 =	vmul.f32 v19, v18  }
0x159: {  	v16 =	vadd.f32 v9, v22;
	v15 =	vadd.f32 v21, v10;
	v8 =	vld [tilespmem:s29+$0x8420];
	v10 =	vmov v20  }
0x15a: {  	v17 =	vadd.f32 v12, v11;
	v9 =	vld [tilespmem:s29+$0x430];
	v13 =	vadd.f32 v14, v13  }
0x15b: {  	v12 =	vld [tilespmem:s29+$0x8430]  }
0x15c: {  	v15 =	vadd.f32 v16, v15;
	v11 =	vld [tilespmem:s29+$0x440];
	v16 =	vadd.f32 v13, v17  }
0x15d: {  	v13 =	vld [tilespmem:s29+$0x8440]  }
.Ltmp4:
0x15e: {  	v14 =	vld [tilespmem:s29+$0x450];
	v17 =	vadd.f32 v16, v15;
	(pc) =	sbr.rel @p0 .LBB2_10-.Ltmp4, $4  }
0x15f: {  	v16 =	vld [tilespmem:s29+$0x8450]  }
0x160: {  	v15 =	vld [tilespmem:s29+$0x460];
	[tilespmem:s26+$0x10600] =	vst v17;
	s26 =	smov.u32 s29  }
0x161: {  	v17 =	vld [tilespmem:s26+$0x8460]  }
0x162: {  	s28 =	sadd.s32 $0x200, s28;
	v18 =	vld [tilespmem:s26+$0x470]  }
0x163: {  	v19 =	vld [tilespmem:s26+$0x8470];
	_ =	sdelay $0x1  }
0x164: {  	v4 =	vmul.f32 v4, v10;
	v5 =	vmul.f32 v6, v5  }
0x165: {  	v6 =	vmul.f32 v8, v7;
	v7 =	vmul.f32 v12, v9  }
0x166: {  	v24 =	vmul.f32 v13, v11;
	v25 =	vmul.f32 v16, v14  }
0x167: {  	v26 =	vmul.f32 v17, v15;
	v27 =	vmul.f32 v19, v18  }
0x168: {  	v4 =	vadd.f32 v5, v4;
	v5 =	vadd.f32 v7, v6  }
0x169: {  	v6 =	vadd.f32 v25, v24;
	v7 =	vadd.f32 v27, v26;
	_ =	sdelay $0x1  }
0x16a: {  	v4 =	vadd.f32 v5, v4;
	v5 =	vadd.f32 v7, v6;
	_ =	sdelay $0x1  }
0x16b: {  	v4 =	vadd.f32 v5, v4;
	_ =	sdelay $0x1  }
0x16c: {  	[tilespmem:s26+$0x10600] =	vst v4;
	s26 =	simm.s32 $0x10A00  }
0x16d: {  	v4 =	vld [tilespmem:s26+$0xFFFFFE00]  }
0x16e: {  	v5 =	vld [tilespmem:s26+$0xFFFFFC00]  }
0x16f: {  	v6 =	vld [tilespmem:s26+$0x200]  }
0x170: {  	v7 =	vld [tilespmem:s26+$0xFFFFFC80]  }
0x171: {  	v28 =	vld [tilespmem:s26+$0x80]  }
0x172: {  	v29 =	vld [tilespmem:s26+$0xFFFFFD00]  }
0x173: {  	v30 =	vld [tilespmem:s26+$0xFFFFFE80]  }
0x174: {  	v31 =	vld [tilespmem:s26+$0x100]  }
0x175: {  	v34 =	vld [tilespmem:s26+$0xFFFFFF00]  }
0x176: {  	v39 =	vld [tilespmem:s26+$0x280]  }
0x177: {  	v41 =	vld [tilespmem:s26+$0x380];
	v32 =	vperm.xlane v5, v0;
	v33 =	vperm.xlane v4, v0  }
0x178: {  	v43 =	vld [tilespmem:s26+$0x180];
	v35 =	vperm.xlane v6, v0;
	v36 =	vperm.xlane v7, v0  }
0x179: {  	v45 =	vld [tilespmem:s26+$0xFFFFFF80];
	v38 =	vperm.xlane v28, v0;
	v40 =	vperm.xlane v29, v0  }
0x17a: {  	v46 =	vld [tilespmem:s26+$0xFFFFFD80];
	v42 =	vperm.xlane v30, v0;
	v44 =	vperm.xlane v31, v0  }
0x17b: {  	v48 =	vld [tilespmem:s26+$0x0];
	v20 =	vperm.xlane v34, v0;
	v47 =	vperm.xlane v39, v0  }
0x17c: {  	v21 =	vperm.xlane v41, v0;
	v5 =	vadd.f32 v32, v5;
	v4 =	vadd.f32 v33, v4  }
0x17d: {  	v49 =	vperm.xlane v43, v0;
	v6 =	vadd.f32 v35, v6;
	v7 =	vadd.f32 v36, v7  }
0x17e: {  	v37 =	vld [tilespmem:s26+$0x300];
	v51 =	vperm.xlane v45, v0;
	v8 =	vadd.f32 v38, v28;
	v9 =	vadd.f32 v40, v29  }
0x17f: {  	v52 =	vperm.xlane v46, v0;
	v10 =	vadd.f32 v42, v30;
	v11 =	vadd.f32 v44, v31  }
0x180: {  	v53 =	vperm.xlane v48, v0;
	v13 =	vadd.f32 v47, v39;
	v16 =	vadd.f32 v21, v41  }
0x181: {  	v14 =	vadd.f32 v20, v34;
	v17 =	vadd.f32 v49, v43;
	v6 =	vperm.xlane v6, v0  }
0x182: {  	v15 =	vadd.f32 v51, v45;
	v8 =	vperm.xlane v8, v0;
	v11 =	vperm.xlane v11, v0  }
0x183: {  	v13 =	vperm.xlane v13, v0;
	v4 =	vsel vm2, v4, v6;
	v6 =	vperm.xlane v37, v0  }
0x184: {  	v12 =	vadd.f32 v52, v46;
	v16 =	vperm.xlane v16, v0;
	v54 =	vperm.xlane v17, v0  }
0x185: {  	v7 =	vsel vm2, v7, v8;
	v10 =	vsel vm2, v10, v13;
	v6 =	vadd.f32 v6, v37  }
0x186: {  	v15 =	vsel vm2, v15, v16;
	v9 =	vsel vm2, v9, v11;
	v50 =	vperm.xlane v7, v1  }
0x187: {  	v8 =	vadd.f32 v53, v48;
	v55 =	vperm.xlane v10, v1;
	v6 =	vperm.xlane v6, v0  }
0x188: {  	v12 =	vsel vm2, v12, v54;
	v57 =	vperm.xlane v15, v1;
	v58 =	vperm.xlane v4, v1  }
0x189: {  	v59 =	vperm.xlane v9, v1;
	v13 =	vperm.xlane v12, v1;
	v6 =	vsel vm2, v14, v6  }
0x18a: {  	v10 =	vadd.f32 v55, v10;
	v11 =	vadd.f32 v57, v15;
	v56 =	vperm.xlane v6, v1  }
0x18b: {  	v8 =	vperm.xlane v8, v0;
	v9 =	vadd.f32 v59, v9;
	v4 =	vadd.f32 v58, v4  }
0x18c: {  	v12 =	vadd.f32 v13, v12;
	v11 =	vperm.xlane v11, v1;
	v6 =	vadd.f32 v56, v6  }
0x18d: {  	v7 =	vadd.f32 v50, v7;
	v5 =	vsel vm2, v5, v8;
	v10 =	vperm.xlane v10, v1  }
0x18e: {  	v8 =	vperm.xlane v5, v1;
	v11 =	vsel vm0, v12, v11;
	v6 =	vperm.xlane v6, v1  }
0x18f: {  	v4 =	vperm.xlane v4, v1;
	v7 =	vsel vm0, v7, v10;
	v60 =	vperm.xlane v11, v2  }
0x190: {  	v5 =	vadd.f32 v8, v5;
	v62 =	vperm.xlane v7, v2;
	v6 =	vsel vm0, v9, v6  }
0x191: {  	v9 =	vadd.f32 v60, v11;
	v61 =	vperm.xlane v6, v2  }
0x192: {  	v4 =	vsel vm0, v5, v4;
	v5 =	vadd.f32 v62, v7  }
0x193: {  	v7 =	vperm.xlane v4, v2;
	v63 =	vperm.xlane v9, v2;
	v6 =	vadd.f32 v61, v6;
	_ =	sdelay $0x1  }
0x194: {  	v4 =	vadd.f32 v7, v4;
	v5 =	vsel vm1, v5, v63;
	v6 =	vperm.xlane v6, v2  }
0x195: {  	v7 =	vperm.xlane v5, v3  }
0x196: {  	v4 =	vsel vm1, v4, v6  }
0x197: {  	v5 =	vadd.f32 v7, v5;
	v6 =	vperm.xlane v4, v3;
	_ =	sdelay $0x1  }
0x198: {  	s29 =	simm.s32 $0x40;
	v5 =	vperm.xlane v5, v3;
	v4 =	vadd.f32 v6, v4  }
.LBB2_12:
0x199: {  	s28 =	smov.u32 s29  }
0x19a: {  	s30 =	sshra.s32 s29, $0x2;
	s26 =	sadd.s32 $0x800, s26;
	v4 =	vsel vm3, v4, v5;
	s28 =	sadd.s32 $0x40, s29  }
0x19b: {  	p0 =	sne.s32 s29, $0x1C0;
	[tilespmem:s25+$0x10500] =	vst v4;
	s25 =	smov.u32 s30  }
0x19c: {  	v4 =	vld [tilespmem:s26+$0xFFFFFE00]  }
0x19d: {  	v5 =	vld [tilespmem:s26+$0xFFFFFC00]  }
0x19e: {  	v6 =	vld [tilespmem:s26+$0x200]  }
0x19f: {  	v7 =	vld [tilespmem:s26+$0xFFFFFC80]  }
0x1a0: {  	v8 =	vld [tilespmem:s26+$0x80]  }
0x1a1: {  	v9 =	vld [tilespmem:s26+$0xFFFFFD00]  }
0x1a2: {  	v12 =	vperm.xlane v4, v0;
	v10 =	vld [tilespmem:s26+$0xFFFFFE80];
	v11 =	vperm.xlane v5, v0  }
0x1a3: {  	v13 =	vld [tilespmem:s26+$0x100];
	v14 =	vperm.xlane v6, v0  }
0x1a4: {  	v4 =	vadd.f32 v12, v4;
	v15 =	vld [tilespmem:s26+$0xFFFFFF00];
	v5 =	vadd.f32 v11, v5;
	v11 =	vperm.xlane v7, v0  }
0x1a5: {  	v12 =	vld [tilespmem:s26+$0x300];
	v6 =	vadd.f32 v14, v6;
	v14 =	vperm.xlane v8, v0  }
0x1a6: {  	v16 =	vld [tilespmem:s26+$0x280];
	v17 =	vperm.xlane v9, v0;
	v7 =	vadd.f32 v11, v7  }
0x1a7: {  	v11 =	vld [tilespmem:s26+$0x380];
	v6 =	vperm.xlane v6, v0;
	v8 =	vadd.f32 v14, v8;
	v14 =	vperm.xlane v10, v0  }
0x1a8: {  	v18 =	vld [tilespmem:s26+$0x180];
	v9 =	vadd.f32 v17, v9;
	v17 =	vperm.xlane v13, v0  }
0x1a9: {  	v19 =	vld [tilespmem:s26+$0xFFFFFF80];
	v20 =	vperm.xlane v15, v0;
	v8 =	vperm.xlane v8, v0;
	v10 =	vadd.f32 v14, v10  }
0x1aa: {  	v4 =	vsel vm2, v4, v6;
	v14 =	vld [tilespmem:s26+$0xFFFFFD80];
	v6 =	vadd.f32 v17, v13;
	v13 =	vperm.xlane v12, v0  }
0x1ab: {  	v15 =	vadd.f32 v20, v15;
	v7 =	vsel vm2, v7, v8;
	v8 =	vperm.xlane v16, v0  }
0x1ac: {  	v17 =	vld [tilespmem:s26+$0x0];
	v6 =	vperm.xlane v6, v0;
	v12 =	vadd.f32 v13, v12;
	v13 =	vperm.xlane v11, v0  }
0x1ad: {  	v20 =	vperm.xlane v7, v1;
	v8 =	vadd.f32 v8, v16;
	v16 =	vperm.xlane v18, v0  }
0x1ae: {  	v12 =	vperm.xlane v12, v0;
	v21 =	vperm.xlane v19, v0;
	v11 =	vadd.f32 v13, v11  }
0x1af: {  	v8 =	vperm.xlane v8, v0;
	v13 =	vperm.xlane v14, v0;
	v16 =	vadd.f32 v16, v18  }
0x1b0: {  	v12 =	vsel vm2, v15, v12;
	v15 =	vadd.f32 v21, v19;
	v11 =	vperm.xlane v11, v0  }
0x1b1: {  	v18 =	vperm.xlane v17, v0;
	v8 =	vsel vm2, v10, v8;
	v10 =	vperm.xlane v16, v0  }
0x1b2: {  	v6 =	vsel vm2, v9, v6;
	v9 =	vsel vm2, v15, v11;
	v11 =	vperm.xlane v8, v1  }
0x1b3: {  	v13 =	vadd.f32 v13, v14;
	v14 =	vperm.xlane v12, v1;
	v15 =	vperm.xlane v9, v1  }
0x1b4: {  	v19 =	vperm.xlane v6, v1;
	v16 =	vperm.xlane v4, v1;
	v8 =	vadd.f32 v11, v8  }
0x1b5: {  	v10 =	vsel vm2, v13, v10;
	v11 =	vadd.f32 v18, v17;
	v9 =	vadd.f32 v15, v9  }
0x1b6: {  	v6 =	vadd.f32 v19, v6;
	v12 =	vadd.f32 v14, v12;
	v13 =	vperm.xlane v10, v1  }
0x1b7: {  	v4 =	vadd.f32 v16, v4;
	v11 =	vperm.xlane v11, v0;
	v9 =	vperm.xlane v9, v1  }
0x1b8: {  	v12 =	vperm.xlane v12, v1;
	v8 =	vperm.xlane v8, v1;
	v10 =	vadd.f32 v13, v10  }
0x1b9: {  	v7 =	vadd.f32 v20, v7;
	v4 =	vperm.xlane v4, v1;
	v5 =	vsel vm2, v5, v11  }
0x1ba: {  	v6 =	vsel vm0, v6, v12;
	v11 =	vperm.xlane v5, v1;
	v9 =	vsel vm0, v10, v9  }
0x1bb: {  	v7 =	vsel vm0, v7, v8;
	v8 =	vperm.xlane v6, v2;
	v10 =	vperm.xlane v9, v2  }
0x1bc: {  	v5 =	vadd.f32 v11, v5;
	v11 =	vperm.xlane v7, v2  }
0x1bd: {  	v6 =	vadd.f32 v8, v6;
	v8 =	vadd.f32 v10, v9  }
0x1be: {  	v4 =	vsel vm0, v5, v4;
	v5 =	vadd.f32 v11, v7  }
0x1bf: {  	v7 =	vperm.xlane v4, v2;
	v8 =	vperm.xlane v8, v2;
	_ =	sdelay $0x1  }
0x1c0: {  	v6 =	vperm.xlane v6, v2;
	v4 =	vadd.f32 v7, v4;
	v5 =	vsel vm1, v5, v8  }
.Ltmp5:
0x1c1: {  	v7 =	vperm.xlane v5, v3;
	(pc) =	sbr.rel @p0 .LBB2_12-.Ltmp5, $3  }
0x1c2: {  	v4 =	vsel vm1, v4, v6  }
0x1c3: {  	v6 =	vperm.xlane v4, v3;
	v5 =	vadd.f32 v7, v5;
	_ =	sdelay $0x1  }
0x1c4: {  	s29 =	smov.u32 s28;
	v4 =	vadd.f32 v6, v4;
	v5 =	vperm.xlane v5, v3  }
0x1c5: {  	_ = 	snop  }
0x1c6: {  	v4 =	vsel vm3, v4, v5  }
0x1c7: {  	[tilespmem:s25+$0x10500] =	vst v4  }
0x1c8: {  	_ =	swait.ge [sflag:s20], $0x4000  }
0x1c9: {  	[sflag:s20] =	ssyncset.done $0x0  }
0x1ca: {  	[sflag:s20] =	ssyncadd.s32 $0xFFFFC000  }
0x1cb: {  	_ =	swait.ge [sflag:s20], $0x4000  }
0x1cc: {  	[sflag:s20] =	ssyncset.done $0x0  }
0x1cd: {  	s25 =	simm.s32 $0x0;
	[sflag:s20] =	ssyncadd.s32 $0xFFFFC000  }
0x1ce: {  	v10 =	vld [tilespmem:s25+$0x4400]  }
0x1cf: {  	v4 =	vld [tilespmem:s25+$0xC400]  }
0x1d0: {  	v5 =	vld [tilespmem:s25+$0x4410]  }
0x1d1: {  	v6 =	vld [tilespmem:s25+$0xC410]  }
0x1d2: {  	v7 =	vld [tilespmem:s25+$0x4420]  }
0x1d3: {  	v8 =	vld [tilespmem:s25+$0xC420]  }
0x1d4: {  	v9 =	vld [tilespmem:s25+$0x4430]  }
0x1d5: {  	v12 =	vld [tilespmem:s25+$0xC430]  }
0x1d6: {  	v11 =	vld [tilespmem:s25+$0x4440]  }
0x1d7: {  	v13 =	vld [tilespmem:s25+$0xC440]  }
0x1d8: {  	v14 =	vld [tilespmem:s25+$0x4450]  }
0x1d9: {  	v16 =	vld [tilespmem:s25+$0xC450]  }
0x1da: {  	v15 =	vld [tilespmem:s25+$0x4460]  }
0x1db: {  	v17 =	vld [tilespmem:s25+$0xC460]  }
0x1dc: {  	s28 =	simm.s32 $0x200;
	s26 =	simm.s32 $0x0;
	v18 =	vld [tilespmem:s25+$0x4470]  }
.LBB2_14:
0x1dd: {  	s29 =	sshra.s32 s28, $0x2;
	p0 =	sne.s32 s28, $0xFE00;
	v19 =	vld [tilespmem:s26+$0xC470]  }
0x1de: {  	v20 =	vld [tilespmem:s29+$0x4400]  }
0x1df: {  	v10 =	vmul.f32 v4, v10;
	v21 =	vmul.f32 v6, v5;
	v4 =	vld [tilespmem:s29+$0xC400]  }
0x1e0: {  	v22 =	vmul.f32 v8, v7;
	v9 =	vmul.f32 v12, v9;
	v5 =	vld [tilespmem:s29+$0x4410]  }
0x1e1: {  	v11 =	vmul.f32 v13, v11;
	v12 =	vmul.f32 v16, v14;
	v6 =	vld [tilespmem:s29+$0xC410]  }
0x1e2: {  	v13 =	vmul.f32 v17, v15;
	v7 =	vld [tilespmem:s29+$0x4420];
	v14 =	vmul.f32 v19, v18  }
0x1e3: {  	v16 =	vadd.f32 v9, v22;
	v15 =	vadd.f32 v21, v10;
	v8 =	vld [tilespmem:s29+$0xC420];
	v10 =	vmov v20  }
0x1e4: {  	v17 =	vadd.f32 v12, v11;
	v9 =	vld [tilespmem:s29+$0x4430];
	v13 =	vadd.f32 v14, v13  }
0x1e5: {  	v12 =	vld [tilespmem:s29+$0xC430]  }
0x1e6: {  	v15 =	vadd.f32 v16, v15;
	v11 =	vld [tilespmem:s29+$0x4440];
	v16 =	vadd.f32 v13, v17  }
0x1e7: {  	v13 =	vld [tilespmem:s29+$0xC440]  }
.Ltmp6:
0x1e8: {  	v14 =	vld [tilespmem:s29+$0x4450];
	v17 =	vadd.f32 v16, v15;
	(pc) =	sbr.rel @p0 .LBB2_14-.Ltmp6, $4  }
0x1e9: {  	v16 =	vld [tilespmem:s29+$0xC450]  }
0x1ea: {  	v15 =	vld [tilespmem:s29+$0x4460];
	[tilespmem:s26+$0x10600] =	vst v17;
	s26 =	smov.u32 s29  }
0x1eb: {  	v17 =	vld [tilespmem:s26+$0xC460]  }
0x1ec: {  	s28 =	sadd.s32 $0x200, s28;
	v18 =	vld [tilespmem:s26+$0x4470]  }
0x1ed: {  	v19 =	vld [tilespmem:s26+$0xC470];
	_ =	sdelay $0x1  }
0x1ee: {  	v4 =	vmul.f32 v4, v10;
	v5 =	vmul.f32 v6, v5  }
0x1ef: {  	v6 =	vmul.f32 v8, v7;
	v7 =	vmul.f32 v12, v9  }
0x1f0: {  	v24 =	vmul.f32 v13, v11;
	v25 =	vmul.f32 v16, v14  }
0x1f1: {  	v26 =	vmul.f32 v17, v15;
	v27 =	vmul.f32 v19, v18  }
0x1f2: {  	v4 =	vadd.f32 v5, v4;
	v5 =	vadd.f32 v7, v6  }
0x1f3: {  	v6 =	vadd.f32 v25, v24;
	v7 =	vadd.f32 v27, v26;
	_ =	sdelay $0x1  }
0x1f4: {  	v4 =	vadd.f32 v5, v4;
	v5 =	vadd.f32 v7, v6;
	_ =	sdelay $0x1  }
0x1f5: {  	v4 =	vadd.f32 v5, v4;
	_ =	sdelay $0x1  }
0x1f6: {  	[tilespmem:s26+$0x10600] =	vst v4;
	s26 =	simm.s32 $0x10A00  }
0x1f7: {  	v4 =	vld [tilespmem:s26+$0xFFFFFE00]  }
0x1f8: {  	v5 =	vld [tilespmem:s26+$0xFFFFFC00]  }
0x1f9: {  	v6 =	vld [tilespmem:s26+$0x200]  }
0x1fa: {  	v7 =	vld [tilespmem:s26+$0xFFFFFC80]  }
0x1fb: {  	v28 =	vld [tilespmem:s26+$0x80]  }
0x1fc: {  	v29 =	vld [tilespmem:s26+$0xFFFFFD00]  }
0x1fd: {  	v30 =	vld [tilespmem:s26+$0xFFFFFE80]  }
0x1fe: {  	v31 =	vld [tilespmem:s26+$0x100]  }
0x1ff: {  	v34 =	vld [tilespmem:s26+$0xFFFFFF00]  }
0x200: {  	v39 =	vld [tilespmem:s26+$0x280]  }
0x201: {  	v41 =	vld [tilespmem:s26+$0x380];
	v32 =	vperm.xlane v5, v0;
	v33 =	vperm.xlane v4, v0  }
0x202: {  	v43 =	vld [tilespmem:s26+$0x180];
	v35 =	vperm.xlane v6, v0;
	v36 =	vperm.xlane v7, v0  }
0x203: {  	v45 =	vld [tilespmem:s26+$0xFFFFFF80];
	v38 =	vperm.xlane v28, v0;
	v40 =	vperm.xlane v29, v0  }
0x204: {  	v46 =	vld [tilespmem:s26+$0xFFFFFD80];
	v42 =	vperm.xlane v30, v0;
	v44 =	vperm.xlane v31, v0  }
0x205: {  	v48 =	vld [tilespmem:s26+$0x0];
	v20 =	vperm.xlane v34, v0;
	v47 =	vperm.xlane v39, v0  }
0x206: {  	v21 =	vperm.xlane v41, v0;
	v5 =	vadd.f32 v32, v5;
	v4 =	vadd.f32 v33, v4  }
0x207: {  	v49 =	vperm.xlane v43, v0;
	v6 =	vadd.f32 v35, v6;
	v7 =	vadd.f32 v36, v7  }
0x208: {  	v37 =	vld [tilespmem:s26+$0x300];
	v51 =	vperm.xlane v45, v0;
	v8 =	vadd.f32 v38, v28;
	v9 =	vadd.f32 v40, v29  }
0x209: {  	v52 =	vperm.xlane v46, v0;
	v10 =	vadd.f32 v42, v30;
	v11 =	vadd.f32 v44, v31  }
0x20a: {  	v53 =	vperm.xlane v48, v0;
	v13 =	vadd.f32 v47, v39;
	v16 =	vadd.f32 v21, v41  }
0x20b: {  	v14 =	vadd.f32 v20, v34;
	v17 =	vadd.f32 v49, v43;
	v6 =	vperm.xlane v6, v0  }
0x20c: {  	v15 =	vadd.f32 v51, v45;
	v8 =	vperm.xlane v8, v0;
	v11 =	vperm.xlane v11, v0  }
0x20d: {  	v13 =	vperm.xlane v13, v0;
	v4 =	vsel vm2, v4, v6;
	v6 =	vperm.xlane v37, v0  }
0x20e: {  	v12 =	vadd.f32 v52, v46;
	v16 =	vperm.xlane v16, v0;
	v54 =	vperm.xlane v17, v0  }
0x20f: {  	v7 =	vsel vm2, v7, v8;
	v10 =	vsel vm2, v10, v13;
	v6 =	vadd.f32 v6, v37  }
0x210: {  	v15 =	vsel vm2, v15, v16;
	v9 =	vsel vm2, v9, v11;
	v50 =	vperm.xlane v7, v1  }
0x211: {  	v8 =	vadd.f32 v53, v48;
	v55 =	vperm.xlane v10, v1;
	v6 =	vperm.xlane v6, v0  }
0x212: {  	v12 =	vsel vm2, v12, v54;
	v57 =	vperm.xlane v15, v1;
	v58 =	vperm.xlane v4, v1  }
0x213: {  	v59 =	vperm.xlane v9, v1;
	v13 =	vperm.xlane v12, v1;
	v6 =	vsel vm2, v14, v6  }
0x214: {  	v10 =	vadd.f32 v55, v10;
	v11 =	vadd.f32 v57, v15;
	v56 =	vperm.xlane v6, v1  }
0x215: {  	v8 =	vperm.xlane v8, v0;
	v9 =	vadd.f32 v59, v9;
	v4 =	vadd.f32 v58, v4  }
0x216: {  	v12 =	vadd.f32 v13, v12;
	v11 =	vperm.xlane v11, v1;
	v6 =	vadd.f32 v56, v6  }
0x217: {  	v7 =	vadd.f32 v50, v7;
	v5 =	vsel vm2, v5, v8;
	v10 =	vperm.xlane v10, v1  }
0x218: {  	v8 =	vperm.xlane v5, v1;
	v11 =	vsel vm0, v12, v11;
	v6 =	vperm.xlane v6, v1  }
0x219: {  	v4 =	vperm.xlane v4, v1;
	v7 =	vsel vm0, v7, v10;
	v60 =	vperm.xlane v11, v2  }
0x21a: {  	v5 =	vadd.f32 v8, v5;
	v62 =	vperm.xlane v7, v2;
	v6 =	vsel vm0, v9, v6  }
0x21b: {  	v9 =	vadd.f32 v60, v11;
	v61 =	vperm.xlane v6, v2  }
0x21c: {  	v4 =	vsel vm0, v5, v4;
	v5 =	vadd.f32 v62, v7  }
0x21d: {  	v7 =	vperm.xlane v4, v2;
	v63 =	vperm.xlane v9, v2;
	v6 =	vadd.f32 v61, v6;
	_ =	sdelay $0x1  }
0x21e: {  	v4 =	vadd.f32 v7, v4;
	v5 =	vsel vm1, v5, v63;
	v6 =	vperm.xlane v6, v2  }
0x21f: {  	v7 =	vperm.xlane v5, v3  }
0x220: {  	v4 =	vsel vm1, v4, v6  }
0x221: {  	v5 =	vadd.f32 v7, v5;
	v6 =	vperm.xlane v4, v3;
	_ =	sdelay $0x1  }
0x222: {  	s29 =	simm.s32 $0x40;
	v5 =	vperm.xlane v5, v3;
	v4 =	vadd.f32 v6, v4  }
.LBB2_16:
0x223: {  	s28 =	smov.u32 s29  }
0x224: {  	s30 =	sshra.s32 s29, $0x2;
	s26 =	sadd.s32 $0x800, s26;
	v4 =	vsel vm3, v4, v5;
	s28 =	sadd.s32 $0x40, s29  }
0x225: {  	p0 =	sne.s32 s29, $0x1C0;
	[tilespmem:s25+$0x10580] =	vst v4;
	s25 =	smov.u32 s30  }
0x226: {  	v4 =	vld [tilespmem:s26+$0xFFFFFE00]  }
0x227: {  	v5 =	vld [tilespmem:s26+$0xFFFFFC00]  }
0x228: {  	v6 =	vld [tilespmem:s26+$0x200]  }
0x229: {  	v7 =	vld [tilespmem:s26+$0xFFFFFC80]  }
0x22a: {  	v8 =	vld [tilespmem:s26+$0x80]  }
0x22b: {  	v9 =	vld [tilespmem:s26+$0xFFFFFD00]  }
0x22c: {  	v12 =	vperm.xlane v4, v0;
	v10 =	vld [tilespmem:s26+$0xFFFFFE80];
	v11 =	vperm.xlane v5, v0  }
0x22d: {  	v13 =	vld [tilespmem:s26+$0x100];
	v14 =	vperm.xlane v6, v0  }
0x22e: {  	v4 =	vadd.f32 v12, v4;
	v15 =	vld [tilespmem:s26+$0xFFFFFF00];
	v5 =	vadd.f32 v11, v5;
	v11 =	vperm.xlane v7, v0  }
0x22f: {  	v12 =	vld [tilespmem:s26+$0x300];
	v6 =	vadd.f32 v14, v6;
	v14 =	vperm.xlane v8, v0  }
0x230: {  	v16 =	vld [tilespmem:s26+$0x280];
	v17 =	vperm.xlane v9, v0;
	v7 =	vadd.f32 v11, v7  }
0x231: {  	v11 =	vld [tilespmem:s26+$0x380];
	v6 =	vperm.xlane v6, v0;
	v8 =	vadd.f32 v14, v8;
	v14 =	vperm.xlane v10, v0  }
0x232: {  	v18 =	vld [tilespmem:s26+$0x180];
	v9 =	vadd.f32 v17, v9;
	v17 =	vperm.xlane v13, v0  }
0x233: {  	v19 =	vld [tilespmem:s26+$0xFFFFFF80];
	v20 =	vperm.xlane v15, v0;
	v8 =	vperm.xlane v8, v0;
	v10 =	vadd.f32 v14, v10  }
0x234: {  	v4 =	vsel vm2, v4, v6;
	v14 =	vld [tilespmem:s26+$0xFFFFFD80];
	v6 =	vadd.f32 v17, v13;
	v13 =	vperm.xlane v12, v0  }
0x235: {  	v15 =	vadd.f32 v20, v15;
	v7 =	vsel vm2, v7, v8;
	v8 =	vperm.xlane v16, v0  }
0x236: {  	v17 =	vld [tilespmem:s26+$0x0];
	v6 =	vperm.xlane v6, v0;
	v12 =	vadd.f32 v13, v12;
	v13 =	vperm.xlane v11, v0  }
0x237: {  	v20 =	vperm.xlane v7, v1;
	v8 =	vadd.f32 v8, v16;
	v16 =	vperm.xlane v18, v0  }
0x238: {  	v12 =	vperm.xlane v12, v0;
	v21 =	vperm.xlane v19, v0;
	v11 =	vadd.f32 v13, v11  }
0x239: {  	v8 =	vperm.xlane v8, v0;
	v13 =	vperm.xlane v14, v0;
	v16 =	vadd.f32 v16, v18  }
0x23a: {  	v12 =	vsel vm2, v15, v12;
	v15 =	vadd.f32 v21, v19;
	v11 =	vperm.xlane v11, v0  }
0x23b: {  	v18 =	vperm.xlane v17, v0;
	v8 =	vsel vm2, v10, v8;
	v10 =	vperm.xlane v16, v0  }
0x23c: {  	v6 =	vsel vm2, v9, v6;
	v9 =	vsel vm2, v15, v11;
	v11 =	vperm.xlane v8, v1  }
0x23d: {  	v13 =	vadd.f32 v13, v14;
	v14 =	vperm.xlane v12, v1;
	v15 =	vperm.xlane v9, v1  }
0x23e: {  	v19 =	vperm.xlane v6, v1;
	v16 =	vperm.xlane v4, v1;
	v8 =	vadd.f32 v11, v8  }
0x23f: {  	v10 =	vsel vm2, v13, v10;
	v11 =	vadd.f32 v18, v17;
	v9 =	vadd.f32 v15, v9  }
0x240: {  	v6 =	vadd.f32 v19, v6;
	v12 =	vadd.f32 v14, v12;
	v13 =	vperm.xlane v10, v1  }
0x241: {  	v4 =	vadd.f32 v16, v4;
	v11 =	vperm.xlane v11, v0;
	v9 =	vperm.xlane v9, v1  }
0x242: {  	v12 =	vperm.xlane v12, v1;
	v8 =	vperm.xlane v8, v1;
	v10 =	vadd.f32 v13, v10  }
0x243: {  	v7 =	vadd.f32 v20, v7;
	v4 =	vperm.xlane v4, v1;
	v5 =	vsel vm2, v5, v11  }
0x244: {  	v6 =	vsel vm0, v6, v12;
	v11 =	vperm.xlane v5, v1;
	v9 =	vsel vm0, v10, v9  }
0x245: {  	v7 =	vsel vm0, v7, v8;
	v8 =	vperm.xlane v6, v2;
	v10 =	vperm.xlane v9, v2  }
0x246: {  	v5 =	vadd.f32 v11, v5;
	v11 =	vperm.xlane v7, v2  }
0x247: {  	v6 =	vadd.f32 v8, v6;
	v8 =	vadd.f32 v10, v9  }
0x248: {  	v4 =	vsel vm0, v5, v4;
	v5 =	vadd.f32 v11, v7  }
0x249: {  	v7 =	vperm.xlane v4, v2;
	v8 =	vperm.xlane v8, v2;
	_ =	sdelay $0x1  }
0x24a: {  	v6 =	vperm.xlane v6, v2;
	v4 =	vadd.f32 v7, v4;
	v5 =	vsel vm1, v5, v8  }
.Ltmp7:
0x24b: {  	v7 =	vperm.xlane v5, v3;
	(pc) =	sbr.rel @p0 .LBB2_16-.Ltmp7, $3  }
0x24c: {  	v4 =	vsel vm1, v4, v6  }
0x24d: {  	v6 =	vperm.xlane v4, v3;
	v5 =	vadd.f32 v7, v5;
	_ =	sdelay $0x1  }
0x24e: {  	s29 =	smov.u32 s28;
	v4 =	vadd.f32 v6, v4;
	v5 =	vperm.xlane v5, v3  }
0x24f: {  	s24 =	sadd.s32 $0x1, s24  }
0x250: {  	v4 =	vsel vm3, v4, v5;
	p0 =	sne.s32 s24, s8  }
.Ltmp8:
0x251: {  	[tilespmem:s25+$0x10580] =	vst v4;
	(pc) =	sbr.rel @p0 .LBB2_1-.Ltmp8, $4  }
0x252: {  	[hbm4b:s7+s4] =	stream.linear.scatter [tilespmem:s23], [sflag:$0x3], $0x200, $0x38;
	[tilespmem:$0x14600] =	vst v63  }
0x253: {  	_ =	swait.ge [sflag:s9], $0x200  }
0x254: {  	[sflag:s9] =	ssyncset.done $0x0  }
0x255: {  	[sflag:s9] =	ssyncadd.s32 $0xFFFFFE00  }
0x256: {  	_ =	sfence.sel $0x180000  }
0x257: {  	[bflag:$0x0] =	sbarrier.arrive $0xFFFF  }
0x258: {  	p0 =	sne.s32 s3, $0x0;
	_ =	strace $0x90000047  }
0x259: {  	s0 =	sadd.s32 @!p0 $0x100000, s2;
	[bflag:$0x2] =	sbarrier.arrive $0xFFFF  }
0x25a: {  	[sflag:s0] =	ssyncadd.tile.s32 @!p0 $0x1;
	_ =	shalt  }
.Lfunc_end2:
_tile_overlayer_lowered:
.L_overlay_start_2:
0x25b: {  	(tag) =	ssettag $0x2  }
0x25c: {  	s0 =	rddreg [dreg:$0x0];
	s2 =	stileid.u32  }
0x25d: {  	s1 =	rddreg [dreg:$0x1];
	p0 =	sne.s32 s2, $0x0  }
0x25e: {  	s3 =	rddreg [dreg:$0x2];
	[bflag:$0x3] =	sbarrier.arrive $0xFFFF;
	s2 =	simm.s32 @!p0 $0x1C03  }
0x25f: {  	[timem:s3], [sflag:s2] =	dma.local @!p0 [hbm:s0], s1  }
0x260: {  	s0 =	simm.s32 @!p0 $0x3  }
0x261: {  	_ =	swait.ge @!p0 [sflag:s0], s1  }
0x262: {  	s1 =	ssub.s32 @!p0 $0x0, s1;
	[sflag:s0] =	ssyncset.done @!p0 $0x0  }
0x263: {  	[sflag:s0] =	ssyncadd.s32 @!p0 s1  }
0x264: {  	[bflag:$0x3] =	sbarrier.arrive $0xFFFF  }
0x265: {  	_ =	shalt  }

</sc_bundles>
